<compile_context>
chip_gen: v7x
topology: tpu7x:2x2x1
jax: 0.10.2.dev20260603
libtpu: 0.0.44.dev20260713+nightly
codegen_flags: <defaults>
</compile_context>

<pallas_src>
import functools

import jax
import jax.numpy as jnp
from jax import lax
from jax.experimental import pallas as pl
from jax.experimental.pallas import tpu as pltpu
from jax.experimental.pallas import tpu_sc as plsc

BATCH = 16384
NC = 2
NS = 16
NW = NC * NS
BPW = BATCH // NW
CHUNK = 128
NCHUNK = BPW // CHUNK
NGROUP = CHUNK // 16

_GATHER_DNUMS = lax.GatherDimensionNumbers(
    offset_dims=(), collapsed_slice_dims=(0,), start_index_map=(0,))


def _lane_gather(v, ids):
    return lax.gather(v, ids[:, None], _GATHER_DNUMS, (1,),
                      mode=lax.GatherScatterMode.PROMISE_IN_BOUNDS)



def _tp_block(x, b, d):
    w = x.shape[1]
    if d == 64:
        blk = jnp.concatenate([x, b, jnp.ones((1, w), jnp.float32)], axis=0)
    else:
        blk = jnp.concatenate(
            [x, jnp.zeros((64 - d, w), jnp.float32),
             jnp.ones((1, w), jnp.float32), b], axis=0)
    y = jnp.transpose(blk, (1, 0))
    return jnp.concatenate([y, jnp.zeros((w, 128 - y.shape[1]), jnp.float32)],
                           axis=1)


def _make_tp_body(d, w, nmain, extra_off, extra_w, tail_w, rows):
    def body(x_hbm, b_hbm, xt_ref, bt_ref, o_hbm,
             xv0, xv1, bv0, bv1, yv0, yv1,
             ia, ib_, oa, ob):
        def start_in(off, width, xv, bv, sem):
            pltpu.make_async_copy(x_hbm.at[:, pl.ds(off, width)], xv, sem).start()
            pltpu.make_async_copy(b_hbm.at[:, pl.ds(off, width)], bv, sem).start()

        def wait_in(off, width, xv, bv, sem):
            pltpu.make_async_copy(x_hbm.at[:, pl.ds(off, width)], xv, sem).wait()
            pltpu.make_async_copy(b_hbm.at[:, pl.ds(off, width)], bv, sem).wait()

        def out_copy(off, width, yv, sem):
            return pltpu.make_async_copy(
                yv, o_hbm.at[pl.ds(off, width), :], sem)

        start_in(0, w, xv0, bv0, ia)
        nhalf = nmain // 2

        def step(k, _):
            o0 = pl.multiple_of(2 * k * w, 128)
            o1 = pl.multiple_of((2 * k + 1) * w, 128)
            o2 = pl.multiple_of((2 * k + 2) * w, 128)
            start_in(o1, w, xv1, bv1, ib_)
            wait_in(o0, w, xv0, bv0, ia)

            @pl.when(k > 0)
            def _():
                out_copy(0, w, yv0, oa).wait()

            yv0[...] = _tp_block(xv0[...], bv0[...], d)
            out_copy(o0, w, yv0, oa).start()

            @pl.when(k < nhalf - 1)
            def _():
                start_in(o2, w, xv0, bv0, ia)

            wait_in(o1, w, xv1, bv1, ib_)

            @pl.when(k > 0)
            def _():
                out_copy(0, w, yv1, ob).wait()

            yv1[...] = _tp_block(xv1[...], bv1[...], d)
            out_copy(o1, w, yv1, ob).start()
            return 0

        lax.fori_loop(0, nhalf, step, 0)
        out_copy(0, w, yv0, oa).wait()
        out_copy(0, w, yv1, ob).wait()

        if extra_w:
            start_in(extra_off, extra_w, xv0.at[:, pl.ds(0, extra_w)],
                     bv0.at[:, pl.ds(0, extra_w)], ia)
            wait_in(extra_off, extra_w, xv0.at[:, pl.ds(0, extra_w)],
                    bv0.at[:, pl.ds(0, extra_w)], ia)
            yv0[pl.ds(0, extra_w), :] = _tp_block(
                xv0[:, pl.ds(0, extra_w)], bv0[:, pl.ds(0, extra_w)], d)
            cpx = out_copy(extra_off, extra_w, yv0.at[pl.ds(0, extra_w), :], oa)
            cpx.start()
            cpx.wait()
        yv1[pl.ds(0, tail_w), :] = _tp_block(xt_ref[...], bt_ref[...], d)
        cpt = out_copy(rows - tail_w, tail_w, yv1.at[pl.ds(0, tail_w), :], ob)
        cpt.start()
        cpt.wait()

    return body


def _transpose_table(wT, bT, d, rows, w, nmain, extra_off, extra_w, tail_w):
    xt = lax.slice(wT, (0, rows - tail_w), (d, rows))
    bt = lax.slice(bT, (0, rows - tail_w), (1, rows))
    body = _make_tp_body(d, w, nmain, extra_off, extra_w, tail_w, rows)
    return pl.pallas_call(
        body,
        in_specs=[pl.BlockSpec(memory_space=pl.ANY),
                  pl.BlockSpec(memory_space=pl.ANY),
                  pl.BlockSpec(memory_space=pltpu.VMEM),
                  pl.BlockSpec(memory_space=pltpu.VMEM)],
        out_specs=pl.BlockSpec(memory_space=pl.ANY),
        out_shape=jax.ShapeDtypeStruct((rows, 128), jnp.float32),
        scratch_shapes=[pltpu.VMEM((d, w), jnp.float32),
                        pltpu.VMEM((d, w), jnp.float32),
                        pltpu.VMEM((1, w), jnp.float32),
                        pltpu.VMEM((1, w), jnp.float32),
                        pltpu.VMEM((w, 128), jnp.float32),
                        pltpu.VMEM((w, 128), jnp.float32),
                        pltpu.SemaphoreType.DMA,
                        pltpu.SemaphoreType.DMA,
                        pltpu.SemaphoreType.DMA,
                        pltpu.SemaphoreType.DMA],
    )(wT, bT, xt, bt)



def _mf_body(user_hbm, item_hbm, cat_hbm, brand_hbm,
             user_w, item_w, cat_w, brand_w, gbias_hbm,
             y_hbm, l2_hbm,
             uidx_v, iidx_v, cidx_v, bidx_v,
             urows_v, irows_v, crows_v, brows_v,
             gb_v, y_v, l2_v, sem):
    wid = lax.axis_index("s") * NC + lax.axis_index("c")

    pltpu.sync_copy(user_hbm.at[wid], uidx_v)
    pltpu.sync_copy(item_hbm.at[wid], iidx_v)
    pltpu.sync_copy(cat_hbm.at[wid], cidx_v)
    pltpu.sync_copy(brand_hbm.at[wid], bidx_v)
    pltpu.sync_copy(gbias_hbm, gb_v)

    gb = gb_v[...]
    lane = lax.iota(jnp.int32, 16)
    rot_ids = [(lane + sh) % 16 for sh in (8, 4, 2, 1)]
    lane_masks = [lane == j for j in range(16)]

    def chunk_body(c, l2acc_c):
        copies = [pltpu.async_copy(user_w.at[uidx_v.at[c]], urows_v, sem),
                  pltpu.async_copy(item_w.at[iidx_v.at[c]], irows_v, sem),
                  pltpu.async_copy(cat_w.at[cidx_v.at[c]], crows_v, sem),
                  pltpu.async_copy(brand_w.at[bidx_v.at[c]], brows_v, sem)]
        for cp in copies:
            cp.wait()

        def group_body(g, l2acc):
            base = g * 16
            dots = jnp.zeros((16,), jnp.float32)
            for j in range(16):
                e = base + j
                u0 = urows_v[e, pl.ds(0, 16)]
                u1 = urows_v[e, pl.ds(16, 16)]
                u2 = urows_v[e, pl.ds(32, 16)]
                u3 = urows_v[e, pl.ds(48, 16)]
                u4 = urows_v[e, pl.ds(64, 16)]
                v0 = irows_v[e, pl.ds(0, 16)]
                v1 = irows_v[e, pl.ds(16, 16)]
                v4 = irows_v[e, pl.ds(64, 16)]
                v2 = crows_v[e, pl.ds(0, 16)]
                v3 = brows_v[e, pl.ds(0, 16)]
                p = u0 * v0 + u1 * v1 + u2 * v2 + u3 * v3 + u4 * v4
                l2acc = (l2acc + u0 * u0 + u1 * u1 + u2 * u2 + u3 * u3
                         + v0 * v0 + v1 * v1 + v2 * v2 + v3 * v3)
                for ids in rot_ids:
                    p = p + _lane_gather(p, ids)
                dots = jnp.where(lane_masks[j], p, dots)
            y_v[pl.ds(c * CHUNK + base, 16)] = dots + gb
            return l2acc

        return lax.fori_loop(0, NGROUP, group_body, l2acc_c)

    l2_v[...] = lax.fori_loop(0, NCHUNK, chunk_body,
                              jnp.zeros((16,), jnp.float32))

    pltpu.sync_copy(y_v, y_hbm.at[wid])
    pltpu.sync_copy(l2_v, l2_hbm.at[wid])


@jax.jit
def _mf_kernel(user, item, item_cat, item_brand,
               user_emb_w, item_emb_w, cat_emb_w, brand_emb_w,
               user_bias_w, item_bias_w, gbias16):
    user_w = _transpose_table(user_emb_w.T, user_bias_w.T, 64, 1000000,
                              15616, 64, 999424, 512, 64)
    item_w = _transpose_table(item_emb_w.T, item_bias_w.T, 32, 100000,
                              16384, 6, 98304, 1664, 32)
    cat_w = jnp.pad(cat_emb_w, ((0, 0), (0, 112)))
    brand_w = jnp.pad(brand_emb_w, ((0, 0), (0, 112)))

    mesh = plsc.VectorSubcoreMesh(core_axis_name="c", subcore_axis_name="s")
    run = functools.partial(
        pl.kernel,
        mesh=mesh,
        compiler_params=pltpu.CompilerParams(use_tc_tiling_on_sc=True),
        out_type=[
            jax.ShapeDtypeStruct((NW, BPW), jnp.float32),
            jax.ShapeDtypeStruct((NW, 16), jnp.float32),
        ],
        scratch_types=[
            pltpu.VMEM((NCHUNK, CHUNK), jnp.int32),
            pltpu.VMEM((NCHUNK, CHUNK), jnp.int32),
            pltpu.VMEM((NCHUNK, CHUNK), jnp.int32),
            pltpu.VMEM((NCHUNK, CHUNK), jnp.int32),
            pltpu.VMEM((CHUNK, 128), jnp.float32),
            pltpu.VMEM((CHUNK, 128), jnp.float32),
            pltpu.VMEM((CHUNK, 128), jnp.float32),
            pltpu.VMEM((CHUNK, 128), jnp.float32),
            pltpu.VMEM((16,), jnp.float32),
            pltpu.VMEM((BPW,), jnp.float32),
            pltpu.VMEM((16,), jnp.float32),
            pltpu.SemaphoreType.DMA,
        ],
    )(_mf_body)
    return run(user.reshape(NW, NCHUNK, CHUNK),
               item.reshape(NW, NCHUNK, CHUNK),
               item_cat.reshape(NW, NCHUNK, CHUNK),
               item_brand.reshape(NW, NCHUNK, CHUNK),
               user_w, item_w, cat_w, brand_w, gbias16)


def kernel(user, item, item_cat, item_brand, user_emb_w, item_emb_w,
           cat_emb_w, brand_emb_w, user_bias_w, item_bias_w, global_bias):
    gbias16 = jnp.broadcast_to(global_bias.astype(jnp.float32), (16,))
    y, l2p = _mf_kernel(user.astype(jnp.int32), item.astype(jnp.int32),
                        item_cat.astype(jnp.int32), item_brand.astype(jnp.int32),
                        user_emb_w, item_emb_w, cat_emb_w, brand_emb_w,
                        user_bias_w, item_bias_w, gbias16)
    return y.reshape(BATCH), jnp.sum(l2p) / BATCH / 2

# --- scband reference (transcript-rebuilt; emitter-appended) ---
"""Pipeline reference for scband-mfmodel-59940563583420 (READ-ONLY COPY).

The authoritative reference and input builder live on the scoring server;
editing this copy changes nothing except your own understanding.
"""

import jax, jax.numpy as jnp
import numpy as np

USERS_NUM = 1000000
ITEMS_NUM = 100000
CATS_NUM = 1000
BRANDS_NUM = 1000
USER_DIM = 64
ITEM_DIM = 32
CAT_DIM = 16
BRAND_DIM = 16
BATCH = 16384


def _xavier(k, shape):
    a = float(np.sqrt(6.0 / (shape[0] + shape[1])))
    return jax.random.uniform(k, shape, jnp.float32, -a, a)


def setup_inputs(seed: int = 0) -> dict:
    key = jax.random.key(seed)
    ks = jax.random.split(key, 10)
    user = jax.random.randint(ks[0], (BATCH,), 0, USERS_NUM, dtype=jnp.int64 if jax.config.jax_enable_x64 else jnp.int32)
    item = jax.random.randint(ks[1], (BATCH,), 0, ITEMS_NUM, dtype=jnp.int64 if jax.config.jax_enable_x64 else jnp.int32)
    item_cat = jax.random.randint(ks[2], (BATCH,), 0, CATS_NUM, dtype=jnp.int64 if jax.config.jax_enable_x64 else jnp.int32)
    item_brand = jax.random.randint(ks[3], (BATCH,), 0, BRANDS_NUM, dtype=jnp.int64 if jax.config.jax_enable_x64 else jnp.int32)
    user_emb_w = _xavier(ks[4], (USERS_NUM, USER_DIM))
    item_emb_w = _xavier(ks[5], (ITEMS_NUM, ITEM_DIM))
    cat_emb_w = _xavier(ks[6], (CATS_NUM, CAT_DIM))
    brand_emb_w = _xavier(ks[7], (BRANDS_NUM, BRAND_DIM))
    user_bias_w = _xavier(ks[8], (USERS_NUM, 1))
    item_bias_w = _xavier(ks[9], (ITEMS_NUM, 1))
    global_bias = jnp.array(1.0, dtype=jnp.float32)
    return {
        "user": user,
        "item": item,
        "item_cat": item_cat,
        "item_brand": item_brand,
        "user_emb_w": user_emb_w,
        "item_emb_w": item_emb_w,
        "cat_emb_w": cat_emb_w,
        "brand_emb_w": brand_emb_w,
        "user_bias_w": user_bias_w,
        "item_bias_w": item_bias_w,
        "global_bias": global_bias,
    }


def reference(user, item, item_cat, item_brand, user_emb_w, item_emb_w, cat_emb_w, brand_emb_w, user_bias_w, item_bias_w, global_bias):
    user_embedding = jnp.take(user_emb_w, user, axis=0)
    item_embedding = jnp.concatenate(
        (
            jnp.take(item_emb_w, item, axis=0),
            jnp.take(cat_emb_w, item_cat, axis=0),
            jnp.take(brand_emb_w, item_brand, axis=0),
        ),
        axis=1,
    )
    item_bias = jnp.take(item_bias_w, item, axis=0).squeeze()
    user_bias = jnp.take(user_bias_w, user, axis=0).squeeze()
    dot = jnp.sum(user_embedding * item_embedding, axis=1)
    y_ = dot + global_bias + item_bias + user_bias
    L2Loss = jnp.sum(user_embedding ** 2) + jnp.sum(item_embedding ** 2)
    return (y_, L2Loss / user.shape[0] / 2)

if __name__ == "__main__":
    import jax
    _d = setup_inputs()
    print(jax.jit(kernel)(*tuple(_d.values())))

</pallas_src>

<mosaic_0001>
#map = affine_map<(d0, d1) -> (0, 0, 0)>
#map1 = affine_map<(d0, d1) -> (0, 0)>
#map2 = affine_map<(d0, d1) -> (0)>
module attributes {stable_mosaic.version = 14 : i64} {
  func.func @_mf_body(%arg0: i32, %arg1: i32, %arg2: memref<32x4x128xi32, #tpu.memory_space<hbm>>, %arg3: memref<32x4x128xi32, #tpu.memory_space<hbm>>, %arg4: memref<32x4x128xi32, #tpu.memory_space<hbm>>, %arg5: memref<32x4x128xi32, #tpu.memory_space<hbm>>, %arg6: memref<1000000x128xf32, #tpu.memory_space<hbm>>, %arg7: memref<100000x128xf32, #tpu.memory_space<hbm>>, %arg8: memref<1000x128xf32, #tpu.memory_space<hbm>>, %arg9: memref<1000x128xf32, #tpu.memory_space<hbm>>, %arg10: memref<16xf32, #tpu.memory_space<hbm>>, %arg11: memref<32x512xf32, #tpu.memory_space<hbm>>, %arg12: memref<32x16xf32, #tpu.memory_space<hbm>>, %arg13: memref<4x128xi32, #tpu.memory_space<vmem>>, %arg14: memref<4x128xi32, #tpu.memory_space<vmem>>, %arg15: memref<4x128xi32, #tpu.memory_space<vmem>>, %arg16: memref<4x128xi32, #tpu.memory_space<vmem>>, %arg17: memref<128x128xf32, #tpu.memory_space<vmem>>, %arg18: memref<128x128xf32, #tpu.memory_space<vmem>>, %arg19: memref<128x128xf32, #tpu.memory_space<vmem>>, %arg20: memref<128x128xf32, #tpu.memory_space<vmem>>, %arg21: memref<16xf32, #tpu.memory_space<vmem>>, %arg22: memref<512xf32, #tpu.memory_space<vmem>>, %arg23: memref<16xf32, #tpu.memory_space<vmem>>, %arg24: memref<!tpu.dma_semaphore, #tpu.memory_space<semaphore_mem>>) attributes {dimension_semantics = [#tpu.dimension_semantics<core_parallel>, #tpu.dimension_semantics<subcore_parallel>], iteration_bounds = array<i64: 2, 16>, scalar_prefetch = 0 : i64, scratch_operands = 12 : i64, tpu.core_type = #tpu.core_type<sc_vector_subcore>, window_params = [{transform_indices = #map}, {transform_indices = #map}, {transform_indices = #map}, {transform_indices = #map}, {transform_indices = #map1}, {transform_indices = #map1}, {transform_indices = #map1}, {transform_indices = #map1}, {transform_indices = #map2}, {transform_indices = #map1}, {transform_indices = #map1}]} {
    %mul3A = arith.constant 2 : i32
    %mul3A_0 = arith.muli %arg1, %mul3A : i32
    %add3A = arith.addi %mul3A_0, %arg0 : i32
    "tpu.region"() ({
      %run_scoped3A = tpu.sem_alloc : memref<!tpu.dma_semaphore, #tpu.memory_space<semaphore_mem>>
      %dma_start3A = arith.constant 0 : i32
      %dma_start3A_153 = arith.constant 0 : i32
      %dma_start3A_154 = tpu.memref_slice %arg2[%add3A, %dma_start3A, %dma_start3A_153] : memref<32x4x128xi32, #tpu.memory_space<hbm>> -> memref<1x4x128xi32, #tpu.memory_space<hbm>>
      %dma_start3A_155 = tpu.memref_squeeze %dma_start3A_154 : memref<1x4x128xi32, #tpu.memory_space<hbm>> -> memref<4x128xi32, #tpu.memory_space<hbm>>
      %dma_start3A_156 = arith.constant 0 : i32
      %dma_start3A_157 = arith.constant 0 : i32
      %dma_start3A_158 = tpu.memref_slice %arg2[%add3A, %dma_start3A_156, %dma_start3A_157] : memref<32x4x128xi32, #tpu.memory_space<hbm>> -> memref<1x4x128xi32, #tpu.memory_space<hbm>>
      %dma_start3A_159 = tpu.memref_squeeze %dma_start3A_158 : memref<1x4x128xi32, #tpu.memory_space<hbm>> -> memref<4x128xi32, #tpu.memory_space<hbm>>
      tpu.enqueue_dma source(%dma_start3A_159 : memref<4x128xi32, #tpu.memory_space<hbm>>) target(%arg13 : memref<4x128xi32, #tpu.memory_space<vmem>>) target_semaphore(%run_scoped3A : memref<!tpu.dma_semaphore, #tpu.memory_space<semaphore_mem>>)
      %dma_wait3A = arith.constant 0 : i32
      %dma_wait3A_160 = arith.constant 0 : i32
      %dma_wait3A_161 = tpu.memref_slice %arg2[%add3A, %dma_wait3A, %dma_wait3A_160] : memref<32x4x128xi32, #tpu.memory_space<hbm>> -> memref<1x4x128xi32, #tpu.memory_space<hbm>>
      %dma_wait3A_162 = tpu.memref_squeeze %dma_wait3A_161 : memref<1x4x128xi32, #tpu.memory_space<hbm>> -> memref<4x128xi32, #tpu.memory_space<hbm>>
      %dma_wait3A_163 = arith.constant 0 : i32
      %dma_wait3A_164 = arith.constant 0 : i32
      %dma_wait3A_165 = tpu.memref_slice %arg2[%add3A, %dma_wait3A_163, %dma_wait3A_164] : memref<32x4x128xi32, #tpu.memory_space<hbm>> -> memref<1x4x128xi32, #tpu.memory_space<hbm>>
      %dma_wait3A_166 = tpu.memref_squeeze %dma_wait3A_165 : memref<1x4x128xi32, #tpu.memory_space<hbm>> -> memref<4x128xi32, #tpu.memory_space<hbm>>
      tpu.wait_dma2 semaphore(%run_scoped3A : memref<!tpu.dma_semaphore, #tpu.memory_space<semaphore_mem>>) src(%dma_wait3A_166 : memref<4x128xi32, #tpu.memory_space<hbm>>) dst(%arg13 : memref<4x128xi32, #tpu.memory_space<vmem>>)
      tpu.yield
    }) : () -> ()
    "tpu.region"() ({
      %run_scoped3A = tpu.sem_alloc : memref<!tpu.dma_semaphore, #tpu.memory_space<semaphore_mem>>
      %dma_start3A = arith.constant 0 : i32
      %dma_start3A_153 = arith.constant 0 : i32
      %dma_start3A_154 = tpu.memref_slice %arg3[%add3A, %dma_start3A, %dma_start3A_153] : memref<32x4x128xi32, #tpu.memory_space<hbm>> -> memref<1x4x128xi32, #tpu.memory_space<hbm>>
      %dma_start3A_155 = tpu.memref_squeeze %dma_start3A_154 : memref<1x4x128xi32, #tpu.memory_space<hbm>> -> memref<4x128xi32, #tpu.memory_space<hbm>>
      %dma_start3A_156 = arith.constant 0 : i32
      %dma_start3A_157 = arith.constant 0 : i32
      %dma_start3A_158 = tpu.memref_slice %arg3[%add3A, %dma_start3A_156, %dma_start3A_157] : memref<32x4x128xi32, #tpu.memory_space<hbm>> -> memref<1x4x128xi32, #tpu.memory_space<hbm>>
      %dma_start3A_159 = tpu.memref_squeeze %dma_start3A_158 : memref<1x4x128xi32, #tpu.memory_space<hbm>> -> memref<4x128xi32, #tpu.memory_space<hbm>>
      tpu.enqueue_dma source(%dma_start3A_159 : memref<4x128xi32, #tpu.memory_space<hbm>>) target(%arg14 : memref<4x128xi32, #tpu.memory_space<vmem>>) target_semaphore(%run_scoped3A : memref<!tpu.dma_semaphore, #tpu.memory_space<semaphore_mem>>)
      %dma_wait3A = arith.constant 0 : i32
      %dma_wait3A_160 = arith.constant 0 : i32
      %dma_wait3A_161 = tpu.memref_slice %arg3[%add3A, %dma_wait3A, %dma_wait3A_160] : memref<32x4x128xi32, #tpu.memory_space<hbm>> -> memref<1x4x128xi32, #tpu.memory_space<hbm>>
      %dma_wait3A_162 = tpu.memref_squeeze %dma_wait3A_161 : memref<1x4x128xi32, #tpu.memory_space<hbm>> -> memref<4x128xi32, #tpu.memory_space<hbm>>
      %dma_wait3A_163 = arith.constant 0 : i32
      %dma_wait3A_164 = arith.constant 0 : i32
      %dma_wait3A_165 = tpu.memref_slice %arg3[%add3A, %dma_wait3A_163, %dma_wait3A_164] : memref<32x4x128xi32, #tpu.memory_space<hbm>> -> memref<1x4x128xi32, #tpu.memory_space<hbm>>
      %dma_wait3A_166 = tpu.memref_squeeze %dma_wait3A_165 : memref<1x4x128xi32, #tpu.memory_space<hbm>> -> memref<4x128xi32, #tpu.memory_space<hbm>>
      tpu.wait_dma2 semaphore(%run_scoped3A : memref<!tpu.dma_semaphore, #tpu.memory_space<semaphore_mem>>) src(%dma_wait3A_166 : memref<4x128xi32, #tpu.memory_space<hbm>>) dst(%arg14 : memref<4x128xi32, #tpu.memory_space<vmem>>)
      tpu.yield
    }) : () -> ()
    "tpu.region"() ({
      %run_scoped3A = tpu.sem_alloc : memref<!tpu.dma_semaphore, #tpu.memory_space<semaphore_mem>>
      %dma_start3A = arith.constant 0 : i32
      %dma_start3A_153 = arith.constant 0 : i32
      %dma_start3A_154 = tpu.memref_slice %arg4[%add3A, %dma_start3A, %dma_start3A_153] : memref<32x4x128xi32, #tpu.memory_space<hbm>> -> memref<1x4x128xi32, #tpu.memory_space<hbm>>
      %dma_start3A_155 = tpu.memref_squeeze %dma_start3A_154 : memref<1x4x128xi32, #tpu.memory_space<hbm>> -> memref<4x128xi32, #tpu.memory_space<hbm>>
      %dma_start3A_156 = arith.constant 0 : i32
      %dma_start3A_157 = arith.constant 0 : i32
      %dma_start3A_158 = tpu.memref_slice %arg4[%add3A, %dma_start3A_156, %dma_start3A_157] : memref<32x4x128xi32, #tpu.memory_space<hbm>> -> memref<1x4x128xi32, #tpu.memory_space<hbm>>
      %dma_start3A_159 = tpu.memref_squeeze %dma_start3A_158 : memref<1x4x128xi32, #tpu.memory_space<hbm>> -> memref<4x128xi32, #tpu.memory_space<hbm>>
      tpu.enqueue_dma source(%dma_start3A_159 : memref<4x128xi32, #tpu.memory_space<hbm>>) target(%arg15 : memref<4x128xi32, #tpu.memory_space<vmem>>) target_semaphore(%run_scoped3A : memref<!tpu.dma_semaphore, #tpu.memory_space<semaphore_mem>>)
      %dma_wait3A = arith.constant 0 : i32
      %dma_wait3A_160 = arith.constant 0 : i32
      %dma_wait3A_161 = tpu.memref_slice %arg4[%add3A, %dma_wait3A, %dma_wait3A_160] : memref<32x4x128xi32, #tpu.memory_space<hbm>> -> memref<1x4x128xi32, #tpu.memory_space<hbm>>
      %dma_wait3A_162 = tpu.memref_squeeze %dma_wait3A_161 : memref<1x4x128xi32, #tpu.memory_space<hbm>> -> memref<4x128xi32, #tpu.memory_space<hbm>>
      %dma_wait3A_163 = arith.constant 0 : i32
      %dma_wait3A_164 = arith.constant 0 : i32
      %dma_wait3A_165 = tpu.memref_slice %arg4[%add3A, %dma_wait3A_163, %dma_wait3A_164] : memref<32x4x128xi32, #tpu.memory_space<hbm>> -> memref<1x4x128xi32, #tpu.memory_space<hbm>>
      %dma_wait3A_166 = tpu.memref_squeeze %dma_wait3A_165 : memref<1x4x128xi32, #tpu.memory_space<hbm>> -> memref<4x128xi32, #tpu.memory_space<hbm>>
      tpu.wait_dma2 semaphore(%run_scoped3A : memref<!tpu.dma_semaphore, #tpu.memory_space<semaphore_mem>>) src(%dma_wait3A_166 : memref<4x128xi32, #tpu.memory_space<hbm>>) dst(%arg15 : memref<4x128xi32, #tpu.memory_space<vmem>>)
      tpu.yield
    }) : () -> ()
    "tpu.region"() ({
      %run_scoped3A = tpu.sem_alloc : memref<!tpu.dma_semaphore, #tpu.memory_space<semaphore_mem>>
      %dma_start3A = arith.constant 0 : i32
      %dma_start3A_153 = arith.constant 0 : i32
      %dma_start3A_154 = tpu.memref_slice %arg5[%add3A, %dma_start3A, %dma_start3A_153] : memref<32x4x128xi32, #tpu.memory_space<hbm>> -> memref<1x4x128xi32, #tpu.memory_space<hbm>>
      %dma_start3A_155 = tpu.memref_squeeze %dma_start3A_154 : memref<1x4x128xi32, #tpu.memory_space<hbm>> -> memref<4x128xi32, #tpu.memory_space<hbm>>
      %dma_start3A_156 = arith.constant 0 : i32
      %dma_start3A_157 = arith.constant 0 : i32
      %dma_start3A_158 = tpu.memref_slice %arg5[%add3A, %dma_start3A_156, %dma_start3A_157] : memref<32x4x128xi32, #tpu.memory_space<hbm>> -> memref<1x4x128xi32, #tpu.memory_space<hbm>>
      %dma_start3A_159 = tpu.memref_squeeze %dma_start3A_158 : memref<1x4x128xi32, #tpu.memory_space<hbm>> -> memref<4x128xi32, #tpu.memory_space<hbm>>
      tpu.enqueue_dma source(%dma_start3A_159 : memref<4x128xi32, #tpu.memory_space<hbm>>) target(%arg16 : memref<4x128xi32, #tpu.memory_space<vmem>>) target_semaphore(%run_scoped3A : memref<!tpu.dma_semaphore, #tpu.memory_space<semaphore_mem>>)
      %dma_wait3A = arith.constant 0 : i32
      %dma_wait3A_160 = arith.constant 0 : i32
      %dma_wait3A_161 = tpu.memref_slice %arg5[%add3A, %dma_wait3A, %dma_wait3A_160] : memref<32x4x128xi32, #tpu.memory_space<hbm>> -> memref<1x4x128xi32, #tpu.memory_space<hbm>>
      %dma_wait3A_162 = tpu.memref_squeeze %dma_wait3A_161 : memref<1x4x128xi32, #tpu.memory_space<hbm>> -> memref<4x128xi32, #tpu.memory_space<hbm>>
      %dma_wait3A_163 = arith.constant 0 : i32
      %dma_wait3A_164 = arith.constant 0 : i32
      %dma_wait3A_165 = tpu.memref_slice %arg5[%add3A, %dma_wait3A_163, %dma_wait3A_164] : memref<32x4x128xi32, #tpu.memory_space<hbm>> -> memref<1x4x128xi32, #tpu.memory_space<hbm>>
      %dma_wait3A_166 = tpu.memref_squeeze %dma_wait3A_165 : memref<1x4x128xi32, #tpu.memory_space<hbm>> -> memref<4x128xi32, #tpu.memory_space<hbm>>
      tpu.wait_dma2 semaphore(%run_scoped3A : memref<!tpu.dma_semaphore, #tpu.memory_space<semaphore_mem>>) src(%dma_wait3A_166 : memref<4x128xi32, #tpu.memory_space<hbm>>) dst(%arg16 : memref<4x128xi32, #tpu.memory_space<vmem>>)
      tpu.yield
    }) : () -> ()
    "tpu.region"() ({
      %run_scoped3A = tpu.sem_alloc : memref<!tpu.dma_semaphore, #tpu.memory_space<semaphore_mem>>
      tpu.enqueue_dma source(%arg10 : memref<16xf32, #tpu.memory_space<hbm>>) target(%arg21 : memref<16xf32, #tpu.memory_space<vmem>>) target_semaphore(%run_scoped3A : memref<!tpu.dma_semaphore, #tpu.memory_space<semaphore_mem>>)
      tpu.wait_dma2 semaphore(%run_scoped3A : memref<!tpu.dma_semaphore, #tpu.memory_space<semaphore_mem>>) src(%arg10 : memref<16xf32, #tpu.memory_space<hbm>>) dst(%arg21 : memref<16xf32, #tpu.memory_space<vmem>>)
      tpu.yield
    }) : () -> ()
    %get3A = arith.constant 0 : index
    %get3A_1 = tpu.vector_load %arg21[%get3A] {strides = array<i32>} : memref<16xf32, #tpu.memory_space<vmem>>, vector<16xf32>,
    %get3A_2 = vector.shape_cast %get3A_1 : vector<16xf32> to vector<16xf32>
    %iota3A = tpu.iota {dimensions = array<i32: 0>} : vector<16xi32>
    %add3A_3 = arith.constant 8 : i32
    %add3A_4 = vector.broadcast %add3A_3 : i32 to vector<16xi32>
    %add3A_5 = arith.addi %iota3A, %add3A_4 : vector<16xi32>
    %jit3A = arith.constant 16 : i32
    %eq3A = arith.constant 0 : i32
    %eq3A_6 = arith.cmpi eq, %jit3A, %eq3A : i32
    %jit3A_7 = arith.constant 1 : i32
    %select_n3A = arith.select %eq3A_6, %jit3A_7, %jit3A : i32
    %rem3A = vector.broadcast %select_n3A : i32 to vector<16xi32>
    %rem3A_8 = arith.remsi %add3A_5, %rem3A : vector<16xi32>
    %ne3A = arith.constant 0 : i32
    %ne3A_9 = vector.broadcast %ne3A : i32 to vector<16xi32>
    %ne3A_10 = arith.cmpi ne, %rem3A_8, %ne3A_9 : vector<16xi32>
    %lt3A = arith.constant 0 : i32
    %lt3A_11 = vector.broadcast %lt3A : i32 to vector<16xi32>
    %lt3A_12 = arith.cmpi slt, %rem3A_8, %lt3A_11 : vector<16xi32>
    %lt3A_13 = arith.constant 0 : i32
    %lt3A_14 = arith.cmpi slt, %select_n3A, %lt3A_13 : i32
    %ne3A_15 = vector.broadcast %lt3A_14 : i1 to vector<16xi1>
    %ne3A_16 = vector.broadcast %ne3A_15 : vector<16xi1> to vector<16xi1>
    %ne3A_17 = arith.xori %lt3A_12, %ne3A_16 : vector<16xi1>
    %and3A = arith.andi %ne3A_17, %ne3A_10 : vector<16xi1>
    %add3A_18 = vector.broadcast %select_n3A : i32 to vector<16xi32>
    %add3A_19 = arith.addi %rem3A_8, %add3A_18 : vector<16xi32>
    %select_n3A_20 = arith.select %and3A, %add3A_19, %rem3A_8 : vector<16xi1>, vector<16xi32>
    %add3A_21 = arith.constant 4 : i32
    %add3A_22 = vector.broadcast %add3A_21 : i32 to vector<16xi32>
    %add3A_23 = arith.addi %iota3A, %add3A_22 : vector<16xi32>
    %jit3A_24 = arith.constant 16 : i32
    %eq3A_25 = arith.constant 0 : i32
    %eq3A_26 = arith.cmpi eq, %jit3A_24, %eq3A_25 : i32
    %jit3A_27 = arith.constant 1 : i32
    %select_n3A_28 = arith.select %eq3A_26, %jit3A_27, %jit3A_24 : i32
    %rem3A_29 = vector.broadcast %select_n3A_28 : i32 to vector<16xi32>
    %rem3A_30 = arith.remsi %add3A_23, %rem3A_29 : vector<16xi32>
    %ne3A_31 = arith.constant 0 : i32
    %ne3A_32 = vector.broadcast %ne3A_31 : i32 to vector<16xi32>
    %ne3A_33 = arith.cmpi ne, %rem3A_30, %ne3A_32 : vector<16xi32>
    %lt3A_34 = arith.constant 0 : i32
    %lt3A_35 = vector.broadcast %lt3A_34 : i32 to vector<16xi32>
    %lt3A_36 = arith.cmpi slt, %rem3A_30, %lt3A_35 : vector<16xi32>
    %lt3A_37 = arith.constant 0 : i32
    %lt3A_38 = arith.cmpi slt, %select_n3A_28, %lt3A_37 : i32
    %ne3A_39 = vector.broadcast %lt3A_38 : i1 to vector<16xi1>
    %ne3A_40 = vector.broadcast %ne3A_39 : vector<16xi1> to vector<16xi1>
    %ne3A_41 = arith.xori %lt3A_36, %ne3A_40 : vector<16xi1>
    %and3A_42 = arith.andi %ne3A_41, %ne3A_33 : vector<16xi1>
    %add3A_43 = vector.broadcast %select_n3A_28 : i32 to vector<16xi32>
    %add3A_44 = arith.addi %rem3A_30, %add3A_43 : vector<16xi32>
    %select_n3A_45 = arith.select %and3A_42, %add3A_44, %rem3A_30 : vector<16xi1>, vector<16xi32>
    %add3A_46 = arith.constant 2 : i32
    %add3A_47 = vector.broadcast %add3A_46 : i32 to vector<16xi32>
    %add3A_48 = arith.addi %iota3A, %add3A_47 : vector<16xi32>
    %jit3A_49 = arith.constant 16 : i32
    %eq3A_50 = arith.constant 0 : i32
    %eq3A_51 = arith.cmpi eq, %jit3A_49, %eq3A_50 : i32
    %jit3A_52 = arith.constant 1 : i32
    %select_n3A_53 = arith.select %eq3A_51, %jit3A_52, %jit3A_49 : i32
    %rem3A_54 = vector.broadcast %select_n3A_53 : i32 to vector<16xi32>
    %rem3A_55 = arith.remsi %add3A_48, %rem3A_54 : vector<16xi32>
    %ne3A_56 = arith.constant 0 : i32
    %ne3A_57 = vector.broadcast %ne3A_56 : i32 to vector<16xi32>
    %ne3A_58 = arith.cmpi ne, %rem3A_55, %ne3A_57 : vector<16xi32>
    %lt3A_59 = arith.constant 0 : i32
    %lt3A_60 = vector.broadcast %lt3A_59 : i32 to vector<16xi32>
    %lt3A_61 = arith.cmpi slt, %rem3A_55, %lt3A_60 : vector<16xi32>
    %lt3A_62 = arith.constant 0 : i32
    %lt3A_63 = arith.cmpi slt, %select_n3A_53, %lt3A_62 : i32
    %ne3A_64 = vector.broadcast %lt3A_63 : i1 to vector<16xi1>
    %ne3A_65 = vector.broadcast %ne3A_64 : vector<16xi1> to vector<16xi1>
    %ne3A_66 = arith.xori %lt3A_61, %ne3A_65 : vector<16xi1>
    %and3A_67 = arith.andi %ne3A_66, %ne3A_58 : vector<16xi1>
    %add3A_68 = vector.broadcast %select_n3A_53 : i32 to vector<16xi32>
    %add3A_69 = arith.addi %rem3A_55, %add3A_68 : vector<16xi32>
    %select_n3A_70 = arith.select %and3A_67, %add3A_69, %rem3A_55 : vector<16xi1>, vector<16xi32>
    %add3A_71 = arith.constant 1 : i32
    %add3A_72 = vector.broadcast %add3A_71 : i32 to vector<16xi32>
    %add3A_73 = arith.addi %iota3A, %add3A_72 : vector<16xi32>
    %jit3A_74 = arith.constant 16 : i32
    %eq3A_75 = arith.constant 0 : i32
    %eq3A_76 = arith.cmpi eq, %jit3A_74, %eq3A_75 : i32
    %jit3A_77 = arith.constant 1 : i32
    %select_n3A_78 = arith.select %eq3A_76, %jit3A_77, %jit3A_74 : i32
    %rem3A_79 = vector.broadcast %select_n3A_78 : i32 to vector<16xi32>
    %rem3A_80 = arith.remsi %add3A_73, %rem3A_79 : vector<16xi32>
    %ne3A_81 = arith.constant 0 : i32
    %ne3A_82 = vector.broadcast %ne3A_81 : i32 to vector<16xi32>
    %ne3A_83 = arith.cmpi ne, %rem3A_80, %ne3A_82 : vector<16xi32>
    %lt3A_84 = arith.constant 0 : i32
    %lt3A_85 = vector.broadcast %lt3A_84 : i32 to vector<16xi32>
    %lt3A_86 = arith.cmpi slt, %rem3A_80, %lt3A_85 : vector<16xi32>
    %lt3A_87 = arith.constant 0 : i32
    %lt3A_88 = arith.cmpi slt, %select_n3A_78, %lt3A_87 : i32
    %ne3A_89 = vector.broadcast %lt3A_88 : i1 to vector<16xi1>
    %ne3A_90 = vector.broadcast %ne3A_89 : vector<16xi1> to vector<16xi1>
    %ne3A_91 = arith.xori %lt3A_86, %ne3A_90 : vector<16xi1>
    %and3A_92 = arith.andi %ne3A_91, %ne3A_83 : vector<16xi1>
    %add3A_93 = vector.broadcast %select_n3A_78 : i32 to vector<16xi32>
    %add3A_94 = arith.addi %rem3A_80, %add3A_93 : vector<16xi32>
    %select_n3A_95 = arith.select %and3A_92, %add3A_94, %rem3A_80 : vector<16xi1>, vector<16xi32>
    %eq3A_96 = arith.constant 0 : i32
    %eq3A_97 = vector.broadcast %eq3A_96 : i32 to vector<16xi32>
    %eq3A_98 = arith.cmpi eq, %iota3A, %eq3A_97 : vector<16xi32>
    %eq3A_99 = arith.constant 1 : i32
    %eq3A_100 = vector.broadcast %eq3A_99 : i32 to vector<16xi32>
    %eq3A_101 = arith.cmpi eq, %iota3A, %eq3A_100 : vector<16xi32>
    %eq3A_102 = arith.constant 2 : i32
    %eq3A_103 = vector.broadcast %eq3A_102 : i32 to vector<16xi32>
    %eq3A_104 = arith.cmpi eq, %iota3A, %eq3A_103 : vector<16xi32>
    %eq3A_105 = arith.constant 3 : i32
    %eq3A_106 = vector.broadcast %eq3A_105 : i32 to vector<16xi32>
    %eq3A_107 = arith.cmpi eq, %iota3A, %eq3A_106 : vector<16xi32>
    %eq3A_108 = arith.constant 4 : i32
    %eq3A_109 = vector.broadcast %eq3A_108 : i32 to vector<16xi32>
    %eq3A_110 = arith.cmpi eq, %iota3A, %eq3A_109 : vector<16xi32>
    %eq3A_111 = arith.constant 5 : i32
    %eq3A_112 = vector.broadcast %eq3A_111 : i32 to vector<16xi32>
    %eq3A_113 = arith.cmpi eq, %iota3A, %eq3A_112 : vector<16xi32>
    %eq3A_114 = arith.constant 6 : i32
    %eq3A_115 = vector.broadcast %eq3A_114 : i32 to vector<16xi32>
    %eq3A_116 = arith.cmpi eq, %iota3A, %eq3A_115 : vector<16xi32>
    %eq3A_117 = arith.constant 7 : i32
    %eq3A_118 = vector.broadcast %eq3A_117 : i32 to vector<16xi32>
    %eq3A_119 = arith.cmpi eq, %iota3A, %eq3A_118 : vector<16xi32>
    %eq3A_120 = arith.constant 8 : i32
    %eq3A_121 = vector.broadcast %eq3A_120 : i32 to vector<16xi32>
    %eq3A_122 = arith.cmpi eq, %iota3A, %eq3A_121 : vector<16xi32>
    %eq3A_123 = arith.constant 9 : i32
    %eq3A_124 = vector.broadcast %eq3A_123 : i32 to vector<16xi32>
    %eq3A_125 = arith.cmpi eq, %iota3A, %eq3A_124 : vector<16xi32>
    %eq3A_126 = arith.constant 10 : i32
    %eq3A_127 = vector.broadcast %eq3A_126 : i32 to vector<16xi32>
    %eq3A_128 = arith.cmpi eq, %iota3A, %eq3A_127 : vector<16xi32>
    %eq3A_129 = arith.constant 11 : i32
    %eq3A_130 = vector.broadcast %eq3A_129 : i32 to vector<16xi32>
    %eq3A_131 = arith.cmpi eq, %iota3A, %eq3A_130 : vector<16xi32>
    %eq3A_132 = arith.constant 12 : i32
    %eq3A_133 = vector.broadcast %eq3A_132 : i32 to vector<16xi32>
    %eq3A_134 = arith.cmpi eq, %iota3A, %eq3A_133 : vector<16xi32>
    %eq3A_135 = arith.constant 13 : i32
    %eq3A_136 = vector.broadcast %eq3A_135 : i32 to vector<16xi32>
    %eq3A_137 = arith.cmpi eq, %iota3A, %eq3A_136 : vector<16xi32>
    %eq3A_138 = arith.constant 14 : i32
    %eq3A_139 = vector.broadcast %eq3A_138 : i32 to vector<16xi32>
    %eq3A_140 = arith.cmpi eq, %iota3A, %eq3A_139 : vector<16xi32>
    %eq3A_141 = arith.constant 15 : i32
    %eq3A_142 = vector.broadcast %eq3A_141 : i32 to vector<16xi32>
    %eq3A_143 = arith.cmpi eq, %iota3A, %eq3A_142 : vector<16xi32>
    %broadcast_in_dim3A = arith.constant 0.000000e+00 : f32
    %broadcast_in_dim3A_144 = vector.broadcast %broadcast_in_dim3A : f32 to vector<16xf32>
    %scan3A = arith.constant 0 : i32
    %scan3A_145 = arith.constant 4 : i32
    %scan3A_146 = arith.addi %scan3A, %scan3A_145 : i32
    %scan3A_147 = arith.constant 1 : i32
    %scan3A_148 = scf.for %scan3A_153 = %scan3A to %scan3A_146 step %scan3A_147 iter_args(%scan3A_154 = %broadcast_in_dim3A_144) -> (vector<16xf32>)  : i32 {
      %dma_start3A = arith.constant 0 : i32
      %dma_start3A_155 = tpu.memref_slice %arg13[%scan3A_153, %dma_start3A] : memref<4x128xi32, #tpu.memory_space<vmem>> -> memref<1x128xi32, #tpu.memory_space<vmem>>
      %dma_start3A_156 = tpu.memref_squeeze %dma_start3A_155 : memref<1x128xi32, #tpu.memory_space<vmem>> -> memref<128xi32, #tpu.memory_space<vmem>>
      %dma_start3A_157 = arith.constant 0 : i32
      %dma_start3A_158 = arith.constant 0 : i32
      %dma_start3A_159 = tpu.memref_slice %arg6[%dma_start3A_157, %dma_start3A_158] : memref<1000000x128xf32, #tpu.memory_space<hbm>> -> memref<1000000x128xf32, #tpu.memory_space<hbm>>
      tpu.enqueue_indirect_dma source(%dma_start3A_159 : memref<1000000x128xf32, #tpu.memory_space<hbm>>) target(%arg17 : memref<128x128xf32, #tpu.memory_space<vmem>>) offsets(%dma_start3A_156 : memref<128xi32, #tpu.memory_space<vmem>>) semaphore(%arg24 : memref<!tpu.dma_semaphore, #tpu.memory_space<semaphore_mem>>)
      %dma_start3A_160 = arith.constant 0 : i32
      %dma_start3A_161 = tpu.memref_slice %arg14[%scan3A_153, %dma_start3A_160] : memref<4x128xi32, #tpu.memory_space<vmem>> -> memref<1x128xi32, #tpu.memory_space<vmem>>
      %dma_start3A_162 = tpu.memref_squeeze %dma_start3A_161 : memref<1x128xi32, #tpu.memory_space<vmem>> -> memref<128xi32, #tpu.memory_space<vmem>>
      %dma_start3A_163 = arith.constant 0 : i32
      %dma_start3A_164 = arith.constant 0 : i32
      %dma_start3A_165 = tpu.memref_slice %arg7[%dma_start3A_163, %dma_start3A_164] : memref<100000x128xf32, #tpu.memory_space<hbm>> -> memref<100000x128xf32, #tpu.memory_space<hbm>>
      tpu.enqueue_indirect_dma source(%dma_start3A_165 : memref<100000x128xf32, #tpu.memory_space<hbm>>) target(%arg18 : memref<128x128xf32, #tpu.memory_space<vmem>>) offsets(%dma_start3A_162 : memref<128xi32, #tpu.memory_space<vmem>>) semaphore(%arg24 : memref<!tpu.dma_semaphore, #tpu.memory_space<semaphore_mem>>)
      %dma_start3A_166 = arith.constant 0 : i32
      %dma_start3A_167 = tpu.memref_slice %arg15[%scan3A_153, %dma_start3A_166] : memref<4x128xi32, #tpu.memory_space<vmem>> -> memref<1x128xi32, #tpu.memory_space<vmem>>
      %dma_start3A_168 = tpu.memref_squeeze %dma_start3A_167 : memref<1x128xi32, #tpu.memory_space<vmem>> -> memref<128xi32, #tpu.memory_space<vmem>>
      %dma_start3A_169 = arith.constant 0 : i32
      %dma_start3A_170 = arith.constant 0 : i32
      %dma_start3A_171 = tpu.memref_slice %arg8[%dma_start3A_169, %dma_start3A_170] : memref<1000x128xf32, #tpu.memory_space<hbm>> -> memref<1000x128xf32, #tpu.memory_space<hbm>>
      tpu.enqueue_indirect_dma source(%dma_start3A_171 : memref<1000x128xf32, #tpu.memory_space<hbm>>) target(%arg19 : memref<128x128xf32, #tpu.memory_space<vmem>>) offsets(%dma_start3A_168 : memref<128xi32, #tpu.memory_space<vmem>>) semaphore(%arg24 : memref<!tpu.dma_semaphore, #tpu.memory_space<semaphore_mem>>)
      %dma_start3A_172 = arith.constant 0 : i32
      %dma_start3A_173 = tpu.memref_slice %arg16[%scan3A_153, %dma_start3A_172] : memref<4x128xi32, #tpu.memory_space<vmem>> -> memref<1x128xi32, #tpu.memory_space<vmem>>
      %dma_start3A_174 = tpu.memref_squeeze %dma_start3A_173 : memref<1x128xi32, #tpu.memory_space<vmem>> -> memref<128xi32, #tpu.memory_space<vmem>>
      %dma_start3A_175 = arith.constant 0 : i32
      %dma_start3A_176 = arith.constant 0 : i32
      %dma_start3A_177 = tpu.memref_slice %arg9[%dma_start3A_175, %dma_start3A_176] : memref<1000x128xf32, #tpu.memory_space<hbm>> -> memref<1000x128xf32, #tpu.memory_space<hbm>>
      tpu.enqueue_indirect_dma source(%dma_start3A_177 : memref<1000x128xf32, #tpu.memory_space<hbm>>) target(%arg20 : memref<128x128xf32, #tpu.memory_space<vmem>>) offsets(%dma_start3A_174 : memref<128xi32, #tpu.memory_space<vmem>>) semaphore(%arg24 : memref<!tpu.dma_semaphore, #tpu.memory_space<semaphore_mem>>)
      %dma_wait3A = arith.constant 0 : i32
      %dma_wait3A_178 = tpu.memref_slice %arg13[%scan3A_153, %dma_wait3A] : memref<4x128xi32, #tpu.memory_space<vmem>> -> memref<1x128xi32, #tpu.memory_space<vmem>>
      %dma_wait3A_179 = tpu.memref_squeeze %dma_wait3A_178 : memref<1x128xi32, #tpu.memory_space<vmem>> -> memref<128xi32, #tpu.memory_space<vmem>>
      %dma_wait3A_180 = arith.constant 0 : i32
      %dma_wait3A_181 = arith.constant 0 : i32
      %dma_wait3A_182 = tpu.memref_slice %arg6[%dma_wait3A_180, %dma_wait3A_181] : memref<1000000x128xf32, #tpu.memory_space<hbm>> -> memref<1000000x128xf32, #tpu.memory_space<hbm>>
      tpu.wait_indirect_dma semaphore(%arg24 : memref<!tpu.dma_semaphore, #tpu.memory_space<semaphore_mem>>) src(%dma_wait3A_182 : memref<1000000x128xf32, #tpu.memory_space<hbm>>) dst(%arg17 : memref<128x128xf32, #tpu.memory_space<vmem>>)
      %dma_wait3A_183 = arith.constant 0 : i32
      %dma_wait3A_184 = tpu.memref_slice %arg14[%scan3A_153, %dma_wait3A_183] : memref<4x128xi32, #tpu.memory_space<vmem>> -> memref<1x128xi32, #tpu.memory_space<vmem>>
      %dma_wait3A_185 = tpu.memref_squeeze %dma_wait3A_184 : memref<1x128xi32, #tpu.memory_space<vmem>> -> memref<128xi32, #tpu.memory_space<vmem>>
      %dma_wait3A_186 = arith.constant 0 : i32
      %dma_wait3A_187 = arith.constant 0 : i32
      %dma_wait3A_188 = tpu.memref_slice %arg7[%dma_wait3A_186, %dma_wait3A_187] : memref<100000x128xf32, #tpu.memory_space<hbm>> -> memref<100000x128xf32, #tpu.memory_space<hbm>>
      tpu.wait_indirect_dma semaphore(%arg24 : memref<!tpu.dma_semaphore, #tpu.memory_space<semaphore_mem>>) src(%dma_wait3A_188 : memref<100000x128xf32, #tpu.memory_space<hbm>>) dst(%arg18 : memref<128x128xf32, #tpu.memory_space<vmem>>)
      %dma_wait3A_189 = arith.constant 0 : i32
      %dma_wait3A_190 = tpu.memref_slice %arg15[%scan3A_153, %dma_wait3A_189] : memref<4x128xi32, #tpu.memory_space<vmem>> -> memref<1x128xi32, #tpu.memory_space<vmem>>
      %dma_wait3A_191 = tpu.memref_squeeze %dma_wait3A_190 : memref<1x128xi32, #tpu.memory_space<vmem>> -> memref<128xi32, #tpu.memory_space<vmem>>
      %dma_wait3A_192 = arith.constant 0 : i32
      %dma_wait3A_193 = arith.constant 0 : i32
      %dma_wait3A_194 = tpu.memref_slice %arg8[%dma_wait3A_192, %dma_wait3A_193] : memref<1000x128xf32, #tpu.memory_space<hbm>> -> memref<1000x128xf32, #tpu.memory_space<hbm>>
      tpu.wait_indirect_dma semaphore(%arg24 : memref<!tpu.dma_semaphore, #tpu.memory_space<semaphore_mem>>) src(%dma_wait3A_194 : memref<1000x128xf32, #tpu.memory_space<hbm>>) dst(%arg19 : memref<128x128xf32, #tpu.memory_space<vmem>>)
      %dma_wait3A_195 = arith.constant 0 : i32
      %dma_wait3A_196 = tpu.memref_slice %arg16[%scan3A_153, %dma_wait3A_195] : memref<4x128xi32, #tpu.memory_space<vmem>> -> memref<1x128xi32, #tpu.memory_space<vmem>>
      %dma_wait3A_197 = tpu.memref_squeeze %dma_wait3A_196 : memref<1x128xi32, #tpu.memory_space<vmem>> -> memref<128xi32, #tpu.memory_space<vmem>>
      %dma_wait3A_198 = arith.constant 0 : i32
      %dma_wait3A_199 = arith.constant 0 : i32
      %dma_wait3A_200 = tpu.memref_slice %arg9[%dma_wait3A_198, %dma_wait3A_199] : memref<1000x128xf32, #tpu.memory_space<hbm>> -> memref<1000x128xf32, #tpu.memory_space<hbm>>
      tpu.wait_indirect_dma semaphore(%arg24 : memref<!tpu.dma_semaphore, #tpu.memory_space<semaphore_mem>>) src(%dma_wait3A_200 : memref<1000x128xf32, #tpu.memory_space<hbm>>) dst(%arg20 : memref<128x128xf32, #tpu.memory_space<vmem>>)
      %scan3A_201 = arith.constant 0 : i32
      %scan3A_202 = arith.constant 8 : i32
      %scan3A_203 = arith.addi %scan3A_201, %scan3A_202 : i32
      %scan3A_204 = arith.constant 1 : i32
      %scan3A_205 = scf.for %scan3A_207 = %scan3A_201 to %scan3A_203 step %scan3A_204 iter_args(%scan3A_208 = %scan3A_154) -> (vector<16xf32>)  : i32 {
        %mul3A_209 = arith.constant 16 : i32
        %mul3A_210 = arith.muli %scan3A_207, %mul3A_209 : i32
        %broadcast_in_dim3A_211 = arith.constant 0.000000e+00 : f32
        %broadcast_in_dim3A_212 = vector.broadcast %broadcast_in_dim3A_211 : f32 to vector<16xf32>
        %add3A_213 = arith.constant 0 : i32
        %add3A_214 = arith.addi %mul3A_210, %add3A_213 : i32
        %get3A_215 = arith.index_cast %add3A_214 : i32 to index
        %get3A_216 = arith.constant 0 : index
        %get3A_217 = tpu.vector_load %arg17[%get3A_215, %get3A_216] {strides = array<i32>} : memref<128x128xf32, #tpu.memory_space<vmem>>, vector<1x16xf32>,
        %get3A_218 = vector.shape_cast %get3A_217 : vector<1x16xf32> to vector<16xf32>
        %get3A_219 = arith.index_cast %add3A_214 : i32 to index
        %get3A_220 = arith.constant 16 : index
        %get3A_221 = tpu.vector_load %arg17[%get3A_219, %get3A_220] {strides = array<i32>} : memref<128x128xf32, #tpu.memory_space<vmem>>, vector<1x16xf32>,
        %get3A_222 = vector.shape_cast %get3A_221 : vector<1x16xf32> to vector<16xf32>
        %get3A_223 = arith.index_cast %add3A_214 : i32 to index
        %get3A_224 = arith.constant 32 : index
        %get3A_225 = tpu.vector_load %arg17[%get3A_223, %get3A_224] {strides = array<i32>} : memref<128x128xf32, #tpu.memory_space<vmem>>, vector<1x16xf32>,
        %get3A_226 = vector.shape_cast %get3A_225 : vector<1x16xf32> to vector<16xf32>
        %get3A_227 = arith.index_cast %add3A_214 : i32 to index
        %get3A_228 = arith.constant 48 : index
        %get3A_229 = tpu.vector_load %arg17[%get3A_227, %get3A_228] {strides = array<i32>} : memref<128x128xf32, #tpu.memory_space<vmem>>, vector<1x16xf32>,
        %get3A_230 = vector.shape_cast %get3A_229 : vector<1x16xf32> to vector<16xf32>
        %get3A_231 = arith.index_cast %add3A_214 : i32 to index
        %get3A_232 = arith.constant 64 : index
        %get3A_233 = tpu.vector_load %arg17[%get3A_231, %get3A_232] {strides = array<i32>} : memref<128x128xf32, #tpu.memory_space<vmem>>, vector<1x16xf32>,
        %get3A_234 = vector.shape_cast %get3A_233 : vector<1x16xf32> to vector<16xf32>
        %get3A_235 = arith.index_cast %add3A_214 : i32 to index
        %get3A_236 = arith.constant 0 : index
        %get3A_237 = tpu.vector_load %arg18[%get3A_235, %get3A_236] {strides = array<i32>} : memref<128x128xf32, #tpu.memory_space<vmem>>, vector<1x16xf32>,
        %get3A_238 = vector.shape_cast %get3A_237 : vector<1x16xf32> to vector<16xf32>
        %get3A_239 = arith.index_cast %add3A_214 : i32 to index
        %get3A_240 = arith.constant 16 : index
        %get3A_241 = tpu.vector_load %arg18[%get3A_239, %get3A_240] {strides = array<i32>} : memref<128x128xf32, #tpu.memory_space<vmem>>, vector<1x16xf32>,
        %get3A_242 = vector.shape_cast %get3A_241 : vector<1x16xf32> to vector<16xf32>
        %get3A_243 = arith.index_cast %add3A_214 : i32 to index
        %get3A_244 = arith.constant 64 : index
        %get3A_245 = tpu.vector_load %arg18[%get3A_243, %get3A_244] {strides = array<i32>} : memref<128x128xf32, #tpu.memory_space<vmem>>, vector<1x16xf32>,
        %get3A_246 = vector.shape_cast %get3A_245 : vector<1x16xf32> to vector<16xf32>
        %get3A_247 = arith.index_cast %add3A_214 : i32 to index
        %get3A_248 = arith.constant 0 : index
        %get3A_249 = tpu.vector_load %arg19[%get3A_247, %get3A_248] {strides = array<i32>} : memref<128x128xf32, #tpu.memory_space<vmem>>, vector<1x16xf32>,
        %get3A_250 = vector.shape_cast %get3A_249 : vector<1x16xf32> to vector<16xf32>
        %get3A_251 = arith.index_cast %add3A_214 : i32 to index
        %get3A_252 = arith.constant 0 : index
        %get3A_253 = tpu.vector_load %arg20[%get3A_251, %get3A_252] {strides = array<i32>} : memref<128x128xf32, #tpu.memory_space<vmem>>, vector<1x16xf32>,
        %get3A_254 = vector.shape_cast %get3A_253 : vector<1x16xf32> to vector<16xf32>
        %mul3A_255 = arith.mulf %get3A_218, %get3A_238 : vector<16xf32>
        %mul3A_256 = arith.mulf %get3A_222, %get3A_242 : vector<16xf32>
        %add3A_257 = arith.addf %mul3A_255, %mul3A_256 : vector<16xf32>
        %mul3A_258 = arith.mulf %get3A_226, %get3A_250 : vector<16xf32>
        %add3A_259 = arith.addf %add3A_257, %mul3A_258 : vector<16xf32>
        %mul3A_260 = arith.mulf %get3A_230, %get3A_254 : vector<16xf32>
        %add3A_261 = arith.addf %add3A_259, %mul3A_260 : vector<16xf32>
        %mul3A_262 = arith.mulf %get3A_234, %get3A_246 : vector<16xf32>
        %add3A_263 = arith.addf %add3A_261, %mul3A_262 : vector<16xf32>
        %mul3A_264 = arith.mulf %get3A_218, %get3A_218 : vector<16xf32>
        %add3A_265 = arith.addf %scan3A_208, %mul3A_264 : vector<16xf32>
        %mul3A_266 = arith.mulf %get3A_222, %get3A_222 : vector<16xf32>
        %add3A_267 = arith.addf %add3A_265, %mul3A_266 : vector<16xf32>
        %mul3A_268 = arith.mulf %get3A_226, %get3A_226 : vector<16xf32>
        %add3A_269 = arith.addf %add3A_267, %mul3A_268 : vector<16xf32>
        %mul3A_270 = arith.mulf %get3A_230, %get3A_230 : vector<16xf32>
        %add3A_271 = arith.addf %add3A_269, %mul3A_270 : vector<16xf32>
        %mul3A_272 = arith.mulf %get3A_238, %get3A_238 : vector<16xf32>
        %add3A_273 = arith.addf %add3A_271, %mul3A_272 : vector<16xf32>
        %mul3A_274 = arith.mulf %get3A_242, %get3A_242 : vector<16xf32>
        %add3A_275 = arith.addf %add3A_273, %mul3A_274 : vector<16xf32>
        %mul3A_276 = arith.mulf %get3A_250, %get3A_250 : vector<16xf32>
        %add3A_277 = arith.addf %add3A_275, %mul3A_276 : vector<16xf32>
        %mul3A_278 = arith.mulf %get3A_254, %get3A_254 : vector<16xf32>
        %add3A_279 = arith.addf %add3A_277, %mul3A_278 : vector<16xf32>
        %broadcast_in_dim3A_280 = vector.shape_cast %select_n3A_20 : vector<16xi32> to vector<16x1xi32>
        %gather3A = vector.shape_cast %broadcast_in_dim3A_280 : vector<16x1xi32> to vector<16xi32>
        %gather3A_281 = tpu.dynamic_gather %add3A_263[%gather3A] in [0] : vector<16xf32>, vector<16xi32> -> vector<16xf32>
        %add3A_282 = arith.addf %add3A_263, %gather3A_281 : vector<16xf32>
        %broadcast_in_dim3A_283 = vector.shape_cast %select_n3A_45 : vector<16xi32> to vector<16x1xi32>
        %gather3A_284 = vector.shape_cast %broadcast_in_dim3A_283 : vector<16x1xi32> to vector<16xi32>
        %gather3A_285 = tpu.dynamic_gather %add3A_282[%gather3A_284] in [0] : vector<16xf32>, vector<16xi32> -> vector<16xf32>
        %add3A_286 = arith.addf %add3A_282, %gather3A_285 : vector<16xf32>
        %broadcast_in_dim3A_287 = vector.shape_cast %select_n3A_70 : vector<16xi32> to vector<16x1xi32>
        %gather3A_288 = vector.shape_cast %broadcast_in_dim3A_287 : vector<16x1xi32> to vector<16xi32>
        %gather3A_289 = tpu.dynamic_gather %add3A_286[%gather3A_288] in [0] : vector<16xf32>, vector<16xi32> -> vector<16xf32>
        %add3A_290 = arith.addf %add3A_286, %gather3A_289 : vector<16xf32>
        %broadcast_in_dim3A_291 = vector.shape_cast %select_n3A_95 : vector<16xi32> to vector<16x1xi32>
        %gather3A_292 = vector.shape_cast %broadcast_in_dim3A_291 : vector<16x1xi32> to vector<16xi32>
        %gather3A_293 = tpu.dynamic_gather %add3A_290[%gather3A_292] in [0] : vector<16xf32>, vector<16xi32> -> vector<16xf32>
        %add3A_294 = arith.addf %add3A_290, %gather3A_293 : vector<16xf32>
        %select_n3A_295 = arith.select %eq3A_98, %add3A_294, %broadcast_in_dim3A_212 : vector<16xi1>, vector<16xf32>
        %add3A_296 = arith.constant 1 : i32
        %add3A_297 = arith.addi %mul3A_210, %add3A_296 : i32
        %get3A_298 = arith.index_cast %add3A_297 : i32 to index
        %get3A_299 = arith.constant 0 : index
        %get3A_300 = tpu.vector_load %arg17[%get3A_298, %get3A_299] {strides = array<i32>} : memref<128x128xf32, #tpu.memory_space<vmem>>, vector<1x16xf32>,
        %get3A_301 = vector.shape_cast %get3A_300 : vector<1x16xf32> to vector<16xf32>
        %get3A_302 = arith.index_cast %add3A_297 : i32 to index
        %get3A_303 = arith.constant 16 : index
        %get3A_304 = tpu.vector_load %arg17[%get3A_302, %get3A_303] {strides = array<i32>} : memref<128x128xf32, #tpu.memory_space<vmem>>, vector<1x16xf32>,
        %get3A_305 = vector.shape_cast %get3A_304 : vector<1x16xf32> to vector<16xf32>
        %get3A_306 = arith.index_cast %add3A_297 : i32 to index
        %get3A_307 = arith.constant 32 : index
        %get3A_308 = tpu.vector_load %arg17[%get3A_306, %get3A_307] {strides = array<i32>} : memref<128x128xf32, #tpu.memory_space<vmem>>, vector<1x16xf32>,
        %get3A_309 = vector.shape_cast %get3A_308 : vector<1x16xf32> to vector<16xf32>
        %get3A_310 = arith.index_cast %add3A_297 : i32 to index
        %get3A_311 = arith.constant 48 : index
        %get3A_312 = tpu.vector_load %arg17[%get3A_310, %get3A_311] {strides = array<i32>} : memref<128x128xf32, #tpu.memory_space<vmem>>, vector<1x16xf32>,
        %get3A_313 = vector.shape_cast %get3A_312 : vector<1x16xf32> to vector<16xf32>
        %get3A_314 = arith.index_cast %add3A_297 : i32 to index
        %get3A_315 = arith.constant 64 : index
        %get3A_316 = tpu.vector_load %arg17[%get3A_314, %get3A_315] {strides = array<i32>} : memref<128x128xf32, #tpu.memory_space<vmem>>, vector<1x16xf32>,
        %get3A_317 = vector.shape_cast %get3A_316 : vector<1x16xf32> to vector<16xf32>
        %get3A_318 = arith.index_cast %add3A_297 : i32 to index
        %get3A_319 = arith.constant 0 : index
        %get3A_320 = tpu.vector_load %arg18[%get3A_318, %get3A_319] {strides = array<i32>} : memref<128x128xf32, #tpu.memory_space<vmem>>, vector<1x16xf32>,
        %get3A_321 = vector.shape_cast %get3A_320 : vector<1x16xf32> to vector<16xf32>
        %get3A_322 = arith.index_cast %add3A_297 : i32 to index
        %get3A_323 = arith.constant 16 : index
        %get3A_324 = tpu.vector_load %arg18[%get3A_322, %get3A_323] {strides = array<i32>} : memref<128x128xf32, #tpu.memory_space<vmem>>, vector<1x16xf32>,
        %get3A_325 = vector.shape_cast %get3A_324 : vector<1x16xf32> to vector<16xf32>
        %get3A_326 = arith.index_cast %add3A_297 : i32 to index
        %get3A_327 = arith.constant 64 : index
        %get3A_328 = tpu.vector_load %arg18[%get3A_326, %get3A_327] {strides = array<i32>} : memref<128x128xf32, #tpu.memory_space<vmem>>, vector<1x16xf32>,
        %get3A_329 = vector.shape_cast %get3A_328 : vector<1x16xf32> to vector<16xf32>
        %get3A_330 = arith.index_cast %add3A_297 : i32 to index
        %get3A_331 = arith.constant 0 : index
        %get3A_332 = tpu.vector_load %arg19[%get3A_330, %get3A_331] {strides = array<i32>} : memref<128x128xf32, #tpu.memory_space<vmem>>, vector<1x16xf32>,
        %get3A_333 = vector.shape_cast %get3A_332 : vector<1x16xf32> to vector<16xf32>
        %get3A_334 = arith.index_cast %add3A_297 : i32 to index
        %get3A_335 = arith.constant 0 : index
        %get3A_336 = tpu.vector_load %arg20[%get3A_334, %get3A_335] {strides = array<i32>} : memref<128x128xf32, #tpu.memory_space<vmem>>, vector<1x16xf32>,
        %get3A_337 = vector.shape_cast %get3A_336 : vector<1x16xf32> to vector<16xf32>
        %mul3A_338 = arith.mulf %get3A_301, %get3A_321 : vector<16xf32>
        %mul3A_339 = arith.mulf %get3A_305, %get3A_325 : vector<16xf32>
        %add3A_340 = arith.addf %mul3A_338, %mul3A_339 : vector<16xf32>
        %mul3A_341 = arith.mulf %get3A_309, %get3A_333 : vector<16xf32>
        %add3A_342 = arith.addf %add3A_340, %mul3A_341 : vector<16xf32>
        %mul3A_343 = arith.mulf %get3A_313, %get3A_337 : vector<16xf32>
        %add3A_344 = arith.addf %add3A_342, %mul3A_343 : vector<16xf32>
        %mul3A_345 = arith.mulf %get3A_317, %get3A_329 : vector<16xf32>
        %add3A_346 = arith.addf %add3A_344, %mul3A_345 : vector<16xf32>
        %mul3A_347 = arith.mulf %get3A_301, %get3A_301 : vector<16xf32>
        %add3A_348 = arith.addf %add3A_279, %mul3A_347 : vector<16xf32>
        %mul3A_349 = arith.mulf %get3A_305, %get3A_305 : vector<16xf32>
        %add3A_350 = arith.addf %add3A_348, %mul3A_349 : vector<16xf32>
        %mul3A_351 = arith.mulf %get3A_309, %get3A_309 : vector<16xf32>
        %add3A_352 = arith.addf %add3A_350, %mul3A_351 : vector<16xf32>
        %mul3A_353 = arith.mulf %get3A_313, %get3A_313 : vector<16xf32>
        %add3A_354 = arith.addf %add3A_352, %mul3A_353 : vector<16xf32>
        %mul3A_355 = arith.mulf %get3A_321, %get3A_321 : vector<16xf32>
        %add3A_356 = arith.addf %add3A_354, %mul3A_355 : vector<16xf32>
        %mul3A_357 = arith.mulf %get3A_325, %get3A_325 : vector<16xf32>
        %add3A_358 = arith.addf %add3A_356, %mul3A_357 : vector<16xf32>
        %mul3A_359 = arith.mulf %get3A_333, %get3A_333 : vector<16xf32>
        %add3A_360 = arith.addf %add3A_358, %mul3A_359 : vector<16xf32>
        %mul3A_361 = arith.mulf %get3A_337, %get3A_337 : vector<16xf32>
        %add3A_362 = arith.addf %add3A_360, %mul3A_361 : vector<16xf32>
        %broadcast_in_dim3A_363 = vector.shape_cast %select_n3A_20 : vector<16xi32> to vector<16x1xi32>
        %gather3A_364 = vector.shape_cast %broadcast_in_dim3A_363 : vector<16x1xi32> to vector<16xi32>
        %gather3A_365 = tpu.dynamic_gather %add3A_346[%gather3A_364] in [0] : vector<16xf32>, vector<16xi32> -> vector<16xf32>
        %add3A_366 = arith.addf %add3A_346, %gather3A_365 : vector<16xf32>
        %broadcast_in_dim3A_367 = vector.shape_cast %select_n3A_45 : vector<16xi32> to vector<16x1xi32>
        %gather3A_368 = vector.shape_cast %broadcast_in_dim3A_367 : vector<16x1xi32> to vector<16xi32>
        %gather3A_369 = tpu.dynamic_gather %add3A_366[%gather3A_368] in [0] : vector<16xf32>, vector<16xi32> -> vector<16xf32>
        %add3A_370 = arith.addf %add3A_366, %gather3A_369 : vector<16xf32>
        %broadcast_in_dim3A_371 = vector.shape_cast %select_n3A_70 : vector<16xi32> to vector<16x1xi32>
        %gather3A_372 = vector.shape_cast %broadcast_in_dim3A_371 : vector<16x1xi32> to vector<16xi32>
        %gather3A_373 = tpu.dynamic_gather %add3A_370[%gather3A_372] in [0] : vector<16xf32>, vector<16xi32> -> vector<16xf32>
        %add3A_374 = arith.addf %add3A_370, %gather3A_373 : vector<16xf32>
        %broadcast_in_dim3A_375 = vector.shape_cast %select_n3A_95 : vector<16xi32> to vector<16x1xi32>
        %gather3A_376 = vector.shape_cast %broadcast_in_dim3A_375 : vector<16x1xi32> to vector<16xi32>
        %gather3A_377 = tpu.dynamic_gather %add3A_374[%gather3A_376] in [0] : vector<16xf32>, vector<16xi32> -> vector<16xf32>
        %add3A_378 = arith.addf %add3A_374, %gather3A_377 : vector<16xf32>
        %select_n3A_379 = arith.select %eq3A_101, %add3A_378, %select_n3A_295 : vector<16xi1>, vector<16xf32>
        %add3A_380 = arith.constant 2 : i32
        %add3A_381 = arith.addi %mul3A_210, %add3A_380 : i32
        %get3A_382 = arith.index_cast %add3A_381 : i32 to index
        %get3A_383 = arith.constant 0 : index
        %get3A_384 = tpu.vector_load %arg17[%get3A_382, %get3A_383] {strides = array<i32>} : memref<128x128xf32, #tpu.memory_space<vmem>>, vector<1x16xf32>,
        %get3A_385 = vector.shape_cast %get3A_384 : vector<1x16xf32> to vector<16xf32>
        %get3A_386 = arith.index_cast %add3A_381 : i32 to index
        %get3A_387 = arith.constant 16 : index
        %get3A_388 = tpu.vector_load %arg17[%get3A_386, %get3A_387] {strides = array<i32>} : memref<128x128xf32, #tpu.memory_space<vmem>>, vector<1x16xf32>,
        %get3A_389 = vector.shape_cast %get3A_388 : vector<1x16xf32> to vector<16xf32>
        %get3A_390 = arith.index_cast %add3A_381 : i32 to index
        %get3A_391 = arith.constant 32 : index
        %get3A_392 = tpu.vector_load %arg17[%get3A_390, %get3A_391] {strides = array<i32>} : memref<128x128xf32, #tpu.memory_space<vmem>>, vector<1x16xf32>,
        %get3A_393 = vector.shape_cast %get3A_392 : vector<1x16xf32> to vector<16xf32>
        %get3A_394 = arith.index_cast %add3A_381 : i32 to index
        %get3A_395 = arith.constant 48 : index
        %get3A_396 = tpu.vector_load %arg17[%get3A_394, %get3A_395] {strides = array<i32>} : memref<128x128xf32, #tpu.memory_space<vmem>>, vector<1x16xf32>,
        %get3A_397 = vector.shape_cast %get3A_396 : vector<1x16xf32> to vector<16xf32>
        %get3A_398 = arith.index_cast %add3A_381 : i32 to index
        %get3A_399 = arith.constant 64 : index
        %get3A_400 = tpu.vector_load %arg17[%get3A_398, %get3A_399] {strides = array<i32>} : memref<128x128xf32, #tpu.memory_space<vmem>>, vector<1x16xf32>,
        %get3A_401 = vector.shape_cast %get3A_400 : vector<1x16xf32> to vector<16xf32>
        %get3A_402 = arith.index_cast %add3A_381 : i32 to index
        %get3A_403 = arith.constant 0 : index
        %get3A_404 = tpu.vector_load %arg18[%get3A_402, %get3A_403] {strides = array<i32>} : memref<128x128xf32, #tpu.memory_space<vmem>>, vector<1x16xf32>,
        %get3A_405 = vector.shape_cast %get3A_404 : vector<1x16xf32> to vector<16xf32>
        %get3A_406 = arith.index_cast %add3A_381 : i32 to index
        %get3A_407 = arith.constant 16 : index
        %get3A_408 = tpu.vector_load %arg18[%get3A_406, %get3A_407] {strides = array<i32>} : memref<128x128xf32, #tpu.memory_space<vmem>>, vector<1x16xf32>,
        %get3A_409 = vector.shape_cast %get3A_408 : vector<1x16xf32> to vector<16xf32>
        %get3A_410 = arith.index_cast %add3A_381 : i32 to index
        %get3A_411 = arith.constant 64 : index
        %get3A_412 = tpu.vector_load %arg18[%get3A_410, %get3A_411] {strides = array<i32>} : memref<128x128xf32, #tpu.memory_space<vmem>>, vector<1x16xf32>,
        %get3A_413 = vector.shape_cast %get3A_412 : vector<1x16xf32> to vector<16xf32>
        %get3A_414 = arith.index_cast %add3A_381 : i32 to index
        %get3A_415 = arith.constant 0 : index
        %get3A_416 = tpu.vector_load %arg19[%get3A_414, %get3A_415] {strides = array<i32>} : memref<128x128xf32, #tpu.memory_space<vmem>>, vector<1x16xf32>,
        %get3A_417 = vector.shape_cast %get3A_416 : vector<1x16xf32> to vector<16xf32>
        %get3A_418 = arith.index_cast %add3A_381 : i32 to index
        %get3A_419 = arith.constant 0 : index
        %get3A_420 = tpu.vector_load %arg20[%get3A_418, %get3A_419] {strides = array<i32>} : memref<128x128xf32, #tpu.memory_space<vmem>>, vector<1x16xf32>,
        %get3A_421 = vector.shape_cast %get3A_420 : vector<1x16xf32> to vector<16xf32>
        %mul3A_422 = arith.mulf %get3A_385, %get3A_405 : vector<16xf32>
        %mul3A_423 = arith.mulf %get3A_389, %get3A_409 : vector<16xf32>
        %add3A_424 = arith.addf %mul3A_422, %mul3A_423 : vector<16xf32>
        %mul3A_425 = arith.mulf %get3A_393, %get3A_417 : vector<16xf32>
        %add3A_426 = arith.addf %add3A_424, %mul3A_425 : vector<16xf32>
        %mul3A_427 = arith.mulf %get3A_397, %get3A_421 : vector<16xf32>
        %add3A_428 = arith.addf %add3A_426, %mul3A_427 : vector<16xf32>
        %mul3A_429 = arith.mulf %get3A_401, %get3A_413 : vector<16xf32>
        %add3A_430 = arith.addf %add3A_428, %mul3A_429 : vector<16xf32>
        %mul3A_431 = arith.mulf %get3A_385, %get3A_385 : vector<16xf32>
        %add3A_432 = arith.addf %add3A_362, %mul3A_431 : vector<16xf32>
        %mul3A_433 = arith.mulf %get3A_389, %get3A_389 : vector<16xf32>
        %add3A_434 = arith.addf %add3A_432, %mul3A_433 : vector<16xf32>
        %mul3A_435 = arith.mulf %get3A_393, %get3A_393 : vector<16xf32>
        %add3A_436 = arith.addf %add3A_434, %mul3A_435 : vector<16xf32>
        %mul3A_437 = arith.mulf %get3A_397, %get3A_397 : vector<16xf32>
        %add3A_438 = arith.addf %add3A_436, %mul3A_437 : vector<16xf32>
        %mul3A_439 = arith.mulf %get3A_405, %get3A_405 : vector<16xf32>
        %add3A_440 = arith.addf %add3A_438, %mul3A_439 : vector<16xf32>
        %mul3A_441 = arith.mulf %get3A_409, %get3A_409 : vector<16xf32>
        %add3A_442 = arith.addf %add3A_440, %mul3A_441 : vector<16xf32>
        %mul3A_443 = arith.mulf %get3A_417, %get3A_417 : vector<16xf32>
        %add3A_444 = arith.addf %add3A_442, %mul3A_443 : vector<16xf32>
        %mul3A_445 = arith.mulf %get3A_421, %get3A_421 : vector<16xf32>
        %add3A_446 = arith.addf %add3A_444, %mul3A_445 : vector<16xf32>
        %broadcast_in_dim3A_447 = vector.shape_cast %select_n3A_20 : vector<16xi32> to vector<16x1xi32>
        %gather3A_448 = vector.shape_cast %broadcast_in_dim3A_447 : vector<16x1xi32> to vector<16xi32>
        %gather3A_449 = tpu.dynamic_gather %add3A_430[%gather3A_448] in [0] : vector<16xf32>, vector<16xi32> -> vector<16xf32>
        %add3A_450 = arith.addf %add3A_430, %gather3A_449 : vector<16xf32>
        %broadcast_in_dim3A_451 = vector.shape_cast %select_n3A_45 : vector<16xi32> to vector<16x1xi32>
        %gather3A_452 = vector.shape_cast %broadcast_in_dim3A_451 : vector<16x1xi32> to vector<16xi32>
        %gather3A_453 = tpu.dynamic_gather %add3A_450[%gather3A_452] in [0] : vector<16xf32>, vector<16xi32> -> vector<16xf32>
        %add3A_454 = arith.addf %add3A_450, %gather3A_453 : vector<16xf32>
        %broadcast_in_dim3A_455 = vector.shape_cast %select_n3A_70 : vector<16xi32> to vector<16x1xi32>
        %gather3A_456 = vector.shape_cast %broadcast_in_dim3A_455 : vector<16x1xi32> to vector<16xi32>
        %gather3A_457 = tpu.dynamic_gather %add3A_454[%gather3A_456] in [0] : vector<16xf32>, vector<16xi32> -> vector<16xf32>
        %add3A_458 = arith.addf %add3A_454, %gather3A_457 : vector<16xf32>
        %broadcast_in_dim3A_459 = vector.shape_cast %select_n3A_95 : vector<16xi32> to vector<16x1xi32>
        %gather3A_460 = vector.shape_cast %broadcast_in_dim3A_459 : vector<16x1xi32> to vector<16xi32>
        %gather3A_461 = tpu.dynamic_gather %add3A_458[%gather3A_460] in [0] : vector<16xf32>, vector<16xi32> -> vector<16xf32>
        %add3A_462 = arith.addf %add3A_458, %gather3A_461 : vector<16xf32>
        %select_n3A_463 = arith.select %eq3A_104, %add3A_462, %select_n3A_379 : vector<16xi1>, vector<16xf32>
        %add3A_464 = arith.constant 3 : i32
        %add3A_465 = arith.addi %mul3A_210, %add3A_464 : i32
        %get3A_466 = arith.index_cast %add3A_465 : i32 to index
        %get3A_467 = arith.constant 0 : index
        %get3A_468 = tpu.vector_load %arg17[%get3A_466, %get3A_467] {strides = array<i32>} : memref<128x128xf32, #tpu.memory_space<vmem>>, vector<1x16xf32>,
        %get3A_469 = vector.shape_cast %get3A_468 : vector<1x16xf32> to vector<16xf32>
        %get3A_470 = arith.index_cast %add3A_465 : i32 to index
        %get3A_471 = arith.constant 16 : index
        %get3A_472 = tpu.vector_load %arg17[%get3A_470, %get3A_471] {strides = array<i32>} : memref<128x128xf32, #tpu.memory_space<vmem>>, vector<1x16xf32>,
        %get3A_473 = vector.shape_cast %get3A_472 : vector<1x16xf32> to vector<16xf32>
        %get3A_474 = arith.index_cast %add3A_465 : i32 to index
        %get3A_475 = arith.constant 32 : index
        %get3A_476 = tpu.vector_load %arg17[%get3A_474, %get3A_475] {strides = array<i32>} : memref<128x128xf32, #tpu.memory_space<vmem>>, vector<1x16xf32>,
        %get3A_477 = vector.shape_cast %get3A_476 : vector<1x16xf32> to vector<16xf32>
        %get3A_478 = arith.index_cast %add3A_465 : i32 to index
        %get3A_479 = arith.constant 48 : index
        %get3A_480 = tpu.vector_load %arg17[%get3A_478, %get3A_479] {strides = array<i32>} : memref<128x128xf32, #tpu.memory_space<vmem>>, vector<1x16xf32>,
        %get3A_481 = vector.shape_cast %get3A_480 : vector<1x16xf32> to vector<16xf32>
        %get3A_482 = arith.index_cast %add3A_465 : i32 to index
        %get3A_483 = arith.constant 64 : index
        %get3A_484 = tpu.vector_load %arg17[%get3A_482, %get3A_483] {strides = array<i32>} : memref<128x128xf32, #tpu.memory_space<vmem>>, vector<1x16xf32>,
        %get3A_485 = vector.shape_cast %get3A_484 : vector<1x16xf32> to vector<16xf32>
        %get3A_486 = arith.index_cast %add3A_465 : i32 to index
        %get3A_487 = arith.constant 0 : index
        %get3A_488 = tpu.vector_load %arg18[%get3A_486, %get3A_487] {strides = array<i32>} : memref<128x128xf32, #tpu.memory_space<vmem>>, vector<1x16xf32>,
        %get3A_489 = vector.shape_cast %get3A_488 : vector<1x16xf32> to vector<16xf32>
        %get3A_490 = arith.index_cast %add3A_465 : i32 to index
        %get3A_491 = arith.constant 16 : index
        %get3A_492 = tpu.vector_load %arg18[%get3A_490, %get3A_491] {strides = array<i32>} : memref<128x128xf32, #tpu.memory_space<vmem>>, vector<1x16xf32>,
        %get3A_493 = vector.shape_cast %get3A_492 : vector<1x16xf32> to vector<16xf32>
        %get3A_494 = arith.index_cast %add3A_465 : i32 to index
        %get3A_495 = arith.constant 64 : index
        %get3A_496 = tpu.vector_load %arg18[%get3A_494, %get3A_495] {strides = array<i32>} : memref<128x128xf32, #tpu.memory_space<vmem>>, vector<1x16xf32>,
        %get3A_497 = vector.shape_cast %get3A_496 : vector<1x16xf32> to vector<16xf32>
        %get3A_498 = arith.index_cast %add3A_465 : i32 to index
        %get3A_499 = arith.constant 0 : index
        %get3A_500 = tpu.vector_load %arg19[%get3A_498, %get3A_499] {strides = array<i32>} : memref<128x128xf32, #tpu.memory_space<vmem>>, vector<1x16xf32>,
        %get3A_501 = vector.shape_cast %get3A_500 : vector<1x16xf32> to vector<16xf32>
        %get3A_502 = arith.index_cast %add3A_465 : i32 to index
        %get3A_503 = arith.constant 0 : index
        %get3A_504 = tpu.vector_load %arg20[%get3A_502, %get3A_503] {strides = array<i32>} : memref<128x128xf32, #tpu.memory_space<vmem>>, vector<1x16xf32>,
        %get3A_505 = vector.shape_cast %get3A_504 : vector<1x16xf32> to vector<16xf32>
        %mul3A_506 = arith.mulf %get3A_469, %get3A_489 : vector<16xf32>
        %mul3A_507 = arith.mulf %get3A_473, %get3A_493 : vector<16xf32>
        %add3A_508 = arith.addf %mul3A_506, %mul3A_507 : vector<16xf32>
        %mul3A_509 = arith.mulf %get3A_477, %get3A_501 : vector<16xf32>
        %add3A_510 = arith.addf %add3A_508, %mul3A_509 : vector<16xf32>
        %mul3A_511 = arith.mulf %get3A_481, %get3A_505 : vector<16xf32>
        %add3A_512 = arith.addf %add3A_510, %mul3A_511 : vector<16xf32>
        %mul3A_513 = arith.mulf %get3A_485, %get3A_497 : vector<16xf32>
        %add3A_514 = arith.addf %add3A_512, %mul3A_513 : vector<16xf32>
        %mul3A_515 = arith.mulf %get3A_469, %get3A_469 : vector<16xf32>
        %add3A_516 = arith.addf %add3A_446, %mul3A_515 : vector<16xf32>
        %mul3A_517 = arith.mulf %get3A_473, %get3A_473 : vector<16xf32>
        %add3A_518 = arith.addf %add3A_516, %mul3A_517 : vector<16xf32>
        %mul3A_519 = arith.mulf %get3A_477, %get3A_477 : vector<16xf32>
        %add3A_520 = arith.addf %add3A_518, %mul3A_519 : vector<16xf32>
        %mul3A_521 = arith.mulf %get3A_481, %get3A_481 : vector<16xf32>
        %add3A_522 = arith.addf %add3A_520, %mul3A_521 : vector<16xf32>
        %mul3A_523 = arith.mulf %get3A_489, %get3A_489 : vector<16xf32>
        %add3A_524 = arith.addf %add3A_522, %mul3A_523 : vector<16xf32>
        %mul3A_525 = arith.mulf %get3A_493, %get3A_493 : vector<16xf32>
        %add3A_526 = arith.addf %add3A_524, %mul3A_525 : vector<16xf32>
        %mul3A_527 = arith.mulf %get3A_501, %get3A_501 : vector<16xf32>
        %add3A_528 = arith.addf %add3A_526, %mul3A_527 : vector<16xf32>
        %mul3A_529 = arith.mulf %get3A_505, %get3A_505 : vector<16xf32>
        %add3A_530 = arith.addf %add3A_528, %mul3A_529 : vector<16xf32>
        %broadcast_in_dim3A_531 = vector.shape_cast %select_n3A_20 : vector<16xi32> to vector<16x1xi32>
        %gather3A_532 = vector.shape_cast %broadcast_in_dim3A_531 : vector<16x1xi32> to vector<16xi32>
        %gather3A_533 = tpu.dynamic_gather %add3A_514[%gather3A_532] in [0] : vector<16xf32>, vector<16xi32> -> vector<16xf32>
        %add3A_534 = arith.addf %add3A_514, %gather3A_533 : vector<16xf32>
        %broadcast_in_dim3A_535 = vector.shape_cast %select_n3A_45 : vector<16xi32> to vector<16x1xi32>
        %gather3A_536 = vector.shape_cast %broadcast_in_dim3A_535 : vector<16x1xi32> to vector<16xi32>
        %gather3A_537 = tpu.dynamic_gather %add3A_534[%gather3A_536] in [0] : vector<16xf32>, vector<16xi32> -> vector<16xf32>
        %add3A_538 = arith.addf %add3A_534, %gather3A_537 : vector<16xf32>
        %broadcast_in_dim3A_539 = vector.shape_cast %select_n3A_70 : vector<16xi32> to vector<16x1xi32>
        %gather3A_540 = vector.shape_cast %broadcast_in_dim3A_539 : vector<16x1xi32> to vector<16xi32>
        %gather3A_541 = tpu.dynamic_gather %add3A_538[%gather3A_540] in [0] : vector<16xf32>, vector<16xi32> -> vector<16xf32>
        %add3A_542 = arith.addf %add3A_538, %gather3A_541 : vector<16xf32>
        %broadcast_in_dim3A_543 = vector.shape_cast %select_n3A_95 : vector<16xi32> to vector<16x1xi32>
        %gather3A_544 = vector.shape_cast %broadcast_in_dim3A_543 : vector<16x1xi32> to vector<16xi32>
        %gather3A_545 = tpu.dynamic_gather %add3A_542[%gather3A_544] in [0] : vector<16xf32>, vector<16xi32> -> vector<16xf32>
        %add3A_546 = arith.addf %add3A_542, %gather3A_545 : vector<16xf32>
        %select_n3A_547 = arith.select %eq3A_107, %add3A_546, %select_n3A_463 : vector<16xi1>, vector<16xf32>
        %add3A_548 = arith.constant 4 : i32
        %add3A_549 = arith.addi %mul3A_210, %add3A_548 : i32
        %get3A_550 = arith.index_cast %add3A_549 : i32 to index
        %get3A_551 = arith.constant 0 : index
        %get3A_552 = tpu.vector_load %arg17[%get3A_550, %get3A_551] {strides = array<i32>} : memref<128x128xf32, #tpu.memory_space<vmem>>, vector<1x16xf32>,
        %get3A_553 = vector.shape_cast %get3A_552 : vector<1x16xf32> to vector<16xf32>
        %get3A_554 = arith.index_cast %add3A_549 : i32 to index
        %get3A_555 = arith.constant 16 : index
        %get3A_556 = tpu.vector_load %arg17[%get3A_554, %get3A_555] {strides = array<i32>} : memref<128x128xf32, #tpu.memory_space<vmem>>, vector<1x16xf32>,
        %get3A_557 = vector.shape_cast %get3A_556 : vector<1x16xf32> to vector<16xf32>
        %get3A_558 = arith.index_cast %add3A_549 : i32 to index
        %get3A_559 = arith.constant 32 : index
        %get3A_560 = tpu.vector_load %arg17[%get3A_558, %get3A_559] {strides = array<i32>} : memref<128x128xf32, #tpu.memory_space<vmem>>, vector<1x16xf32>,
        %get3A_561 = vector.shape_cast %get3A_560 : vector<1x16xf32> to vector<16xf32>
        %get3A_562 = arith.index_cast %add3A_549 : i32 to index
        %get3A_563 = arith.constant 48 : index
        %get3A_564 = tpu.vector_load %arg17[%get3A_562, %get3A_563] {strides = array<i32>} : memref<128x128xf32, #tpu.memory_space<vmem>>, vector<1x16xf32>,
        %get3A_565 = vector.shape_cast %get3A_564 : vector<1x16xf32> to vector<16xf32>
        %get3A_566 = arith.index_cast %add3A_549 : i32 to index
        %get3A_567 = arith.constant 64 : index
        %get3A_568 = tpu.vector_load %arg17[%get3A_566, %get3A_567] {strides = array<i32>} : memref<128x128xf32, #tpu.memory_space<vmem>>, vector<1x16xf32>,
        %get3A_569 = vector.shape_cast %get3A_568 : vector<1x16xf32> to vector<16xf32>
        %get3A_570 = arith.index_cast %add3A_549 : i32 to index
        %get3A_571 = arith.constant 0 : index
        %get3A_572 = tpu.vector_load %arg18[%get3A_570, %get3A_571] {strides = array<i32>} : memref<128x128xf32, #tpu.memory_space<vmem>>, vector<1x16xf32>,
        %get3A_573 = vector.shape_cast %get3A_572 : vector<1x16xf32> to vector<16xf32>
        %get3A_574 = arith.index_cast %add3A_549 : i32 to index
        %get3A_575 = arith.constant 16 : index
        %get3A_576 = tpu.vector_load %arg18[%get3A_574, %get3A_575] {strides = array<i32>} : memref<128x128xf32, #tpu.memory_space<vmem>>, vector<1x16xf32>,
        %get3A_577 = vector.shape_cast %get3A_576 : vector<1x16xf32> to vector<16xf32>
        %get3A_578 = arith.index_cast %add3A_549 : i32 to index
        %get3A_579 = arith.constant 64 : index
        %get3A_580 = tpu.vector_load %arg18[%get3A_578, %get3A_579] {strides = array<i32>} : memref<128x128xf32, #tpu.memory_space<vmem>>, vector<1x16xf32>,
        %get3A_581 = vector.shape_cast %get3A_580 : vector<1x16xf32> to vector<16xf32>
        %get3A_582 = arith.index_cast %add3A_549 : i32 to index
        %get3A_583 = arith.constant 0 : index
        %get3A_584 = tpu.vector_load %arg19[%get3A_582, %get3A_583] {strides = array<i32>} : memref<128x128xf32, #tpu.memory_space<vmem>>, vector<1x16xf32>,
        %get3A_585 = vector.shape_cast %get3A_584 : vector<1x16xf32> to vector<16xf32>
        %get3A_586 = arith.index_cast %add3A_549 : i32 to index
        %get3A_587 = arith.constant 0 : index
        %get3A_588 = tpu.vector_load %arg20[%get3A_586, %get3A_587] {strides = array<i32>} : memref<128x128xf32, #tpu.memory_space<vmem>>, vector<1x16xf32>,
        %get3A_589 = vector.shape_cast %get3A_588 : vector<1x16xf32> to vector<16xf32>
        %mul3A_590 = arith.mulf %get3A_553, %get3A_573 : vector<16xf32>
        %mul3A_591 = arith.mulf %get3A_557, %get3A_577 : vector<16xf32>
        %add3A_592 = arith.addf %mul3A_590, %mul3A_591 : vector<16xf32>
        %mul3A_593 = arith.mulf %get3A_561, %get3A_585 : vector<16xf32>
        %add3A_594 = arith.addf %add3A_592, %mul3A_593 : vector<16xf32>
        %mul3A_595 = arith.mulf %get3A_565, %get3A_589 : vector<16xf32>
        %add3A_596 = arith.addf %add3A_594, %mul3A_595 : vector<16xf32>
        %mul3A_597 = arith.mulf %get3A_569, %get3A_581 : vector<16xf32>
        %add3A_598 = arith.addf %add3A_596, %mul3A_597 : vector<16xf32>
        %mul3A_599 = arith.mulf %get3A_553, %get3A_553 : vector<16xf32>
        %add3A_600 = arith.addf %add3A_530, %mul3A_599 : vector<16xf32>
        %mul3A_601 = arith.mulf %get3A_557, %get3A_557 : vector<16xf32>
        %add3A_602 = arith.addf %add3A_600, %mul3A_601 : vector<16xf32>
        %mul3A_603 = arith.mulf %get3A_561, %get3A_561 : vector<16xf32>
        %add3A_604 = arith.addf %add3A_602, %mul3A_603 : vector<16xf32>
        %mul3A_605 = arith.mulf %get3A_565, %get3A_565 : vector<16xf32>
        %add3A_606 = arith.addf %add3A_604, %mul3A_605 : vector<16xf32>
        %mul3A_607 = arith.mulf %get3A_573, %get3A_573 : vector<16xf32>
        %add3A_608 = arith.addf %add3A_606, %mul3A_607 : vector<16xf32>
        %mul3A_609 = arith.mulf %get3A_577, %get3A_577 : vector<16xf32>
        %add3A_610 = arith.addf %add3A_608, %mul3A_609 : vector<16xf32>
        %mul3A_611 = arith.mulf %get3A_585, %get3A_585 : vector<16xf32>
        %add3A_612 = arith.addf %add3A_610, %mul3A_611 : vector<16xf32>
        %mul3A_613 = arith.mulf %get3A_589, %get3A_589 : vector<16xf32>
        %add3A_614 = arith.addf %add3A_612, %mul3A_613 : vector<16xf32>
        %broadcast_in_dim3A_615 = vector.shape_cast %select_n3A_20 : vector<16xi32> to vector<16x1xi32>
        %gather3A_616 = vector.shape_cast %broadcast_in_dim3A_615 : vector<16x1xi32> to vector<16xi32>
        %gather3A_617 = tpu.dynamic_gather %add3A_598[%gather3A_616] in [0] : vector<16xf32>, vector<16xi32> -> vector<16xf32>
        %add3A_618 = arith.addf %add3A_598, %gather3A_617 : vector<16xf32>
        %broadcast_in_dim3A_619 = vector.shape_cast %select_n3A_45 : vector<16xi32> to vector<16x1xi32>
        %gather3A_620 = vector.shape_cast %broadcast_in_dim3A_619 : vector<16x1xi32> to vector<16xi32>
        %gather3A_621 = tpu.dynamic_gather %add3A_618[%gather3A_620] in [0] : vector<16xf32>, vector<16xi32> -> vector<16xf32>
        %add3A_622 = arith.addf %add3A_618, %gather3A_621 : vector<16xf32>
        %broadcast_in_dim3A_623 = vector.shape_cast %select_n3A_70 : vector<16xi32> to vector<16x1xi32>
        %gather3A_624 = vector.shape_cast %broadcast_in_dim3A_623 : vector<16x1xi32> to vector<16xi32>
        %gather3A_625 = tpu.dynamic_gather %add3A_622[%gather3A_624] in [0] : vector<16xf32>, vector<16xi32> -> vector<16xf32>
        %add3A_626 = arith.addf %add3A_622, %gather3A_625 : vector<16xf32>
        %broadcast_in_dim3A_627 = vector.shape_cast %select_n3A_95 : vector<16xi32> to vector<16x1xi32>
        %gather3A_628 = vector.shape_cast %broadcast_in_dim3A_627 : vector<16x1xi32> to vector<16xi32>
        %gather3A_629 = tpu.dynamic_gather %add3A_626[%gather3A_628] in [0] : vector<16xf32>, vector<16xi32> -> vector<16xf32>
        %add3A_630 = arith.addf %add3A_626, %gather3A_629 : vector<16xf32>
        %select_n3A_631 = arith.select %eq3A_110, %add3A_630, %select_n3A_547 : vector<16xi1>, vector<16xf32>
        %add3A_632 = arith.constant 5 : i32
        %add3A_633 = arith.addi %mul3A_210, %add3A_632 : i32
        %get3A_634 = arith.index_cast %add3A_633 : i32 to index
        %get3A_635 = arith.constant 0 : index
        %get3A_636 = tpu.vector_load %arg17[%get3A_634, %get3A_635] {strides = array<i32>} : memref<128x128xf32, #tpu.memory_space<vmem>>, vector<1x16xf32>,
        %get3A_637 = vector.shape_cast %get3A_636 : vector<1x16xf32> to vector<16xf32>
        %get3A_638 = arith.index_cast %add3A_633 : i32 to index
        %get3A_639 = arith.constant 16 : index
        %get3A_640 = tpu.vector_load %arg17[%get3A_638, %get3A_639] {strides = array<i32>} : memref<128x128xf32, #tpu.memory_space<vmem>>, vector<1x16xf32>,
        %get3A_641 = vector.shape_cast %get3A_640 : vector<1x16xf32> to vector<16xf32>
        %get3A_642 = arith.index_cast %add3A_633 : i32 to index
        %get3A_643 = arith.constant 32 : index
        %get3A_644 = tpu.vector_load %arg17[%get3A_642, %get3A_643] {strides = array<i32>} : memref<128x128xf32, #tpu.memory_space<vmem>>, vector<1x16xf32>,
        %get3A_645 = vector.shape_cast %get3A_644 : vector<1x16xf32> to vector<16xf32>
        %get3A_646 = arith.index_cast %add3A_633 : i32 to index
        %get3A_647 = arith.constant 48 : index
        %get3A_648 = tpu.vector_load %arg17[%get3A_646, %get3A_647] {strides = array<i32>} : memref<128x128xf32, #tpu.memory_space<vmem>>, vector<1x16xf32>,
        %get3A_649 = vector.shape_cast %get3A_648 : vector<1x16xf32> to vector<16xf32>
        %get3A_650 = arith.index_cast %add3A_633 : i32 to index
        %get3A_651 = arith.constant 64 : index
        %get3A_652 = tpu.vector_load %arg17[%get3A_650, %get3A_651] {strides = array<i32>} : memref<128x128xf32, #tpu.memory_space<vmem>>, vector<1x16xf32>,
        %get3A_653 = vector.shape_cast %get3A_652 : vector<1x16xf32> to vector<16xf32>
        %get3A_654 = arith.index_cast %add3A_633 : i32 to index
        %get3A_655 = arith.constant 0 : index
        %get3A_656 = tpu.vector_load %arg18[%get3A_654, %get3A_655] {strides = array<i32>} : memref<128x128xf32, #tpu.memory_space<vmem>>, vector<1x16xf32>,
        %get3A_657 = vector.shape_cast %get3A_656 : vector<1x16xf32> to vector<16xf32>
        %get3A_658 = arith.index_cast %add3A_633 : i32 to index
        %get3A_659 = arith.constant 16 : index
        %get3A_660 = tpu.vector_load %arg18[%get3A_658, %get3A_659] {strides = array<i32>} : memref<128x128xf32, #tpu.memory_space<vmem>>, vector<1x16xf32>,
        %get3A_661 = vector.shape_cast %get3A_660 : vector<1x16xf32> to vector<16xf32>
        %get3A_662 = arith.index_cast %add3A_633 : i32 to index
        %get3A_663 = arith.constant 64 : index
        %get3A_664 = tpu.vector_load %arg18[%get3A_662, %get3A_663] {strides = array<i32>} : memref<128x128xf32, #tpu.memory_space<vmem>>, vector<1x16xf32>,
        %get3A_665 = vector.shape_cast %get3A_664 : vector<1x16xf32> to vector<16xf32>
        %get3A_666 = arith.index_cast %add3A_633 : i32 to index
        %get3A_667 = arith.constant 0 : index
        %get3A_668 = tpu.vector_load %arg19[%get3A_666, %get3A_667] {strides = array<i32>} : memref<128x128xf32, #tpu.memory_space<vmem>>, vector<1x16xf32>,
        %get3A_669 = vector.shape_cast %get3A_668 : vector<1x16xf32> to vector<16xf32>
        %get3A_670 = arith.index_cast %add3A_633 : i32 to index
        %get3A_671 = arith.constant 0 : index
        %get3A_672 = tpu.vector_load %arg20[%get3A_670, %get3A_671] {strides = array<i32>} : memref<128x128xf32, #tpu.memory_space<vmem>>, vector<1x16xf32>,
        %get3A_673 = vector.shape_cast %get3A_672 : vector<1x16xf32> to vector<16xf32>
        %mul3A_674 = arith.mulf %get3A_637, %get3A_657 : vector<16xf32>
        %mul3A_675 = arith.mulf %get3A_641, %get3A_661 : vector<16xf32>
        %add3A_676 = arith.addf %mul3A_674, %mul3A_675 : vector<16xf32>
        %mul3A_677 = arith.mulf %get3A_645, %get3A_669 : vector<16xf32>
        %add3A_678 = arith.addf %add3A_676, %mul3A_677 : vector<16xf32>
        %mul3A_679 = arith.mulf %get3A_649, %get3A_673 : vector<16xf32>
        %add3A_680 = arith.addf %add3A_678, %mul3A_679 : vector<16xf32>
        %mul3A_681 = arith.mulf %get3A_653, %get3A_665 : vector<16xf32>
        %add3A_682 = arith.addf %add3A_680, %mul3A_681 : vector<16xf32>
        %mul3A_683 = arith.mulf %get3A_637, %get3A_637 : vector<16xf32>
        %add3A_684 = arith.addf %add3A_614, %mul3A_683 : vector<16xf32>
        %mul3A_685 = arith.mulf %get3A_641, %get3A_641 : vector<16xf32>
        %add3A_686 = arith.addf %add3A_684, %mul3A_685 : vector<16xf32>
        %mul3A_687 = arith.mulf %get3A_645, %get3A_645 : vector<16xf32>
        %add3A_688 = arith.addf %add3A_686, %mul3A_687 : vector<16xf32>
        %mul3A_689 = arith.mulf %get3A_649, %get3A_649 : vector<16xf32>
        %add3A_690 = arith.addf %add3A_688, %mul3A_689 : vector<16xf32>
        %mul3A_691 = arith.mulf %get3A_657, %get3A_657 : vector<16xf32>
        %add3A_692 = arith.addf %add3A_690, %mul3A_691 : vector<16xf32>
        %mul3A_693 = arith.mulf %get3A_661, %get3A_661 : vector<16xf32>
        %add3A_694 = arith.addf %add3A_692, %mul3A_693 : vector<16xf32>
        %mul3A_695 = arith.mulf %get3A_669, %get3A_669 : vector<16xf32>
        %add3A_696 = arith.addf %add3A_694, %mul3A_695 : vector<16xf32>
        %mul3A_697 = arith.mulf %get3A_673, %get3A_673 : vector<16xf32>
        %add3A_698 = arith.addf %add3A_696, %mul3A_697 : vector<16xf32>
        %broadcast_in_dim3A_699 = vector.shape_cast %select_n3A_20 : vector<16xi32> to vector<16x1xi32>
        %gather3A_700 = vector.shape_cast %broadcast_in_dim3A_699 : vector<16x1xi32> to vector<16xi32>
        %gather3A_701 = tpu.dynamic_gather %add3A_682[%gather3A_700] in [0] : vector<16xf32>, vector<16xi32> -> vector<16xf32>
        %add3A_702 = arith.addf %add3A_682, %gather3A_701 : vector<16xf32>
        %broadcast_in_dim3A_703 = vector.shape_cast %select_n3A_45 : vector<16xi32> to vector<16x1xi32>
        %gather3A_704 = vector.shape_cast %broadcast_in_dim3A_703 : vector<16x1xi32> to vector<16xi32>
        %gather3A_705 = tpu.dynamic_gather %add3A_702[%gather3A_704] in [0] : vector<16xf32>, vector<16xi32> -> vector<16xf32>
        %add3A_706 = arith.addf %add3A_702, %gather3A_705 : vector<16xf32>
        %broadcast_in_dim3A_707 = vector.shape_cast %select_n3A_70 : vector<16xi32> to vector<16x1xi32>
        %gather3A_708 = vector.shape_cast %broadcast_in_dim3A_707 : vector<16x1xi32> to vector<16xi32>
        %gather3A_709 = tpu.dynamic_gather %add3A_706[%gather3A_708] in [0] : vector<16xf32>, vector<16xi32> -> vector<16xf32>
        %add3A_710 = arith.addf %add3A_706, %gather3A_709 : vector<16xf32>
        %broadcast_in_dim3A_711 = vector.shape_cast %select_n3A_95 : vector<16xi32> to vector<16x1xi32>
        %gather3A_712 = vector.shape_cast %broadcast_in_dim3A_711 : vector<16x1xi32> to vector<16xi32>
        %gather3A_713 = tpu.dynamic_gather %add3A_710[%gather3A_712] in [0] : vector<16xf32>, vector<16xi32> -> vector<16xf32>
        %add3A_714 = arith.addf %add3A_710, %gather3A_713 : vector<16xf32>
        %select_n3A_715 = arith.select %eq3A_113, %add3A_714, %select_n3A_631 : vector<16xi1>, vector<16xf32>
        %add3A_716 = arith.constant 6 : i32
        %add3A_717 = arith.addi %mul3A_210, %add3A_716 : i32
        %get3A_718 = arith.index_cast %add3A_717 : i32 to index
        %get3A_719 = arith.constant 0 : index
        %get3A_720 = tpu.vector_load %arg17[%get3A_718, %get3A_719] {strides = array<i32>} : memref<128x128xf32, #tpu.memory_space<vmem>>, vector<1x16xf32>,
        %get3A_721 = vector.shape_cast %get3A_720 : vector<1x16xf32> to vector<16xf32>
        %get3A_722 = arith.index_cast %add3A_717 : i32 to index
        %get3A_723 = arith.constant 16 : index
        %get3A_724 = tpu.vector_load %arg17[%get3A_722, %get3A_723] {strides = array<i32>} : memref<128x128xf32, #tpu.memory_space<vmem>>, vector<1x16xf32>,
        %get3A_725 = vector.shape_cast %get3A_724 : vector<1x16xf32> to vector<16xf32>
        %get3A_726 = arith.index_cast %add3A_717 : i32 to index
        %get3A_727 = arith.constant 32 : index
        %get3A_728 = tpu.vector_load %arg17[%get3A_726, %get3A_727] {strides = array<i32>} : memref<128x128xf32, #tpu.memory_space<vmem>>, vector<1x16xf32>,
        %get3A_729 = vector.shape_cast %get3A_728 : vector<1x16xf32> to vector<16xf32>
        %get3A_730 = arith.index_cast %add3A_717 : i32 to index
        %get3A_731 = arith.constant 48 : index
        %get3A_732 = tpu.vector_load %arg17[%get3A_730, %get3A_731] {strides = array<i32>} : memref<128x128xf32, #tpu.memory_space<vmem>>, vector<1x16xf32>,
        %get3A_733 = vector.shape_cast %get3A_732 : vector<1x16xf32> to vector<16xf32>
        %get3A_734 = arith.index_cast %add3A_717 : i32 to index
        %get3A_735 = arith.constant 64 : index
        %get3A_736 = tpu.vector_load %arg17[%get3A_734, %get3A_735] {strides = array<i32>} : memref<128x128xf32, #tpu.memory_space<vmem>>, vector<1x16xf32>,
        %get3A_737 = vector.shape_cast %get3A_736 : vector<1x16xf32> to vector<16xf32>
        %get3A_738 = arith.index_cast %add3A_717 : i32 to index
        %get3A_739 = arith.constant 0 : index
        %get3A_740 = tpu.vector_load %arg18[%get3A_738, %get3A_739] {strides = array<i32>} : memref<128x128xf32, #tpu.memory_space<vmem>>, vector<1x16xf32>,
        %get3A_741 = vector.shape_cast %get3A_740 : vector<1x16xf32> to vector<16xf32>
        %get3A_742 = arith.index_cast %add3A_717 : i32 to index
        %get3A_743 = arith.constant 16 : index
        %get3A_744 = tpu.vector_load %arg18[%get3A_742, %get3A_743] {strides = array<i32>} : memref<128x128xf32, #tpu.memory_space<vmem>>, vector<1x16xf32>,
        %get3A_745 = vector.shape_cast %get3A_744 : vector<1x16xf32> to vector<16xf32>
        %get3A_746 = arith.index_cast %add3A_717 : i32 to index
        %get3A_747 = arith.constant 64 : index
        %get3A_748 = tpu.vector_load %arg18[%get3A_746, %get3A_747] {strides = array<i32>} : memref<128x128xf32, #tpu.memory_space<vmem>>, vector<1x16xf32>,
        %get3A_749 = vector.shape_cast %get3A_748 : vector<1x16xf32> to vector<16xf32>
        %get3A_750 = arith.index_cast %add3A_717 : i32 to index
        %get3A_751 = arith.constant 0 : index
        %get3A_752 = tpu.vector_load %arg19[%get3A_750, %get3A_751] {strides = array<i32>} : memref<128x128xf32, #tpu.memory_space<vmem>>, vector<1x16xf32>,
        %get3A_753 = vector.shape_cast %get3A_752 : vector<1x16xf32> to vector<16xf32>
        %get3A_754 = arith.index_cast %add3A_717 : i32 to index
        %get3A_755 = arith.constant 0 : index
        %get3A_756 = tpu.vector_load %arg20[%get3A_754, %get3A_755] {strides = array<i32>} : memref<128x128xf32, #tpu.memory_space<vmem>>, vector<1x16xf32>,
        %get3A_757 = vector.shape_cast %get3A_756 : vector<1x16xf32> to vector<16xf32>
        %mul3A_758 = arith.mulf %get3A_721, %get3A_741 : vector<16xf32>
        %mul3A_759 = arith.mulf %get3A_725, %get3A_745 : vector<16xf32>
        %add3A_760 = arith.addf %mul3A_758, %mul3A_759 : vector<16xf32>
        %mul3A_761 = arith.mulf %get3A_729, %get3A_753 : vector<16xf32>
        %add3A_762 = arith.addf %add3A_760, %mul3A_761 : vector<16xf32>
        %mul3A_763 = arith.mulf %get3A_733, %get3A_757 : vector<16xf32>
        %add3A_764 = arith.addf %add3A_762, %mul3A_763 : vector<16xf32>
        %mul3A_765 = arith.mulf %get3A_737, %get3A_749 : vector<16xf32>
        %add3A_766 = arith.addf %add3A_764, %mul3A_765 : vector<16xf32>
        %mul3A_767 = arith.mulf %get3A_721, %get3A_721 : vector<16xf32>
        %add3A_768 = arith.addf %add3A_698, %mul3A_767 : vector<16xf32>
        %mul3A_769 = arith.mulf %get3A_725, %get3A_725 : vector<16xf32>
        %add3A_770 = arith.addf %add3A_768, %mul3A_769 : vector<16xf32>
        %mul3A_771 = arith.mulf %get3A_729, %get3A_729 : vector<16xf32>
        %add3A_772 = arith.addf %add3A_770, %mul3A_771 : vector<16xf32>
        %mul3A_773 = arith.mulf %get3A_733, %get3A_733 : vector<16xf32>
        %add3A_774 = arith.addf %add3A_772, %mul3A_773 : vector<16xf32>
        %mul3A_775 = arith.mulf %get3A_741, %get3A_741 : vector<16xf32>
        %add3A_776 = arith.addf %add3A_774, %mul3A_775 : vector<16xf32>
        %mul3A_777 = arith.mulf %get3A_745, %get3A_745 : vector<16xf32>
        %add3A_778 = arith.addf %add3A_776, %mul3A_777 : vector<16xf32>
        %mul3A_779 = arith.mulf %get3A_753, %get3A_753 : vector<16xf32>
        %add3A_780 = arith.addf %add3A_778, %mul3A_779 : vector<16xf32>
        %mul3A_781 = arith.mulf %get3A_757, %get3A_757 : vector<16xf32>
        %add3A_782 = arith.addf %add3A_780, %mul3A_781 : vector<16xf32>
        %broadcast_in_dim3A_783 = vector.shape_cast %select_n3A_20 : vector<16xi32> to vector<16x1xi32>
        %gather3A_784 = vector.shape_cast %broadcast_in_dim3A_783 : vector<16x1xi32> to vector<16xi32>
        %gather3A_785 = tpu.dynamic_gather %add3A_766[%gather3A_784] in [0] : vector<16xf32>, vector<16xi32> -> vector<16xf32>
        %add3A_786 = arith.addf %add3A_766, %gather3A_785 : vector<16xf32>
        %broadcast_in_dim3A_787 = vector.shape_cast %select_n3A_45 : vector<16xi32> to vector<16x1xi32>
        %gather3A_788 = vector.shape_cast %broadcast_in_dim3A_787 : vector<16x1xi32> to vector<16xi32>
        %gather3A_789 = tpu.dynamic_gather %add3A_786[%gather3A_788] in [0] : vector<16xf32>, vector<16xi32> -> vector<16xf32>
        %add3A_790 = arith.addf %add3A_786, %gather3A_789 : vector<16xf32>
        %broadcast_in_dim3A_791 = vector.shape_cast %select_n3A_70 : vector<16xi32> to vector<16x1xi32>
        %gather3A_792 = vector.shape_cast %broadcast_in_dim3A_791 : vector<16x1xi32> to vector<16xi32>
        %gather3A_793 = tpu.dynamic_gather %add3A_790[%gather3A_792] in [0] : vector<16xf32>, vector<16xi32> -> vector<16xf32>
        %add3A_794 = arith.addf %add3A_790, %gather3A_793 : vector<16xf32>
        %broadcast_in_dim3A_795 = vector.shape_cast %select_n3A_95 : vector<16xi32> to vector<16x1xi32>
        %gather3A_796 = vector.shape_cast %broadcast_in_dim3A_795 : vector<16x1xi32> to vector<16xi32>
        %gather3A_797 = tpu.dynamic_gather %add3A_794[%gather3A_796] in [0] : vector<16xf32>, vector<16xi32> -> vector<16xf32>
        %add3A_798 = arith.addf %add3A_794, %gather3A_797 : vector<16xf32>
        %select_n3A_799 = arith.select %eq3A_116, %add3A_798, %select_n3A_715 : vector<16xi1>, vector<16xf32>
        %add3A_800 = arith.constant 7 : i32
        %add3A_801 = arith.addi %mul3A_210, %add3A_800 : i32
        %get3A_802 = arith.index_cast %add3A_801 : i32 to index
        %get3A_803 = arith.constant 0 : index
        %get3A_804 = tpu.vector_load %arg17[%get3A_802, %get3A_803] {strides = array<i32>} : memref<128x128xf32, #tpu.memory_space<vmem>>, vector<1x16xf32>,
        %get3A_805 = vector.shape_cast %get3A_804 : vector<1x16xf32> to vector<16xf32>
        %get3A_806 = arith.index_cast %add3A_801 : i32 to index
        %get3A_807 = arith.constant 16 : index
        %get3A_808 = tpu.vector_load %arg17[%get3A_806, %get3A_807] {strides = array<i32>} : memref<128x128xf32, #tpu.memory_space<vmem>>, vector<1x16xf32>,
        %get3A_809 = vector.shape_cast %get3A_808 : vector<1x16xf32> to vector<16xf32>
        %get3A_810 = arith.index_cast %add3A_801 : i32 to index
        %get3A_811 = arith.constant 32 : index
        %get3A_812 = tpu.vector_load %arg17[%get3A_810, %get3A_811] {strides = array<i32>} : memref<128x128xf32, #tpu.memory_space<vmem>>, vector<1x16xf32>,
        %get3A_813 = vector.shape_cast %get3A_812 : vector<1x16xf32> to vector<16xf32>
        %get3A_814 = arith.index_cast %add3A_801 : i32 to index
        %get3A_815 = arith.constant 48 : index
        %get3A_816 = tpu.vector_load %arg17[%get3A_814, %get3A_815] {strides = array<i32>} : memref<128x128xf32, #tpu.memory_space<vmem>>, vector<1x16xf32>,
        %get3A_817 = vector.shape_cast %get3A_816 : vector<1x16xf32> to vector<16xf32>
        %get3A_818 = arith.index_cast %add3A_801 : i32 to index
        %get3A_819 = arith.constant 64 : index
        %get3A_820 = tpu.vector_load %arg17[%get3A_818, %get3A_819] {strides = array<i32>} : memref<128x128xf32, #tpu.memory_space<vmem>>, vector<1x16xf32>,
        %get3A_821 = vector.shape_cast %get3A_820 : vector<1x16xf32> to vector<16xf32>
        %get3A_822 = arith.index_cast %add3A_801 : i32 to index
        %get3A_823 = arith.constant 0 : index
        %get3A_824 = tpu.vector_load %arg18[%get3A_822, %get3A_823] {strides = array<i32>} : memref<128x128xf32, #tpu.memory_space<vmem>>, vector<1x16xf32>,
        %get3A_825 = vector.shape_cast %get3A_824 : vector<1x16xf32> to vector<16xf32>
        %get3A_826 = arith.index_cast %add3A_801 : i32 to index
        %get3A_827 = arith.constant 16 : index
        %get3A_828 = tpu.vector_load %arg18[%get3A_826, %get3A_827] {strides = array<i32>} : memref<128x128xf32, #tpu.memory_space<vmem>>, vector<1x16xf32>,
        %get3A_829 = vector.shape_cast %get3A_828 : vector<1x16xf32> to vector<16xf32>
        %get3A_830 = arith.index_cast %add3A_801 : i32 to index
        %get3A_831 = arith.constant 64 : index
        %get3A_832 = tpu.vector_load %arg18[%get3A_830, %get3A_831] {strides = array<i32>} : memref<128x128xf32, #tpu.memory_space<vmem>>, vector<1x16xf32>,
        %get3A_833 = vector.shape_cast %get3A_832 : vector<1x16xf32> to vector<16xf32>
        %get3A_834 = arith.index_cast %add3A_801 : i32 to index
        %get3A_835 = arith.constant 0 : index
        %get3A_836 = tpu.vector_load %arg19[%get3A_834, %get3A_835] {strides = array<i32>} : memref<128x128xf32, #tpu.memory_space<vmem>>, vector<1x16xf32>,
        %get3A_837 = vector.shape_cast %get3A_836 : vector<1x16xf32> to vector<16xf32>
        %get3A_838 = arith.index_cast %add3A_801 : i32 to index
        %get3A_839 = arith.constant 0 : index
        %get3A_840 = tpu.vector_load %arg20[%get3A_838, %get3A_839] {strides = array<i32>} : memref<128x128xf32, #tpu.memory_space<vmem>>, vector<1x16xf32>,
        %get3A_841 = vector.shape_cast %get3A_840 : vector<1x16xf32> to vector<16xf32>
        %mul3A_842 = arith.mulf %get3A_805, %get3A_825 : vector<16xf32>
        %mul3A_843 = arith.mulf %get3A_809, %get3A_829 : vector<16xf32>
        %add3A_844 = arith.addf %mul3A_842, %mul3A_843 : vector<16xf32>
        %mul3A_845 = arith.mulf %get3A_813, %get3A_837 : vector<16xf32>
        %add3A_846 = arith.addf %add3A_844, %mul3A_845 : vector<16xf32>
        %mul3A_847 = arith.mulf %get3A_817, %get3A_841 : vector<16xf32>
        %add3A_848 = arith.addf %add3A_846, %mul3A_847 : vector<16xf32>
        %mul3A_849 = arith.mulf %get3A_821, %get3A_833 : vector<16xf32>
        %add3A_850 = arith.addf %add3A_848, %mul3A_849 : vector<16xf32>
        %mul3A_851 = arith.mulf %get3A_805, %get3A_805 : vector<16xf32>
        %add3A_852 = arith.addf %add3A_782, %mul3A_851 : vector<16xf32>
        %mul3A_853 = arith.mulf %get3A_809, %get3A_809 : vector<16xf32>
        %add3A_854 = arith.addf %add3A_852, %mul3A_853 : vector<16xf32>
        %mul3A_855 = arith.mulf %get3A_813, %get3A_813 : vector<16xf32>
        %add3A_856 = arith.addf %add3A_854, %mul3A_855 : vector<16xf32>
        %mul3A_857 = arith.mulf %get3A_817, %get3A_817 : vector<16xf32>
        %add3A_858 = arith.addf %add3A_856, %mul3A_857 : vector<16xf32>
        %mul3A_859 = arith.mulf %get3A_825, %get3A_825 : vector<16xf32>
        %add3A_860 = arith.addf %add3A_858, %mul3A_859 : vector<16xf32>
        %mul3A_861 = arith.mulf %get3A_829, %get3A_829 : vector<16xf32>
        %add3A_862 = arith.addf %add3A_860, %mul3A_861 : vector<16xf32>
        %mul3A_863 = arith.mulf %get3A_837, %get3A_837 : vector<16xf32>
        %add3A_864 = arith.addf %add3A_862, %mul3A_863 : vector<16xf32>
        %mul3A_865 = arith.mulf %get3A_841, %get3A_841 : vector<16xf32>
        %add3A_866 = arith.addf %add3A_864, %mul3A_865 : vector<16xf32>
        %broadcast_in_dim3A_867 = vector.shape_cast %select_n3A_20 : vector<16xi32> to vector<16x1xi32>
        %gather3A_868 = vector.shape_cast %broadcast_in_dim3A_867 : vector<16x1xi32> to vector<16xi32>
        %gather3A_869 = tpu.dynamic_gather %add3A_850[%gather3A_868] in [0] : vector<16xf32>, vector<16xi32> -> vector<16xf32>
        %add3A_870 = arith.addf %add3A_850, %gather3A_869 : vector<16xf32>
        %broadcast_in_dim3A_871 = vector.shape_cast %select_n3A_45 : vector<16xi32> to vector<16x1xi32>
        %gather3A_872 = vector.shape_cast %broadcast_in_dim3A_871 : vector<16x1xi32> to vector<16xi32>
        %gather3A_873 = tpu.dynamic_gather %add3A_870[%gather3A_872] in [0] : vector<16xf32>, vector<16xi32> -> vector<16xf32>
        %add3A_874 = arith.addf %add3A_870, %gather3A_873 : vector<16xf32>
        %broadcast_in_dim3A_875 = vector.shape_cast %select_n3A_70 : vector<16xi32> to vector<16x1xi32>
        %gather3A_876 = vector.shape_cast %broadcast_in_dim3A_875 : vector<16x1xi32> to vector<16xi32>
        %gather3A_877 = tpu.dynamic_gather %add3A_874[%gather3A_876] in [0] : vector<16xf32>, vector<16xi32> -> vector<16xf32>
        %add3A_878 = arith.addf %add3A_874, %gather3A_877 : vector<16xf32>
        %broadcast_in_dim3A_879 = vector.shape_cast %select_n3A_95 : vector<16xi32> to vector<16x1xi32>
        %gather3A_880 = vector.shape_cast %broadcast_in_dim3A_879 : vector<16x1xi32> to vector<16xi32>
        %gather3A_881 = tpu.dynamic_gather %add3A_878[%gather3A_880] in [0] : vector<16xf32>, vector<16xi32> -> vector<16xf32>
        %add3A_882 = arith.addf %add3A_878, %gather3A_881 : vector<16xf32>
        %select_n3A_883 = arith.select %eq3A_119, %add3A_882, %select_n3A_799 : vector<16xi1>, vector<16xf32>
        %add3A_884 = arith.constant 8 : i32
        %add3A_885 = arith.addi %mul3A_210, %add3A_884 : i32
        %get3A_886 = arith.index_cast %add3A_885 : i32 to index
        %get3A_887 = arith.constant 0 : index
        %get3A_888 = tpu.vector_load %arg17[%get3A_886, %get3A_887] {strides = array<i32>} : memref<128x128xf32, #tpu.memory_space<vmem>>, vector<1x16xf32>,
        %get3A_889 = vector.shape_cast %get3A_888 : vector<1x16xf32> to vector<16xf32>
        %get3A_890 = arith.index_cast %add3A_885 : i32 to index
        %get3A_891 = arith.constant 16 : index
        %get3A_892 = tpu.vector_load %arg17[%get3A_890, %get3A_891] {strides = array<i32>} : memref<128x128xf32, #tpu.memory_space<vmem>>, vector<1x16xf32>,
        %get3A_893 = vector.shape_cast %get3A_892 : vector<1x16xf32> to vector<16xf32>
        %get3A_894 = arith.index_cast %add3A_885 : i32 to index
        %get3A_895 = arith.constant 32 : index
        %get3A_896 = tpu.vector_load %arg17[%get3A_894, %get3A_895] {strides = array<i32>} : memref<128x128xf32, #tpu.memory_space<vmem>>, vector<1x16xf32>,
        %get3A_897 = vector.shape_cast %get3A_896 : vector<1x16xf32> to vector<16xf32>
        %get3A_898 = arith.index_cast %add3A_885 : i32 to index
        %get3A_899 = arith.constant 48 : index
        %get3A_900 = tpu.vector_load %arg17[%get3A_898, %get3A_899] {strides = array<i32>} : memref<128x128xf32, #tpu.memory_space<vmem>>, vector<1x16xf32>,
        %get3A_901 = vector.shape_cast %get3A_900 : vector<1x16xf32> to vector<16xf32>
        %get3A_902 = arith.index_cast %add3A_885 : i32 to index
        %get3A_903 = arith.constant 64 : index
        %get3A_904 = tpu.vector_load %arg17[%get3A_902, %get3A_903] {strides = array<i32>} : memref<128x128xf32, #tpu.memory_space<vmem>>, vector<1x16xf32>,
        %get3A_905 = vector.shape_cast %get3A_904 : vector<1x16xf32> to vector<16xf32>
        %get3A_906 = arith.index_cast %add3A_885 : i32 to index
        %get3A_907 = arith.constant 0 : index
        %get3A_908 = tpu.vector_load %arg18[%get3A_906, %get3A_907] {strides = array<i32>} : memref<128x128xf32, #tpu.memory_space<vmem>>, vector<1x16xf32>,
        %get3A_909 = vector.shape_cast %get3A_908 : vector<1x16xf32> to vector<16xf32>
        %get3A_910 = arith.index_cast %add3A_885 : i32 to index
        %get3A_911 = arith.constant 16 : index
        %get3A_912 = tpu.vector_load %arg18[%get3A_910, %get3A_911] {strides = array<i32>} : memref<128x128xf32, #tpu.memory_space<vmem>>, vector<1x16xf32>,
        %get3A_913 = vector.shape_cast %get3A_912 : vector<1x16xf32> to vector<16xf32>
        %get3A_914 = arith.index_cast %add3A_885 : i32 to index
        %get3A_915 = arith.constant 64 : index
        %get3A_916 = tpu.vector_load %arg18[%get3A_914, %get3A_915] {strides = array<i32>} : memref<128x128xf32, #tpu.memory_space<vmem>>, vector<1x16xf32>,
        %get3A_917 = vector.shape_cast %get3A_916 : vector<1x16xf32> to vector<16xf32>
        %get3A_918 = arith.index_cast %add3A_885 : i32 to index
        %get3A_919 = arith.constant 0 : index
        %get3A_920 = tpu.vector_load %arg19[%get3A_918, %get3A_919] {strides = array<i32>} : memref<128x128xf32, #tpu.memory_space<vmem>>, vector<1x16xf32>,
        %get3A_921 = vector.shape_cast %get3A_920 : vector<1x16xf32> to vector<16xf32>
        %get3A_922 = arith.index_cast %add3A_885 : i32 to index
        %get3A_923 = arith.constant 0 : index
        %get3A_924 = tpu.vector_load %arg20[%get3A_922, %get3A_923] {strides = array<i32>} : memref<128x128xf32, #tpu.memory_space<vmem>>, vector<1x16xf32>,
        %get3A_925 = vector.shape_cast %get3A_924 : vector<1x16xf32> to vector<16xf32>
        %mul3A_926 = arith.mulf %get3A_889, %get3A_909 : vector<16xf32>
        %mul3A_927 = arith.mulf %get3A_893, %get3A_913 : vector<16xf32>
        %add3A_928 = arith.addf %mul3A_926, %mul3A_927 : vector<16xf32>
        %mul3A_929 = arith.mulf %get3A_897, %get3A_921 : vector<16xf32>
        %add3A_930 = arith.addf %add3A_928, %mul3A_929 : vector<16xf32>
        %mul3A_931 = arith.mulf %get3A_901, %get3A_925 : vector<16xf32>
        %add3A_932 = arith.addf %add3A_930, %mul3A_931 : vector<16xf32>
        %mul3A_933 = arith.mulf %get3A_905, %get3A_917 : vector<16xf32>
        %add3A_934 = arith.addf %add3A_932, %mul3A_933 : vector<16xf32>
        %mul3A_935 = arith.mulf %get3A_889, %get3A_889 : vector<16xf32>
        %add3A_936 = arith.addf %add3A_866, %mul3A_935 : vector<16xf32>
        %mul3A_937 = arith.mulf %get3A_893, %get3A_893 : vector<16xf32>
        %add3A_938 = arith.addf %add3A_936, %mul3A_937 : vector<16xf32>
        %mul3A_939 = arith.mulf %get3A_897, %get3A_897 : vector<16xf32>
        %add3A_940 = arith.addf %add3A_938, %mul3A_939 : vector<16xf32>
        %mul3A_941 = arith.mulf %get3A_901, %get3A_901 : vector<16xf32>
        %add3A_942 = arith.addf %add3A_940, %mul3A_941 : vector<16xf32>
        %mul3A_943 = arith.mulf %get3A_909, %get3A_909 : vector<16xf32>
        %add3A_944 = arith.addf %add3A_942, %mul3A_943 : vector<16xf32>
        %mul3A_945 = arith.mulf %get3A_913, %get3A_913 : vector<16xf32>
        %add3A_946 = arith.addf %add3A_944, %mul3A_945 : vector<16xf32>
        %mul3A_947 = arith.mulf %get3A_921, %get3A_921 : vector<16xf32>
        %add3A_948 = arith.addf %add3A_946, %mul3A_947 : vector<16xf32>
        %mul3A_949 = arith.mulf %get3A_925, %get3A_925 : vector<16xf32>
        %add3A_950 = arith.addf %add3A_948, %mul3A_949 : vector<16xf32>
        %broadcast_in_dim3A_951 = vector.shape_cast %select_n3A_20 : vector<16xi32> to vector<16x1xi32>
        %gather3A_952 = vector.shape_cast %broadcast_in_dim3A_951 : vector<16x1xi32> to vector<16xi32>
        %gather3A_953 = tpu.dynamic_gather %add3A_934[%gather3A_952] in [0] : vector<16xf32>, vector<16xi32> -> vector<16xf32>
        %add3A_954 = arith.addf %add3A_934, %gather3A_953 : vector<16xf32>
        %broadcast_in_dim3A_955 = vector.shape_cast %select_n3A_45 : vector<16xi32> to vector<16x1xi32>
        %gather3A_956 = vector.shape_cast %broadcast_in_dim3A_955 : vector<16x1xi32> to vector<16xi32>
        %gather3A_957 = tpu.dynamic_gather %add3A_954[%gather3A_956] in [0] : vector<16xf32>, vector<16xi32> -> vector<16xf32>
        %add3A_958 = arith.addf %add3A_954, %gather3A_957 : vector<16xf32>
        %broadcast_in_dim3A_959 = vector.shape_cast %select_n3A_70 : vector<16xi32> to vector<16x1xi32>
        %gather3A_960 = vector.shape_cast %broadcast_in_dim3A_959 : vector<16x1xi32> to vector<16xi32>
        %gather3A_961 = tpu.dynamic_gather %add3A_958[%gather3A_960] in [0] : vector<16xf32>, vector<16xi32> -> vector<16xf32>
        %add3A_962 = arith.addf %add3A_958, %gather3A_961 : vector<16xf32>
        %broadcast_in_dim3A_963 = vector.shape_cast %select_n3A_95 : vector<16xi32> to vector<16x1xi32>
        %gather3A_964 = vector.shape_cast %broadcast_in_dim3A_963 : vector<16x1xi32> to vector<16xi32>
        %gather3A_965 = tpu.dynamic_gather %add3A_962[%gather3A_964] in [0] : vector<16xf32>, vector<16xi32> -> vector<16xf32>
        %add3A_966 = arith.addf %add3A_962, %gather3A_965 : vector<16xf32>
        %select_n3A_967 = arith.select %eq3A_122, %add3A_966, %select_n3A_883 : vector<16xi1>, vector<16xf32>
        %add3A_968 = arith.constant 9 : i32
        %add3A_969 = arith.addi %mul3A_210, %add3A_968 : i32
        %get3A_970 = arith.index_cast %add3A_969 : i32 to index
        %get3A_971 = arith.constant 0 : index
        %get3A_972 = tpu.vector_load %arg17[%get3A_970, %get3A_971] {strides = array<i32>} : memref<128x128xf32, #tpu.memory_space<vmem>>, vector<1x16xf32>,
        %get3A_973 = vector.shape_cast %get3A_972 : vector<1x16xf32> to vector<16xf32>
        %get3A_974 = arith.index_cast %add3A_969 : i32 to index
        %get3A_975 = arith.constant 16 : index
        %get3A_976 = tpu.vector_load %arg17[%get3A_974, %get3A_975] {strides = array<i32>} : memref<128x128xf32, #tpu.memory_space<vmem>>, vector<1x16xf32>,
        %get3A_977 = vector.shape_cast %get3A_976 : vector<1x16xf32> to vector<16xf32>
        %get3A_978 = arith.index_cast %add3A_969 : i32 to index
        %get3A_979 = arith.constant 32 : index
        %get3A_980 = tpu.vector_load %arg17[%get3A_978, %get3A_979] {strides = array<i32>} : memref<128x128xf32, #tpu.memory_space<vmem>>, vector<1x16xf32>,
        %get3A_981 = vector.shape_cast %get3A_980 : vector<1x16xf32> to vector<16xf32>
        %get3A_982 = arith.index_cast %add3A_969 : i32 to index
        %get3A_983 = arith.constant 48 : index
        %get3A_984 = tpu.vector_load %arg17[%get3A_982, %get3A_983] {strides = array<i32>} : memref<128x128xf32, #tpu.memory_space<vmem>>, vector<1x16xf32>,
        %get3A_985 = vector.shape_cast %get3A_984 : vector<1x16xf32> to vector<16xf32>
        %get3A_986 = arith.index_cast %add3A_969 : i32 to index
        %get3A_987 = arith.constant 64 : index
        %get3A_988 = tpu.vector_load %arg17[%get3A_986, %get3A_987] {strides = array<i32>} : memref<128x128xf32, #tpu.memory_space<vmem>>, vector<1x16xf32>,
        %get3A_989 = vector.shape_cast %get3A_988 : vector<1x16xf32> to vector<16xf32>
        %get3A_990 = arith.index_cast %add3A_969 : i32 to index
        %get3A_991 = arith.constant 0 : index
        %get3A_992 = tpu.vector_load %arg18[%get3A_990, %get3A_991] {strides = array<i32>} : memref<128x128xf32, #tpu.memory_space<vmem>>, vector<1x16xf32>,
        %get3A_993 = vector.shape_cast %get3A_992 : vector<1x16xf32> to vector<16xf32>
        %get3A_994 = arith.index_cast %add3A_969 : i32 to index
        %get3A_995 = arith.constant 16 : index
        %get3A_996 = tpu.vector_load %arg18[%get3A_994, %get3A_995] {strides = array<i32>} : memref<128x128xf32, #tpu.memory_space<vmem>>, vector<1x16xf32>,
        %get3A_997 = vector.shape_cast %get3A_996 : vector<1x16xf32> to vector<16xf32>
        %get3A_998 = arith.index_cast %add3A_969 : i32 to index
        %get3A_999 = arith.constant 64 : index
        %get3A_1000 = tpu.vector_load %arg18[%get3A_998, %get3A_999] {strides = array<i32>} : memref<128x128xf32, #tpu.memory_space<vmem>>, vector<1x16xf32>,
        %get3A_1001 = vector.shape_cast %get3A_1000 : vector<1x16xf32> to vector<16xf32>
        %get3A_1002 = arith.index_cast %add3A_969 : i32 to index
        %get3A_1003 = arith.constant 0 : index
        %get3A_1004 = tpu.vector_load %arg19[%get3A_1002, %get3A_1003] {strides = array<i32>} : memref<128x128xf32, #tpu.memory_space<vmem>>, vector<1x16xf32>,
        %get3A_1005 = vector.shape_cast %get3A_1004 : vector<1x16xf32> to vector<16xf32>
        %get3A_1006 = arith.index_cast %add3A_969 : i32 to index
        %get3A_1007 = arith.constant 0 : index
        %get3A_1008 = tpu.vector_load %arg20[%get3A_1006, %get3A_1007] {strides = array<i32>} : memref<128x128xf32, #tpu.memory_space<vmem>>, vector<1x16xf32>,
        %get3A_1009 = vector.shape_cast %get3A_1008 : vector<1x16xf32> to vector<16xf32>
        %mul3A_1010 = arith.mulf %get3A_973, %get3A_993 : vector<16xf32>
        %mul3A_1011 = arith.mulf %get3A_977, %get3A_997 : vector<16xf32>
        %add3A_1012 = arith.addf %mul3A_1010, %mul3A_1011 : vector<16xf32>
        %mul3A_1013 = arith.mulf %get3A_981, %get3A_1005 : vector<16xf32>
        %add3A_1014 = arith.addf %add3A_1012, %mul3A_1013 : vector<16xf32>
        %mul3A_1015 = arith.mulf %get3A_985, %get3A_1009 : vector<16xf32>
        %add3A_1016 = arith.addf %add3A_1014, %mul3A_1015 : vector<16xf32>
        %mul3A_1017 = arith.mulf %get3A_989, %get3A_1001 : vector<16xf32>
        %add3A_1018 = arith.addf %add3A_1016, %mul3A_1017 : vector<16xf32>
        %mul3A_1019 = arith.mulf %get3A_973, %get3A_973 : vector<16xf32>
        %add3A_1020 = arith.addf %add3A_950, %mul3A_1019 : vector<16xf32>
        %mul3A_1021 = arith.mulf %get3A_977, %get3A_977 : vector<16xf32>
        %add3A_1022 = arith.addf %add3A_1020, %mul3A_1021 : vector<16xf32>
        %mul3A_1023 = arith.mulf %get3A_981, %get3A_981 : vector<16xf32>
        %add3A_1024 = arith.addf %add3A_1022, %mul3A_1023 : vector<16xf32>
        %mul3A_1025 = arith.mulf %get3A_985, %get3A_985 : vector<16xf32>
        %add3A_1026 = arith.addf %add3A_1024, %mul3A_1025 : vector<16xf32>
        %mul3A_1027 = arith.mulf %get3A_993, %get3A_993 : vector<16xf32>
        %add3A_1028 = arith.addf %add3A_1026, %mul3A_1027 : vector<16xf32>
        %mul3A_1029 = arith.mulf %get3A_997, %get3A_997 : vector<16xf32>
        %add3A_1030 = arith.addf %add3A_1028, %mul3A_1029 : vector<16xf32>
        %mul3A_1031 = arith.mulf %get3A_1005, %get3A_1005 : vector<16xf32>
        %add3A_1032 = arith.addf %add3A_1030, %mul3A_1031 : vector<16xf32>
        %mul3A_1033 = arith.mulf %get3A_1009, %get3A_1009 : vector<16xf32>
        %add3A_1034 = arith.addf %add3A_1032, %mul3A_1033 : vector<16xf32>
        %broadcast_in_dim3A_1035 = vector.shape_cast %select_n3A_20 : vector<16xi32> to vector<16x1xi32>
        %gather3A_1036 = vector.shape_cast %broadcast_in_dim3A_1035 : vector<16x1xi32> to vector<16xi32>
        %gather3A_1037 = tpu.dynamic_gather %add3A_1018[%gather3A_1036] in [0] : vector<16xf32>, vector<16xi32> -> vector<16xf32>
        %add3A_1038 = arith.addf %add3A_1018, %gather3A_1037 : vector<16xf32>
        %broadcast_in_dim3A_1039 = vector.shape_cast %select_n3A_45 : vector<16xi32> to vector<16x1xi32>
        %gather3A_1040 = vector.shape_cast %broadcast_in_dim3A_1039 : vector<16x1xi32> to vector<16xi32>
        %gather3A_1041 = tpu.dynamic_gather %add3A_1038[%gather3A_1040] in [0] : vector<16xf32>, vector<16xi32> -> vector<16xf32>
        %add3A_1042 = arith.addf %add3A_1038, %gather3A_1041 : vector<16xf32>
        %broadcast_in_dim3A_1043 = vector.shape_cast %select_n3A_70 : vector<16xi32> to vector<16x1xi32>
        %gather3A_1044 = vector.shape_cast %broadcast_in_dim3A_1043 : vector<16x1xi32> to vector<16xi32>
        %gather3A_1045 = tpu.dynamic_gather %add3A_1042[%gather3A_1044] in [0] : vector<16xf32>, vector<16xi32> -> vector<16xf32>
        %add3A_1046 = arith.addf %add3A_1042, %gather3A_1045 : vector<16xf32>
        %broadcast_in_dim3A_1047 = vector.shape_cast %select_n3A_95 : vector<16xi32> to vector<16x1xi32>
        %gather3A_1048 = vector.shape_cast %broadcast_in_dim3A_1047 : vector<16x1xi32> to vector<16xi32>
        %gather3A_1049 = tpu.dynamic_gather %add3A_1046[%gather3A_1048] in [0] : vector<16xf32>, vector<16xi32> -> vector<16xf32>
        %add3A_1050 = arith.addf %add3A_1046, %gather3A_1049 : vector<16xf32>
        %select_n3A_1051 = arith.select %eq3A_125, %add3A_1050, %select_n3A_967 : vector<16xi1>, vector<16xf32>
        %add3A_1052 = arith.constant 10 : i32
        %add3A_1053 = arith.addi %mul3A_210, %add3A_1052 : i32
        %get3A_1054 = arith.index_cast %add3A_1053 : i32 to index
        %get3A_1055 = arith.constant 0 : index
        %get3A_1056 = tpu.vector_load %arg17[%get3A_1054, %get3A_1055] {strides = array<i32>} : memref<128x128xf32, #tpu.memory_space<vmem>>, vector<1x16xf32>,
        %get3A_1057 = vector.shape_cast %get3A_1056 : vector<1x16xf32> to vector<16xf32>
        %get3A_1058 = arith.index_cast %add3A_1053 : i32 to index
        %get3A_1059 = arith.constant 16 : index
        %get3A_1060 = tpu.vector_load %arg17[%get3A_1058, %get3A_1059] {strides = array<i32>} : memref<128x128xf32, #tpu.memory_space<vmem>>, vector<1x16xf32>,
        %get3A_1061 = vector.shape_cast %get3A_1060 : vector<1x16xf32> to vector<16xf32>
        %get3A_1062 = arith.index_cast %add3A_1053 : i32 to index
        %get3A_1063 = arith.constant 32 : index
        %get3A_1064 = tpu.vector_load %arg17[%get3A_1062, %get3A_1063] {strides = array<i32>} : memref<128x128xf32, #tpu.memory_space<vmem>>, vector<1x16xf32>,
        %get3A_1065 = vector.shape_cast %get3A_1064 : vector<1x16xf32> to vector<16xf32>
        %get3A_1066 = arith.index_cast %add3A_1053 : i32 to index
        %get3A_1067 = arith.constant 48 : index
        %get3A_1068 = tpu.vector_load %arg17[%get3A_1066, %get3A_1067] {strides = array<i32>} : memref<128x128xf32, #tpu.memory_space<vmem>>, vector<1x16xf32>,
        %get3A_1069 = vector.shape_cast %get3A_1068 : vector<1x16xf32> to vector<16xf32>
        %get3A_1070 = arith.index_cast %add3A_1053 : i32 to index
        %get3A_1071 = arith.constant 64 : index
        %get3A_1072 = tpu.vector_load %arg17[%get3A_1070, %get3A_1071] {strides = array<i32>} : memref<128x128xf32, #tpu.memory_space<vmem>>, vector<1x16xf32>,
        %get3A_1073 = vector.shape_cast %get3A_1072 : vector<1x16xf32> to vector<16xf32>
        %get3A_1074 = arith.index_cast %add3A_1053 : i32 to index
        %get3A_1075 = arith.constant 0 : index
        %get3A_1076 = tpu.vector_load %arg18[%get3A_1074, %get3A_1075] {strides = array<i32>} : memref<128x128xf32, #tpu.memory_space<vmem>>, vector<1x16xf32>,
        %get3A_1077 = vector.shape_cast %get3A_1076 : vector<1x16xf32> to vector<16xf32>
        %get3A_1078 = arith.index_cast %add3A_1053 : i32 to index
        %get3A_1079 = arith.constant 16 : index
        %get3A_1080 = tpu.vector_load %arg18[%get3A_1078, %get3A_1079] {strides = array<i32>} : memref<128x128xf32, #tpu.memory_space<vmem>>, vector<1x16xf32>,
        %get3A_1081 = vector.shape_cast %get3A_1080 : vector<1x16xf32> to vector<16xf32>
        %get3A_1082 = arith.index_cast %add3A_1053 : i32 to index
        %get3A_1083 = arith.constant 64 : index
        %get3A_1084 = tpu.vector_load %arg18[%get3A_1082, %get3A_1083] {strides = array<i32>} : memref<128x128xf32, #tpu.memory_space<vmem>>, vector<1x16xf32>,
        %get3A_1085 = vector.shape_cast %get3A_1084 : vector<1x16xf32> to vector<16xf32>
        %get3A_1086 = arith.index_cast %add3A_1053 : i32 to index
        %get3A_1087 = arith.constant 0 : index
        %get3A_1088 = tpu.vector_load %arg19[%get3A_1086, %get3A_1087] {strides = array<i32>} : memref<128x128xf32, #tpu.memory_space<vmem>>, vector<1x16xf32>,
        %get3A_1089 = vector.shape_cast %get3A_1088 : vector<1x16xf32> to vector<16xf32>
        %get3A_1090 = arith.index_cast %add3A_1053 : i32 to index
        %get3A_1091 = arith.constant 0 : index
        %get3A_1092 = tpu.vector_load %arg20[%get3A_1090, %get3A_1091] {strides = array<i32>} : memref<128x128xf32, #tpu.memory_space<vmem>>, vector<1x16xf32>,
        %get3A_1093 = vector.shape_cast %get3A_1092 : vector<1x16xf32> to vector<16xf32>
        %mul3A_1094 = arith.mulf %get3A_1057, %get3A_1077 : vector<16xf32>
        %mul3A_1095 = arith.mulf %get3A_1061, %get3A_1081 : vector<16xf32>
        %add3A_1096 = arith.addf %mul3A_1094, %mul3A_1095 : vector<16xf32>
        %mul3A_1097 = arith.mulf %get3A_1065, %get3A_1089 : vector<16xf32>
        %add3A_1098 = arith.addf %add3A_1096, %mul3A_1097 : vector<16xf32>
        %mul3A_1099 = arith.mulf %get3A_1069, %get3A_1093 : vector<16xf32>
        %add3A_1100 = arith.addf %add3A_1098, %mul3A_1099 : vector<16xf32>
        %mul3A_1101 = arith.mulf %get3A_1073, %get3A_1085 : vector<16xf32>
        %add3A_1102 = arith.addf %add3A_1100, %mul3A_1101 : vector<16xf32>
        %mul3A_1103 = arith.mulf %get3A_1057, %get3A_1057 : vector<16xf32>
        %add3A_1104 = arith.addf %add3A_1034, %mul3A_1103 : vector<16xf32>
        %mul3A_1105 = arith.mulf %get3A_1061, %get3A_1061 : vector<16xf32>
        %add3A_1106 = arith.addf %add3A_1104, %mul3A_1105 : vector<16xf32>
        %mul3A_1107 = arith.mulf %get3A_1065, %get3A_1065 : vector<16xf32>
        %add3A_1108 = arith.addf %add3A_1106, %mul3A_1107 : vector<16xf32>
        %mul3A_1109 = arith.mulf %get3A_1069, %get3A_1069 : vector<16xf32>
        %add3A_1110 = arith.addf %add3A_1108, %mul3A_1109 : vector<16xf32>
        %mul3A_1111 = arith.mulf %get3A_1077, %get3A_1077 : vector<16xf32>
        %add3A_1112 = arith.addf %add3A_1110, %mul3A_1111 : vector<16xf32>
        %mul3A_1113 = arith.mulf %get3A_1081, %get3A_1081 : vector<16xf32>
        %add3A_1114 = arith.addf %add3A_1112, %mul3A_1113 : vector<16xf32>
        %mul3A_1115 = arith.mulf %get3A_1089, %get3A_1089 : vector<16xf32>
        %add3A_1116 = arith.addf %add3A_1114, %mul3A_1115 : vector<16xf32>
        %mul3A_1117 = arith.mulf %get3A_1093, %get3A_1093 : vector<16xf32>
        %add3A_1118 = arith.addf %add3A_1116, %mul3A_1117 : vector<16xf32>
        %broadcast_in_dim3A_1119 = vector.shape_cast %select_n3A_20 : vector<16xi32> to vector<16x1xi32>
        %gather3A_1120 = vector.shape_cast %broadcast_in_dim3A_1119 : vector<16x1xi32> to vector<16xi32>
        %gather3A_1121 = tpu.dynamic_gather %add3A_1102[%gather3A_1120] in [0] : vector<16xf32>, vector<16xi32> -> vector<16xf32>
        %add3A_1122 = arith.addf %add3A_1102, %gather3A_1121 : vector<16xf32>
        %broadcast_in_dim3A_1123 = vector.shape_cast %select_n3A_45 : vector<16xi32> to vector<16x1xi32>
        %gather3A_1124 = vector.shape_cast %broadcast_in_dim3A_1123 : vector<16x1xi32> to vector<16xi32>
        %gather3A_1125 = tpu.dynamic_gather %add3A_1122[%gather3A_1124] in [0] : vector<16xf32>, vector<16xi32> -> vector<16xf32>
        %add3A_1126 = arith.addf %add3A_1122, %gather3A_1125 : vector<16xf32>
        %broadcast_in_dim3A_1127 = vector.shape_cast %select_n3A_70 : vector<16xi32> to vector<16x1xi32>
        %gather3A_1128 = vector.shape_cast %broadcast_in_dim3A_1127 : vector<16x1xi32> to vector<16xi32>
        %gather3A_1129 = tpu.dynamic_gather %add3A_1126[%gather3A_1128] in [0] : vector<16xf32>, vector<16xi32> -> vector<16xf32>
        %add3A_1130 = arith.addf %add3A_1126, %gather3A_1129 : vector<16xf32>
        %broadcast_in_dim3A_1131 = vector.shape_cast %select_n3A_95 : vector<16xi32> to vector<16x1xi32>
        %gather3A_1132 = vector.shape_cast %broadcast_in_dim3A_1131 : vector<16x1xi32> to vector<16xi32>
        %gather3A_1133 = tpu.dynamic_gather %add3A_1130[%gather3A_1132] in [0] : vector<16xf32>, vector<16xi32> -> vector<16xf32>
        %add3A_1134 = arith.addf %add3A_1130, %gather3A_1133 : vector<16xf32>
        %select_n3A_1135 = arith.select %eq3A_128, %add3A_1134, %select_n3A_1051 : vector<16xi1>, vector<16xf32>
        %add3A_1136 = arith.constant 11 : i32
        %add3A_1137 = arith.addi %mul3A_210, %add3A_1136 : i32
        %get3A_1138 = arith.index_cast %add3A_1137 : i32 to index
        %get3A_1139 = arith.constant 0 : index
        %get3A_1140 = tpu.vector_load %arg17[%get3A_1138, %get3A_1139] {strides = array<i32>} : memref<128x128xf32, #tpu.memory_space<vmem>>, vector<1x16xf32>,
        %get3A_1141 = vector.shape_cast %get3A_1140 : vector<1x16xf32> to vector<16xf32>
        %get3A_1142 = arith.index_cast %add3A_1137 : i32 to index
        %get3A_1143 = arith.constant 16 : index
        %get3A_1144 = tpu.vector_load %arg17[%get3A_1142, %get3A_1143] {strides = array<i32>} : memref<128x128xf32, #tpu.memory_space<vmem>>, vector<1x16xf32>,
        %get3A_1145 = vector.shape_cast %get3A_1144 : vector<1x16xf32> to vector<16xf32>
        %get3A_1146 = arith.index_cast %add3A_1137 : i32 to index
        %get3A_1147 = arith.constant 32 : index
        %get3A_1148 = tpu.vector_load %arg17[%get3A_1146, %get3A_1147] {strides = array<i32>} : memref<128x128xf32, #tpu.memory_space<vmem>>, vector<1x16xf32>,
        %get3A_1149 = vector.shape_cast %get3A_1148 : vector<1x16xf32> to vector<16xf32>
        %get3A_1150 = arith.index_cast %add3A_1137 : i32 to index
        %get3A_1151 = arith.constant 48 : index
        %get3A_1152 = tpu.vector_load %arg17[%get3A_1150, %get3A_1151] {strides = array<i32>} : memref<128x128xf32, #tpu.memory_space<vmem>>, vector<1x16xf32>,
        %get3A_1153 = vector.shape_cast %get3A_1152 : vector<1x16xf32> to vector<16xf32>
        %get3A_1154 = arith.index_cast %add3A_1137 : i32 to index
        %get3A_1155 = arith.constant 64 : index
        %get3A_1156 = tpu.vector_load %arg17[%get3A_1154, %get3A_1155] {strides = array<i32>} : memref<128x128xf32, #tpu.memory_space<vmem>>, vector<1x16xf32>,
        %get3A_1157 = vector.shape_cast %get3A_1156 : vector<1x16xf32> to vector<16xf32>
        %get3A_1158 = arith.index_cast %add3A_1137 : i32 to index
        %get3A_1159 = arith.constant 0 : index
        %get3A_1160 = tpu.vector_load %arg18[%get3A_1158, %get3A_1159] {strides = array<i32>} : memref<128x128xf32, #tpu.memory_space<vmem>>, vector<1x16xf32>,
        %get3A_1161 = vector.shape_cast %get3A_1160 : vector<1x16xf32> to vector<16xf32>
        %get3A_1162 = arith.index_cast %add3A_1137 : i32 to index
        %get3A_1163 = arith.constant 16 : index
        %get3A_1164 = tpu.vector_load %arg18[%get3A_1162, %get3A_1163] {strides = array<i32>} : memref<128x128xf32, #tpu.memory_space<vmem>>, vector<1x16xf32>,
        %get3A_1165 = vector.shape_cast %get3A_1164 : vector<1x16xf32> to vector<16xf32>
        %get3A_1166 = arith.index_cast %add3A_1137 : i32 to index
        %get3A_1167 = arith.constant 64 : index
        %get3A_1168 = tpu.vector_load %arg18[%get3A_1166, %get3A_1167] {strides = array<i32>} : memref<128x128xf32, #tpu.memory_space<vmem>>, vector<1x16xf32>,
        %get3A_1169 = vector.shape_cast %get3A_1168 : vector<1x16xf32> to vector<16xf32>
        %get3A_1170 = arith.index_cast %add3A_1137 : i32 to index
        %get3A_1171 = arith.constant 0 : index
        %get3A_1172 = tpu.vector_load %arg19[%get3A_1170, %get3A_1171] {strides = array<i32>} : memref<128x128xf32, #tpu.memory_space<vmem>>, vector<1x16xf32>,
        %get3A_1173 = vector.shape_cast %get3A_1172 : vector<1x16xf32> to vector<16xf32>
        %get3A_1174 = arith.index_cast %add3A_1137 : i32 to index
        %get3A_1175 = arith.constant 0 : index
        %get3A_1176 = tpu.vector_load %arg20[%get3A_1174, %get3A_1175] {strides = array<i32>} : memref<128x128xf32, #tpu.memory_space<vmem>>, vector<1x16xf32>,
        %get3A_1177 = vector.shape_cast %get3A_1176 : vector<1x16xf32> to vector<16xf32>
        %mul3A_1178 = arith.mulf %get3A_1141, %get3A_1161 : vector<16xf32>
        %mul3A_1179 = arith.mulf %get3A_1145, %get3A_1165 : vector<16xf32>
        %add3A_1180 = arith.addf %mul3A_1178, %mul3A_1179 : vector<16xf32>
        %mul3A_1181 = arith.mulf %get3A_1149, %get3A_1173 : vector<16xf32>
        %add3A_1182 = arith.addf %add3A_1180, %mul3A_1181 : vector<16xf32>
        %mul3A_1183 = arith.mulf %get3A_1153, %get3A_1177 : vector<16xf32>
        %add3A_1184 = arith.addf %add3A_1182, %mul3A_1183 : vector<16xf32>
        %mul3A_1185 = arith.mulf %get3A_1157, %get3A_1169 : vector<16xf32>
        %add3A_1186 = arith.addf %add3A_1184, %mul3A_1185 : vector<16xf32>
        %mul3A_1187 = arith.mulf %get3A_1141, %get3A_1141 : vector<16xf32>
        %add3A_1188 = arith.addf %add3A_1118, %mul3A_1187 : vector<16xf32>
        %mul3A_1189 = arith.mulf %get3A_1145, %get3A_1145 : vector<16xf32>
        %add3A_1190 = arith.addf %add3A_1188, %mul3A_1189 : vector<16xf32>
        %mul3A_1191 = arith.mulf %get3A_1149, %get3A_1149 : vector<16xf32>
        %add3A_1192 = arith.addf %add3A_1190, %mul3A_1191 : vector<16xf32>
        %mul3A_1193 = arith.mulf %get3A_1153, %get3A_1153 : vector<16xf32>
        %add3A_1194 = arith.addf %add3A_1192, %mul3A_1193 : vector<16xf32>
        %mul3A_1195 = arith.mulf %get3A_1161, %get3A_1161 : vector<16xf32>
        %add3A_1196 = arith.addf %add3A_1194, %mul3A_1195 : vector<16xf32>
        %mul3A_1197 = arith.mulf %get3A_1165, %get3A_1165 : vector<16xf32>
        %add3A_1198 = arith.addf %add3A_1196, %mul3A_1197 : vector<16xf32>
        %mul3A_1199 = arith.mulf %get3A_1173, %get3A_1173 : vector<16xf32>
        %add3A_1200 = arith.addf %add3A_1198, %mul3A_1199 : vector<16xf32>
        %mul3A_1201 = arith.mulf %get3A_1177, %get3A_1177 : vector<16xf32>
        %add3A_1202 = arith.addf %add3A_1200, %mul3A_1201 : vector<16xf32>
        %broadcast_in_dim3A_1203 = vector.shape_cast %select_n3A_20 : vector<16xi32> to vector<16x1xi32>
        %gather3A_1204 = vector.shape_cast %broadcast_in_dim3A_1203 : vector<16x1xi32> to vector<16xi32>
        %gather3A_1205 = tpu.dynamic_gather %add3A_1186[%gather3A_1204] in [0] : vector<16xf32>, vector<16xi32> -> vector<16xf32>
        %add3A_1206 = arith.addf %add3A_1186, %gather3A_1205 : vector<16xf32>
        %broadcast_in_dim3A_1207 = vector.shape_cast %select_n3A_45 : vector<16xi32> to vector<16x1xi32>
        %gather3A_1208 = vector.shape_cast %broadcast_in_dim3A_1207 : vector<16x1xi32> to vector<16xi32>
        %gather3A_1209 = tpu.dynamic_gather %add3A_1206[%gather3A_1208] in [0] : vector<16xf32>, vector<16xi32> -> vector<16xf32>
        %add3A_1210 = arith.addf %add3A_1206, %gather3A_1209 : vector<16xf32>
        %broadcast_in_dim3A_1211 = vector.shape_cast %select_n3A_70 : vector<16xi32> to vector<16x1xi32>
        %gather3A_1212 = vector.shape_cast %broadcast_in_dim3A_1211 : vector<16x1xi32> to vector<16xi32>
        %gather3A_1213 = tpu.dynamic_gather %add3A_1210[%gather3A_1212] in [0] : vector<16xf32>, vector<16xi32> -> vector<16xf32>
        %add3A_1214 = arith.addf %add3A_1210, %gather3A_1213 : vector<16xf32>
        %broadcast_in_dim3A_1215 = vector.shape_cast %select_n3A_95 : vector<16xi32> to vector<16x1xi32>
        %gather3A_1216 = vector.shape_cast %broadcast_in_dim3A_1215 : vector<16x1xi32> to vector<16xi32>
        %gather3A_1217 = tpu.dynamic_gather %add3A_1214[%gather3A_1216] in [0] : vector<16xf32>, vector<16xi32> -> vector<16xf32>
        %add3A_1218 = arith.addf %add3A_1214, %gather3A_1217 : vector<16xf32>
        %select_n3A_1219 = arith.select %eq3A_131, %add3A_1218, %select_n3A_1135 : vector<16xi1>, vector<16xf32>
        %add3A_1220 = arith.constant 12 : i32
        %add3A_1221 = arith.addi %mul3A_210, %add3A_1220 : i32
        %get3A_1222 = arith.index_cast %add3A_1221 : i32 to index
        %get3A_1223 = arith.constant 0 : index
        %get3A_1224 = tpu.vector_load %arg17[%get3A_1222, %get3A_1223] {strides = array<i32>} : memref<128x128xf32, #tpu.memory_space<vmem>>, vector<1x16xf32>,
        %get3A_1225 = vector.shape_cast %get3A_1224 : vector<1x16xf32> to vector<16xf32>
        %get3A_1226 = arith.index_cast %add3A_1221 : i32 to index
        %get3A_1227 = arith.constant 16 : index
        %get3A_1228 = tpu.vector_load %arg17[%get3A_1226, %get3A_1227] {strides = array<i32>} : memref<128x128xf32, #tpu.memory_space<vmem>>, vector<1x16xf32>,
        %get3A_1229 = vector.shape_cast %get3A_1228 : vector<1x16xf32> to vector<16xf32>
        %get3A_1230 = arith.index_cast %add3A_1221 : i32 to index
        %get3A_1231 = arith.constant 32 : index
        %get3A_1232 = tpu.vector_load %arg17[%get3A_1230, %get3A_1231] {strides = array<i32>} : memref<128x128xf32, #tpu.memory_space<vmem>>, vector<1x16xf32>,
        %get3A_1233 = vector.shape_cast %get3A_1232 : vector<1x16xf32> to vector<16xf32>
        %get3A_1234 = arith.index_cast %add3A_1221 : i32 to index
        %get3A_1235 = arith.constant 48 : index
        %get3A_1236 = tpu.vector_load %arg17[%get3A_1234, %get3A_1235] {strides = array<i32>} : memref<128x128xf32, #tpu.memory_space<vmem>>, vector<1x16xf32>,
        %get3A_1237 = vector.shape_cast %get3A_1236 : vector<1x16xf32> to vector<16xf32>
        %get3A_1238 = arith.index_cast %add3A_1221 : i32 to index
        %get3A_1239 = arith.constant 64 : index
        %get3A_1240 = tpu.vector_load %arg17[%get3A_1238, %get3A_1239] {strides = array<i32>} : memref<128x128xf32, #tpu.memory_space<vmem>>, vector<1x16xf32>,
        %get3A_1241 = vector.shape_cast %get3A_1240 : vector<1x16xf32> to vector<16xf32>
        %get3A_1242 = arith.index_cast %add3A_1221 : i32 to index
        %get3A_1243 = arith.constant 0 : index
        %get3A_1244 = tpu.vector_load %arg18[%get3A_1242, %get3A_1243] {strides = array<i32>} : memref<128x128xf32, #tpu.memory_space<vmem>>, vector<1x16xf32>,
        %get3A_1245 = vector.shape_cast %get3A_1244 : vector<1x16xf32> to vector<16xf32>
        %get3A_1246 = arith.index_cast %add3A_1221 : i32 to index
        %get3A_1247 = arith.constant 16 : index
        %get3A_1248 = tpu.vector_load %arg18[%get3A_1246, %get3A_1247] {strides = array<i32>} : memref<128x128xf32, #tpu.memory_space<vmem>>, vector<1x16xf32>,
        %get3A_1249 = vector.shape_cast %get3A_1248 : vector<1x16xf32> to vector<16xf32>
        %get3A_1250 = arith.index_cast %add3A_1221 : i32 to index
        %get3A_1251 = arith.constant 64 : index
        %get3A_1252 = tpu.vector_load %arg18[%get3A_1250, %get3A_1251] {strides = array<i32>} : memref<128x128xf32, #tpu.memory_space<vmem>>, vector<1x16xf32>,
        %get3A_1253 = vector.shape_cast %get3A_1252 : vector<1x16xf32> to vector<16xf32>
        %get3A_1254 = arith.index_cast %add3A_1221 : i32 to index
        %get3A_1255 = arith.constant 0 : index
        %get3A_1256 = tpu.vector_load %arg19[%get3A_1254, %get3A_1255] {strides = array<i32>} : memref<128x128xf32, #tpu.memory_space<vmem>>, vector<1x16xf32>,
        %get3A_1257 = vector.shape_cast %get3A_1256 : vector<1x16xf32> to vector<16xf32>
        %get3A_1258 = arith.index_cast %add3A_1221 : i32 to index
        %get3A_1259 = arith.constant 0 : index
        %get3A_1260 = tpu.vector_load %arg20[%get3A_1258, %get3A_1259] {strides = array<i32>} : memref<128x128xf32, #tpu.memory_space<vmem>>, vector<1x16xf32>,
        %get3A_1261 = vector.shape_cast %get3A_1260 : vector<1x16xf32> to vector<16xf32>
        %mul3A_1262 = arith.mulf %get3A_1225, %get3A_1245 : vector<16xf32>
        %mul3A_1263 = arith.mulf %get3A_1229, %get3A_1249 : vector<16xf32>
        %add3A_1264 = arith.addf %mul3A_1262, %mul3A_1263 : vector<16xf32>
        %mul3A_1265 = arith.mulf %get3A_1233, %get3A_1257 : vector<16xf32>
        %add3A_1266 = arith.addf %add3A_1264, %mul3A_1265 : vector<16xf32>
        %mul3A_1267 = arith.mulf %get3A_1237, %get3A_1261 : vector<16xf32>
        %add3A_1268 = arith.addf %add3A_1266, %mul3A_1267 : vector<16xf32>
        %mul3A_1269 = arith.mulf %get3A_1241, %get3A_1253 : vector<16xf32>
        %add3A_1270 = arith.addf %add3A_1268, %mul3A_1269 : vector<16xf32>
        %mul3A_1271 = arith.mulf %get3A_1225, %get3A_1225 : vector<16xf32>
        %add3A_1272 = arith.addf %add3A_1202, %mul3A_1271 : vector<16xf32>
        %mul3A_1273 = arith.mulf %get3A_1229, %get3A_1229 : vector<16xf32>
        %add3A_1274 = arith.addf %add3A_1272, %mul3A_1273 : vector<16xf32>
        %mul3A_1275 = arith.mulf %get3A_1233, %get3A_1233 : vector<16xf32>
        %add3A_1276 = arith.addf %add3A_1274, %mul3A_1275 : vector<16xf32>
        %mul3A_1277 = arith.mulf %get3A_1237, %get3A_1237 : vector<16xf32>
        %add3A_1278 = arith.addf %add3A_1276, %mul3A_1277 : vector<16xf32>
        %mul3A_1279 = arith.mulf %get3A_1245, %get3A_1245 : vector<16xf32>
        %add3A_1280 = arith.addf %add3A_1278, %mul3A_1279 : vector<16xf32>
        %mul3A_1281 = arith.mulf %get3A_1249, %get3A_1249 : vector<16xf32>
        %add3A_1282 = arith.addf %add3A_1280, %mul3A_1281 : vector<16xf32>
        %mul3A_1283 = arith.mulf %get3A_1257, %get3A_1257 : vector<16xf32>
        %add3A_1284 = arith.addf %add3A_1282, %mul3A_1283 : vector<16xf32>
        %mul3A_1285 = arith.mulf %get3A_1261, %get3A_1261 : vector<16xf32>
        %add3A_1286 = arith.addf %add3A_1284, %mul3A_1285 : vector<16xf32>
        %broadcast_in_dim3A_1287 = vector.shape_cast %select_n3A_20 : vector<16xi32> to vector<16x1xi32>
        %gather3A_1288 = vector.shape_cast %broadcast_in_dim3A_1287 : vector<16x1xi32> to vector<16xi32>
        %gather3A_1289 = tpu.dynamic_gather %add3A_1270[%gather3A_1288] in [0] : vector<16xf32>, vector<16xi32> -> vector<16xf32>
        %add3A_1290 = arith.addf %add3A_1270, %gather3A_1289 : vector<16xf32>
        %broadcast_in_dim3A_1291 = vector.shape_cast %select_n3A_45 : vector<16xi32> to vector<16x1xi32>
        %gather3A_1292 = vector.shape_cast %broadcast_in_dim3A_1291 : vector<16x1xi32> to vector<16xi32>
        %gather3A_1293 = tpu.dynamic_gather %add3A_1290[%gather3A_1292] in [0] : vector<16xf32>, vector<16xi32> -> vector<16xf32>
        %add3A_1294 = arith.addf %add3A_1290, %gather3A_1293 : vector<16xf32>
        %broadcast_in_dim3A_1295 = vector.shape_cast %select_n3A_70 : vector<16xi32> to vector<16x1xi32>
        %gather3A_1296 = vector.shape_cast %broadcast_in_dim3A_1295 : vector<16x1xi32> to vector<16xi32>
        %gather3A_1297 = tpu.dynamic_gather %add3A_1294[%gather3A_1296] in [0] : vector<16xf32>, vector<16xi32> -> vector<16xf32>
        %add3A_1298 = arith.addf %add3A_1294, %gather3A_1297 : vector<16xf32>
        %broadcast_in_dim3A_1299 = vector.shape_cast %select_n3A_95 : vector<16xi32> to vector<16x1xi32>
        %gather3A_1300 = vector.shape_cast %broadcast_in_dim3A_1299 : vector<16x1xi32> to vector<16xi32>
        %gather3A_1301 = tpu.dynamic_gather %add3A_1298[%gather3A_1300] in [0] : vector<16xf32>, vector<16xi32> -> vector<16xf32>
        %add3A_1302 = arith.addf %add3A_1298, %gather3A_1301 : vector<16xf32>
        %select_n3A_1303 = arith.select %eq3A_134, %add3A_1302, %select_n3A_1219 : vector<16xi1>, vector<16xf32>
        %add3A_1304 = arith.constant 13 : i32
        %add3A_1305 = arith.addi %mul3A_210, %add3A_1304 : i32
        %get3A_1306 = arith.index_cast %add3A_1305 : i32 to index
        %get3A_1307 = arith.constant 0 : index
        %get3A_1308 = tpu.vector_load %arg17[%get3A_1306, %get3A_1307] {strides = array<i32>} : memref<128x128xf32, #tpu.memory_space<vmem>>, vector<1x16xf32>,
        %get3A_1309 = vector.shape_cast %get3A_1308 : vector<1x16xf32> to vector<16xf32>
        %get3A_1310 = arith.index_cast %add3A_1305 : i32 to index
        %get3A_1311 = arith.constant 16 : index
        %get3A_1312 = tpu.vector_load %arg17[%get3A_1310, %get3A_1311] {strides = array<i32>} : memref<128x128xf32, #tpu.memory_space<vmem>>, vector<1x16xf32>,
        %get3A_1313 = vector.shape_cast %get3A_1312 : vector<1x16xf32> to vector<16xf32>
        %get3A_1314 = arith.index_cast %add3A_1305 : i32 to index
        %get3A_1315 = arith.constant 32 : index
        %get3A_1316 = tpu.vector_load %arg17[%get3A_1314, %get3A_1315] {strides = array<i32>} : memref<128x128xf32, #tpu.memory_space<vmem>>, vector<1x16xf32>,
        %get3A_1317 = vector.shape_cast %get3A_1316 : vector<1x16xf32> to vector<16xf32>
        %get3A_1318 = arith.index_cast %add3A_1305 : i32 to index
        %get3A_1319 = arith.constant 48 : index
        %get3A_1320 = tpu.vector_load %arg17[%get3A_1318, %get3A_1319] {strides = array<i32>} : memref<128x128xf32, #tpu.memory_space<vmem>>, vector<1x16xf32>,
        %get3A_1321 = vector.shape_cast %get3A_1320 : vector<1x16xf32> to vector<16xf32>
        %get3A_1322 = arith.index_cast %add3A_1305 : i32 to index
        %get3A_1323 = arith.constant 64 : index
        %get3A_1324 = tpu.vector_load %arg17[%get3A_1322, %get3A_1323] {strides = array<i32>} : memref<128x128xf32, #tpu.memory_space<vmem>>, vector<1x16xf32>,
        %get3A_1325 = vector.shape_cast %get3A_1324 : vector<1x16xf32> to vector<16xf32>
        %get3A_1326 = arith.index_cast %add3A_1305 : i32 to index
        %get3A_1327 = arith.constant 0 : index
        %get3A_1328 = tpu.vector_load %arg18[%get3A_1326, %get3A_1327] {strides = array<i32>} : memref<128x128xf32, #tpu.memory_space<vmem>>, vector<1x16xf32>,
        %get3A_1329 = vector.shape_cast %get3A_1328 : vector<1x16xf32> to vector<16xf32>
        %get3A_1330 = arith.index_cast %add3A_1305 : i32 to index
        %get3A_1331 = arith.constant 16 : index
        %get3A_1332 = tpu.vector_load %arg18[%get3A_1330, %get3A_1331] {strides = array<i32>} : memref<128x128xf32, #tpu.memory_space<vmem>>, vector<1x16xf32>,
        %get3A_1333 = vector.shape_cast %get3A_1332 : vector<1x16xf32> to vector<16xf32>
        %get3A_1334 = arith.index_cast %add3A_1305 : i32 to index
        %get3A_1335 = arith.constant 64 : index
        %get3A_1336 = tpu.vector_load %arg18[%get3A_1334, %get3A_1335] {strides = array<i32>} : memref<128x128xf32, #tpu.memory_space<vmem>>, vector<1x16xf32>,
        %get3A_1337 = vector.shape_cast %get3A_1336 : vector<1x16xf32> to vector<16xf32>
        %get3A_1338 = arith.index_cast %add3A_1305 : i32 to index
        %get3A_1339 = arith.constant 0 : index
        %get3A_1340 = tpu.vector_load %arg19[%get3A_1338, %get3A_1339] {strides = array<i32>} : memref<128x128xf32, #tpu.memory_space<vmem>>, vector<1x16xf32>,
        %get3A_1341 = vector.shape_cast %get3A_1340 : vector<1x16xf32> to vector<16xf32>
        %get3A_1342 = arith.index_cast %add3A_1305 : i32 to index
        %get3A_1343 = arith.constant 0 : index
        %get3A_1344 = tpu.vector_load %arg20[%get3A_1342, %get3A_1343] {strides = array<i32>} : memref<128x128xf32, #tpu.memory_space<vmem>>, vector<1x16xf32>,
        %get3A_1345 = vector.shape_cast %get3A_1344 : vector<1x16xf32> to vector<16xf32>
        %mul3A_1346 = arith.mulf %get3A_1309, %get3A_1329 : vector<16xf32>
        %mul3A_1347 = arith.mulf %get3A_1313, %get3A_1333 : vector<16xf32>
        %add3A_1348 = arith.addf %mul3A_1346, %mul3A_1347 : vector<16xf32>
        %mul3A_1349 = arith.mulf %get3A_1317, %get3A_1341 : vector<16xf32>
        %add3A_1350 = arith.addf %add3A_1348, %mul3A_1349 : vector<16xf32>
        %mul3A_1351 = arith.mulf %get3A_1321, %get3A_1345 : vector<16xf32>
        %add3A_1352 = arith.addf %add3A_1350, %mul3A_1351 : vector<16xf32>
        %mul3A_1353 = arith.mulf %get3A_1325, %get3A_1337 : vector<16xf32>
        %add3A_1354 = arith.addf %add3A_1352, %mul3A_1353 : vector<16xf32>
        %mul3A_1355 = arith.mulf %get3A_1309, %get3A_1309 : vector<16xf32>
        %add3A_1356 = arith.addf %add3A_1286, %mul3A_1355 : vector<16xf32>
        %mul3A_1357 = arith.mulf %get3A_1313, %get3A_1313 : vector<16xf32>
        %add3A_1358 = arith.addf %add3A_1356, %mul3A_1357 : vector<16xf32>
        %mul3A_1359 = arith.mulf %get3A_1317, %get3A_1317 : vector<16xf32>
        %add3A_1360 = arith.addf %add3A_1358, %mul3A_1359 : vector<16xf32>
        %mul3A_1361 = arith.mulf %get3A_1321, %get3A_1321 : vector<16xf32>
        %add3A_1362 = arith.addf %add3A_1360, %mul3A_1361 : vector<16xf32>
        %mul3A_1363 = arith.mulf %get3A_1329, %get3A_1329 : vector<16xf32>
        %add3A_1364 = arith.addf %add3A_1362, %mul3A_1363 : vector<16xf32>
        %mul3A_1365 = arith.mulf %get3A_1333, %get3A_1333 : vector<16xf32>
        %add3A_1366 = arith.addf %add3A_1364, %mul3A_1365 : vector<16xf32>
        %mul3A_1367 = arith.mulf %get3A_1341, %get3A_1341 : vector<16xf32>
        %add3A_1368 = arith.addf %add3A_1366, %mul3A_1367 : vector<16xf32>
        %mul3A_1369 = arith.mulf %get3A_1345, %get3A_1345 : vector<16xf32>
        %add3A_1370 = arith.addf %add3A_1368, %mul3A_1369 : vector<16xf32>
        %broadcast_in_dim3A_1371 = vector.shape_cast %select_n3A_20 : vector<16xi32> to vector<16x1xi32>
        %gather3A_1372 = vector.shape_cast %broadcast_in_dim3A_1371 : vector<16x1xi32> to vector<16xi32>
        %gather3A_1373 = tpu.dynamic_gather %add3A_1354[%gather3A_1372] in [0] : vector<16xf32>, vector<16xi32> -> vector<16xf32>
        %add3A_1374 = arith.addf %add3A_1354, %gather3A_1373 : vector<16xf32>
        %broadcast_in_dim3A_1375 = vector.shape_cast %select_n3A_45 : vector<16xi32> to vector<16x1xi32>
        %gather3A_1376 = vector.shape_cast %broadcast_in_dim3A_1375 : vector<16x1xi32> to vector<16xi32>
        %gather3A_1377 = tpu.dynamic_gather %add3A_1374[%gather3A_1376] in [0] : vector<16xf32>, vector<16xi32> -> vector<16xf32>
        %add3A_1378 = arith.addf %add3A_1374, %gather3A_1377 : vector<16xf32>
        %broadcast_in_dim3A_1379 = vector.shape_cast %select_n3A_70 : vector<16xi32> to vector<16x1xi32>
        %gather3A_1380 = vector.shape_cast %broadcast_in_dim3A_1379 : vector<16x1xi32> to vector<16xi32>
        %gather3A_1381 = tpu.dynamic_gather %add3A_1378[%gather3A_1380] in [0] : vector<16xf32>, vector<16xi32> -> vector<16xf32>
        %add3A_1382 = arith.addf %add3A_1378, %gather3A_1381 : vector<16xf32>
        %broadcast_in_dim3A_1383 = vector.shape_cast %select_n3A_95 : vector<16xi32> to vector<16x1xi32>
        %gather3A_1384 = vector.shape_cast %broadcast_in_dim3A_1383 : vector<16x1xi32> to vector<16xi32>
        %gather3A_1385 = tpu.dynamic_gather %add3A_1382[%gather3A_1384] in [0] : vector<16xf32>, vector<16xi32> -> vector<16xf32>
        %add3A_1386 = arith.addf %add3A_1382, %gather3A_1385 : vector<16xf32>
        %select_n3A_1387 = arith.select %eq3A_137, %add3A_1386, %select_n3A_1303 : vector<16xi1>, vector<16xf32>
        %add3A_1388 = arith.constant 14 : i32
        %add3A_1389 = arith.addi %mul3A_210, %add3A_1388 : i32
        %get3A_1390 = arith.index_cast %add3A_1389 : i32 to index
        %get3A_1391 = arith.constant 0 : index
        %get3A_1392 = tpu.vector_load %arg17[%get3A_1390, %get3A_1391] {strides = array<i32>} : memref<128x128xf32, #tpu.memory_space<vmem>>, vector<1x16xf32>,
        %get3A_1393 = vector.shape_cast %get3A_1392 : vector<1x16xf32> to vector<16xf32>
        %get3A_1394 = arith.index_cast %add3A_1389 : i32 to index
        %get3A_1395 = arith.constant 16 : index
        %get3A_1396 = tpu.vector_load %arg17[%get3A_1394, %get3A_1395] {strides = array<i32>} : memref<128x128xf32, #tpu.memory_space<vmem>>, vector<1x16xf32>,
        %get3A_1397 = vector.shape_cast %get3A_1396 : vector<1x16xf32> to vector<16xf32>
        %get3A_1398 = arith.index_cast %add3A_1389 : i32 to index
        %get3A_1399 = arith.constant 32 : index
        %get3A_1400 = tpu.vector_load %arg17[%get3A_1398, %get3A_1399] {strides = array<i32>} : memref<128x128xf32, #tpu.memory_space<vmem>>, vector<1x16xf32>,
        %get3A_1401 = vector.shape_cast %get3A_1400 : vector<1x16xf32> to vector<16xf32>
        %get3A_1402 = arith.index_cast %add3A_1389 : i32 to index
        %get3A_1403 = arith.constant 48 : index
        %get3A_1404 = tpu.vector_load %arg17[%get3A_1402, %get3A_1403] {strides = array<i32>} : memref<128x128xf32, #tpu.memory_space<vmem>>, vector<1x16xf32>,
        %get3A_1405 = vector.shape_cast %get3A_1404 : vector<1x16xf32> to vector<16xf32>
        %get3A_1406 = arith.index_cast %add3A_1389 : i32 to index
        %get3A_1407 = arith.constant 64 : index
        %get3A_1408 = tpu.vector_load %arg17[%get3A_1406, %get3A_1407] {strides = array<i32>} : memref<128x128xf32, #tpu.memory_space<vmem>>, vector<1x16xf32>,
        %get3A_1409 = vector.shape_cast %get3A_1408 : vector<1x16xf32> to vector<16xf32>
        %get3A_1410 = arith.index_cast %add3A_1389 : i32 to index
        %get3A_1411 = arith.constant 0 : index
        %get3A_1412 = tpu.vector_load %arg18[%get3A_1410, %get3A_1411] {strides = array<i32>} : memref<128x128xf32, #tpu.memory_space<vmem>>, vector<1x16xf32>,
        %get3A_1413 = vector.shape_cast %get3A_1412 : vector<1x16xf32> to vector<16xf32>
        %get3A_1414 = arith.index_cast %add3A_1389 : i32 to index
        %get3A_1415 = arith.constant 16 : index
        %get3A_1416 = tpu.vector_load %arg18[%get3A_1414, %get3A_1415] {strides = array<i32>} : memref<128x128xf32, #tpu.memory_space<vmem>>, vector<1x16xf32>,
        %get3A_1417 = vector.shape_cast %get3A_1416 : vector<1x16xf32> to vector<16xf32>
        %get3A_1418 = arith.index_cast %add3A_1389 : i32 to index
        %get3A_1419 = arith.constant 64 : index
        %get3A_1420 = tpu.vector_load %arg18[%get3A_1418, %get3A_1419] {strides = array<i32>} : memref<128x128xf32, #tpu.memory_space<vmem>>, vector<1x16xf32>,
        %get3A_1421 = vector.shape_cast %get3A_1420 : vector<1x16xf32> to vector<16xf32>
        %get3A_1422 = arith.index_cast %add3A_1389 : i32 to index
        %get3A_1423 = arith.constant 0 : index
        %get3A_1424 = tpu.vector_load %arg19[%get3A_1422, %get3A_1423] {strides = array<i32>} : memref<128x128xf32, #tpu.memory_space<vmem>>, vector<1x16xf32>,
        %get3A_1425 = vector.shape_cast %get3A_1424 : vector<1x16xf32> to vector<16xf32>
        %get3A_1426 = arith.index_cast %add3A_1389 : i32 to index
        %get3A_1427 = arith.constant 0 : index
        %get3A_1428 = tpu.vector_load %arg20[%get3A_1426, %get3A_1427] {strides = array<i32>} : memref<128x128xf32, #tpu.memory_space<vmem>>, vector<1x16xf32>,
        %get3A_1429 = vector.shape_cast %get3A_1428 : vector<1x16xf32> to vector<16xf32>
        %mul3A_1430 = arith.mulf %get3A_1393, %get3A_1413 : vector<16xf32>
        %mul3A_1431 = arith.mulf %get3A_1397, %get3A_1417 : vector<16xf32>
        %add3A_1432 = arith.addf %mul3A_1430, %mul3A_1431 : vector<16xf32>
        %mul3A_1433 = arith.mulf %get3A_1401, %get3A_1425 : vector<16xf32>
        %add3A_1434 = arith.addf %add3A_1432, %mul3A_1433 : vector<16xf32>
        %mul3A_1435 = arith.mulf %get3A_1405, %get3A_1429 : vector<16xf32>
        %add3A_1436 = arith.addf %add3A_1434, %mul3A_1435 : vector<16xf32>
        %mul3A_1437 = arith.mulf %get3A_1409, %get3A_1421 : vector<16xf32>
        %add3A_1438 = arith.addf %add3A_1436, %mul3A_1437 : vector<16xf32>
        %mul3A_1439 = arith.mulf %get3A_1393, %get3A_1393 : vector<16xf32>
        %add3A_1440 = arith.addf %add3A_1370, %mul3A_1439 : vector<16xf32>
        %mul3A_1441 = arith.mulf %get3A_1397, %get3A_1397 : vector<16xf32>
        %add3A_1442 = arith.addf %add3A_1440, %mul3A_1441 : vector<16xf32>
        %mul3A_1443 = arith.mulf %get3A_1401, %get3A_1401 : vector<16xf32>
        %add3A_1444 = arith.addf %add3A_1442, %mul3A_1443 : vector<16xf32>
        %mul3A_1445 = arith.mulf %get3A_1405, %get3A_1405 : vector<16xf32>
        %add3A_1446 = arith.addf %add3A_1444, %mul3A_1445 : vector<16xf32>
        %mul3A_1447 = arith.mulf %get3A_1413, %get3A_1413 : vector<16xf32>
        %add3A_1448 = arith.addf %add3A_1446, %mul3A_1447 : vector<16xf32>
        %mul3A_1449 = arith.mulf %get3A_1417, %get3A_1417 : vector<16xf32>
        %add3A_1450 = arith.addf %add3A_1448, %mul3A_1449 : vector<16xf32>
        %mul3A_1451 = arith.mulf %get3A_1425, %get3A_1425 : vector<16xf32>
        %add3A_1452 = arith.addf %add3A_1450, %mul3A_1451 : vector<16xf32>
        %mul3A_1453 = arith.mulf %get3A_1429, %get3A_1429 : vector<16xf32>
        %add3A_1454 = arith.addf %add3A_1452, %mul3A_1453 : vector<16xf32>
        %broadcast_in_dim3A_1455 = vector.shape_cast %select_n3A_20 : vector<16xi32> to vector<16x1xi32>
        %gather3A_1456 = vector.shape_cast %broadcast_in_dim3A_1455 : vector<16x1xi32> to vector<16xi32>
        %gather3A_1457 = tpu.dynamic_gather %add3A_1438[%gather3A_1456] in [0] : vector<16xf32>, vector<16xi32> -> vector<16xf32>
        %add3A_1458 = arith.addf %add3A_1438, %gather3A_1457 : vector<16xf32>
        %broadcast_in_dim3A_1459 = vector.shape_cast %select_n3A_45 : vector<16xi32> to vector<16x1xi32>
        %gather3A_1460 = vector.shape_cast %broadcast_in_dim3A_1459 : vector<16x1xi32> to vector<16xi32>
        %gather3A_1461 = tpu.dynamic_gather %add3A_1458[%gather3A_1460] in [0] : vector<16xf32>, vector<16xi32> -> vector<16xf32>
        %add3A_1462 = arith.addf %add3A_1458, %gather3A_1461 : vector<16xf32>
        %broadcast_in_dim3A_1463 = vector.shape_cast %select_n3A_70 : vector<16xi32> to vector<16x1xi32>
        %gather3A_1464 = vector.shape_cast %broadcast_in_dim3A_1463 : vector<16x1xi32> to vector<16xi32>
        %gather3A_1465 = tpu.dynamic_gather %add3A_1462[%gather3A_1464] in [0] : vector<16xf32>, vector<16xi32> -> vector<16xf32>
        %add3A_1466 = arith.addf %add3A_1462, %gather3A_1465 : vector<16xf32>
        %broadcast_in_dim3A_1467 = vector.shape_cast %select_n3A_95 : vector<16xi32> to vector<16x1xi32>
        %gather3A_1468 = vector.shape_cast %broadcast_in_dim3A_1467 : vector<16x1xi32> to vector<16xi32>
        %gather3A_1469 = tpu.dynamic_gather %add3A_1466[%gather3A_1468] in [0] : vector<16xf32>, vector<16xi32> -> vector<16xf32>
        %add3A_1470 = arith.addf %add3A_1466, %gather3A_1469 : vector<16xf32>
        %select_n3A_1471 = arith.select %eq3A_140, %add3A_1470, %select_n3A_1387 : vector<16xi1>, vector<16xf32>
        %add3A_1472 = arith.constant 15 : i32
        %add3A_1473 = arith.addi %mul3A_210, %add3A_1472 : i32
        %get3A_1474 = arith.index_cast %add3A_1473 : i32 to index
        %get3A_1475 = arith.constant 0 : index
        %get3A_1476 = tpu.vector_load %arg17[%get3A_1474, %get3A_1475] {strides = array<i32>} : memref<128x128xf32, #tpu.memory_space<vmem>>, vector<1x16xf32>,
        %get3A_1477 = vector.shape_cast %get3A_1476 : vector<1x16xf32> to vector<16xf32>
        %get3A_1478 = arith.index_cast %add3A_1473 : i32 to index
        %get3A_1479 = arith.constant 16 : index
        %get3A_1480 = tpu.vector_load %arg17[%get3A_1478, %get3A_1479] {strides = array<i32>} : memref<128x128xf32, #tpu.memory_space<vmem>>, vector<1x16xf32>,
        %get3A_1481 = vector.shape_cast %get3A_1480 : vector<1x16xf32> to vector<16xf32>
        %get3A_1482 = arith.index_cast %add3A_1473 : i32 to index
        %get3A_1483 = arith.constant 32 : index
        %get3A_1484 = tpu.vector_load %arg17[%get3A_1482, %get3A_1483] {strides = array<i32>} : memref<128x128xf32, #tpu.memory_space<vmem>>, vector<1x16xf32>,
        %get3A_1485 = vector.shape_cast %get3A_1484 : vector<1x16xf32> to vector<16xf32>
        %get3A_1486 = arith.index_cast %add3A_1473 : i32 to index
        %get3A_1487 = arith.constant 48 : index
        %get3A_1488 = tpu.vector_load %arg17[%get3A_1486, %get3A_1487] {strides = array<i32>} : memref<128x128xf32, #tpu.memory_space<vmem>>, vector<1x16xf32>,
        %get3A_1489 = vector.shape_cast %get3A_1488 : vector<1x16xf32> to vector<16xf32>
        %get3A_1490 = arith.index_cast %add3A_1473 : i32 to index
        %get3A_1491 = arith.constant 64 : index
        %get3A_1492 = tpu.vector_load %arg17[%get3A_1490, %get3A_1491] {strides = array<i32>} : memref<128x128xf32, #tpu.memory_space<vmem>>, vector<1x16xf32>,
        %get3A_1493 = vector.shape_cast %get3A_1492 : vector<1x16xf32> to vector<16xf32>
        %get3A_1494 = arith.index_cast %add3A_1473 : i32 to index
        %get3A_1495 = arith.constant 0 : index
        %get3A_1496 = tpu.vector_load %arg18[%get3A_1494, %get3A_1495] {strides = array<i32>} : memref<128x128xf32, #tpu.memory_space<vmem>>, vector<1x16xf32>,
        %get3A_1497 = vector.shape_cast %get3A_1496 : vector<1x16xf32> to vector<16xf32>
        %get3A_1498 = arith.index_cast %add3A_1473 : i32 to index
        %get3A_1499 = arith.constant 16 : index
        %get3A_1500 = tpu.vector_load %arg18[%get3A_1498, %get3A_1499] {strides = array<i32>} : memref<128x128xf32, #tpu.memory_space<vmem>>, vector<1x16xf32>,
        %get3A_1501 = vector.shape_cast %get3A_1500 : vector<1x16xf32> to vector<16xf32>
        %get3A_1502 = arith.index_cast %add3A_1473 : i32 to index
        %get3A_1503 = arith.constant 64 : index
        %get3A_1504 = tpu.vector_load %arg18[%get3A_1502, %get3A_1503] {strides = array<i32>} : memref<128x128xf32, #tpu.memory_space<vmem>>, vector<1x16xf32>,
        %get3A_1505 = vector.shape_cast %get3A_1504 : vector<1x16xf32> to vector<16xf32>
        %get3A_1506 = arith.index_cast %add3A_1473 : i32 to index
        %get3A_1507 = arith.constant 0 : index
        %get3A_1508 = tpu.vector_load %arg19[%get3A_1506, %get3A_1507] {strides = array<i32>} : memref<128x128xf32, #tpu.memory_space<vmem>>, vector<1x16xf32>,
        %get3A_1509 = vector.shape_cast %get3A_1508 : vector<1x16xf32> to vector<16xf32>
        %get3A_1510 = arith.index_cast %add3A_1473 : i32 to index
        %get3A_1511 = arith.constant 0 : index
        %get3A_1512 = tpu.vector_load %arg20[%get3A_1510, %get3A_1511] {strides = array<i32>} : memref<128x128xf32, #tpu.memory_space<vmem>>, vector<1x16xf32>,
        %get3A_1513 = vector.shape_cast %get3A_1512 : vector<1x16xf32> to vector<16xf32>
        %mul3A_1514 = arith.mulf %get3A_1477, %get3A_1497 : vector<16xf32>
        %mul3A_1515 = arith.mulf %get3A_1481, %get3A_1501 : vector<16xf32>
        %add3A_1516 = arith.addf %mul3A_1514, %mul3A_1515 : vector<16xf32>
        %mul3A_1517 = arith.mulf %get3A_1485, %get3A_1509 : vector<16xf32>
        %add3A_1518 = arith.addf %add3A_1516, %mul3A_1517 : vector<16xf32>
        %mul3A_1519 = arith.mulf %get3A_1489, %get3A_1513 : vector<16xf32>
        %add3A_1520 = arith.addf %add3A_1518, %mul3A_1519 : vector<16xf32>
        %mul3A_1521 = arith.mulf %get3A_1493, %get3A_1505 : vector<16xf32>
        %add3A_1522 = arith.addf %add3A_1520, %mul3A_1521 : vector<16xf32>
        %mul3A_1523 = arith.mulf %get3A_1477, %get3A_1477 : vector<16xf32>
        %add3A_1524 = arith.addf %add3A_1454, %mul3A_1523 : vector<16xf32>
        %mul3A_1525 = arith.mulf %get3A_1481, %get3A_1481 : vector<16xf32>
        %add3A_1526 = arith.addf %add3A_1524, %mul3A_1525 : vector<16xf32>
        %mul3A_1527 = arith.mulf %get3A_1485, %get3A_1485 : vector<16xf32>
        %add3A_1528 = arith.addf %add3A_1526, %mul3A_1527 : vector<16xf32>
        %mul3A_1529 = arith.mulf %get3A_1489, %get3A_1489 : vector<16xf32>
        %add3A_1530 = arith.addf %add3A_1528, %mul3A_1529 : vector<16xf32>
        %mul3A_1531 = arith.mulf %get3A_1497, %get3A_1497 : vector<16xf32>
        %add3A_1532 = arith.addf %add3A_1530, %mul3A_1531 : vector<16xf32>
        %mul3A_1533 = arith.mulf %get3A_1501, %get3A_1501 : vector<16xf32>
        %add3A_1534 = arith.addf %add3A_1532, %mul3A_1533 : vector<16xf32>
        %mul3A_1535 = arith.mulf %get3A_1509, %get3A_1509 : vector<16xf32>
        %add3A_1536 = arith.addf %add3A_1534, %mul3A_1535 : vector<16xf32>
        %mul3A_1537 = arith.mulf %get3A_1513, %get3A_1513 : vector<16xf32>
        %add3A_1538 = arith.addf %add3A_1536, %mul3A_1537 : vector<16xf32>
        %broadcast_in_dim3A_1539 = vector.shape_cast %select_n3A_20 : vector<16xi32> to vector<16x1xi32>
        %gather3A_1540 = vector.shape_cast %broadcast_in_dim3A_1539 : vector<16x1xi32> to vector<16xi32>
        %gather3A_1541 = tpu.dynamic_gather %add3A_1522[%gather3A_1540] in [0] : vector<16xf32>, vector<16xi32> -> vector<16xf32>
        %add3A_1542 = arith.addf %add3A_1522, %gather3A_1541 : vector<16xf32>
        %broadcast_in_dim3A_1543 = vector.shape_cast %select_n3A_45 : vector<16xi32> to vector<16x1xi32>
        %gather3A_1544 = vector.shape_cast %broadcast_in_dim3A_1543 : vector<16x1xi32> to vector<16xi32>
        %gather3A_1545 = tpu.dynamic_gather %add3A_1542[%gather3A_1544] in [0] : vector<16xf32>, vector<16xi32> -> vector<16xf32>
        %add3A_1546 = arith.addf %add3A_1542, %gather3A_1545 : vector<16xf32>
        %broadcast_in_dim3A_1547 = vector.shape_cast %select_n3A_70 : vector<16xi32> to vector<16x1xi32>
        %gather3A_1548 = vector.shape_cast %broadcast_in_dim3A_1547 : vector<16x1xi32> to vector<16xi32>
        %gather3A_1549 = tpu.dynamic_gather %add3A_1546[%gather3A_1548] in [0] : vector<16xf32>, vector<16xi32> -> vector<16xf32>
        %add3A_1550 = arith.addf %add3A_1546, %gather3A_1549 : vector<16xf32>
        %broadcast_in_dim3A_1551 = vector.shape_cast %select_n3A_95 : vector<16xi32> to vector<16x1xi32>
        %gather3A_1552 = vector.shape_cast %broadcast_in_dim3A_1551 : vector<16x1xi32> to vector<16xi32>
        %gather3A_1553 = tpu.dynamic_gather %add3A_1550[%gather3A_1552] in [0] : vector<16xf32>, vector<16xi32> -> vector<16xf32>
        %add3A_1554 = arith.addf %add3A_1550, %gather3A_1553 : vector<16xf32>
        %select_n3A_1555 = arith.select %eq3A_143, %add3A_1554, %select_n3A_1471 : vector<16xi1>, vector<16xf32>
        %add3A_1556 = arith.addf %select_n3A_1555, %get3A_2 : vector<16xf32>
        %mul3A_1557 = arith.constant 128 : i32
        %mul3A_1558 = arith.muli %scan3A_153, %mul3A_1557 : i32
        %add3A_1559 = arith.addi %mul3A_1558, %mul3A_210 : i32
        %swap3A_1560 = arith.index_cast %add3A_1559 : i32 to index
        %swap3A_1561 = tpu.vector_load %arg22[%swap3A_1560] {strides = array<i32>} : memref<512xf32, #tpu.memory_space<vmem>>, vector<16xf32>,
        %swap3A_1562 = vector.shape_cast %swap3A_1561 : vector<16xf32> to vector<16xf32>
        %swap3A_1563 = vector.shape_cast %add3A_1556 : vector<16xf32> to vector<16xf32>
        tpu.vector_store %arg22[%swap3A_1560], %swap3A_1563 {strides = array<i32>} : memref<512xf32, #tpu.memory_space<vmem>>, vector<16xf32>,
        scf.yield %add3A_1538 : vector<16xf32>
      }
      %scan3A_206 = arith.constant 8 : i32
      scf.yield %scan3A_205 : vector<16xf32>
    }
    %scan3A_149 = arith.constant 4 : i32
    %swap3A = arith.constant 0 : index
    %swap3A_150 = tpu.vector_load %arg23[%swap3A] {strides = array<i32>} : memref<16xf32, #tpu.memory_space<vmem>>, vector<16xf32>,
    %swap3A_151 = vector.shape_cast %swap3A_150 : vector<16xf32> to vector<16xf32>
    %swap3A_152 = vector.shape_cast %scan3A_148 : vector<16xf32> to vector<16xf32>
    tpu.vector_store %arg23[%swap3A], %swap3A_152 {strides = array<i32>} : memref<16xf32, #tpu.memory_space<vmem>>, vector<16xf32>,
    "tpu.region"() ({
      %run_scoped3A = tpu.sem_alloc : memref<!tpu.dma_semaphore, #tpu.memory_space<semaphore_mem>>
      %dma_start3A = arith.constant 0 : i32
      %dma_start3A_153 = tpu.memref_slice %arg11[%add3A, %dma_start3A] : memref<32x512xf32, #tpu.memory_space<hbm>> -> memref<1x512xf32, #tpu.memory_space<hbm>>
      %dma_start3A_154 = tpu.memref_squeeze %dma_start3A_153 : memref<1x512xf32, #tpu.memory_space<hbm>> -> memref<512xf32, #tpu.memory_space<hbm>>
      %dma_start3A_155 = arith.constant 0 : i32
      %dma_start3A_156 = tpu.memref_slice %arg11[%add3A, %dma_start3A_155] : memref<32x512xf32, #tpu.memory_space<hbm>> -> memref<1x512xf32, #tpu.memory_space<hbm>>
      %dma_start3A_157 = tpu.memref_squeeze %dma_start3A_156 : memref<1x512xf32, #tpu.memory_space<hbm>> -> memref<512xf32, #tpu.memory_space<hbm>>
      tpu.enqueue_dma source(%arg22 : memref<512xf32, #tpu.memory_space<vmem>>) target(%dma_start3A_157 : memref<512xf32, #tpu.memory_space<hbm>>) target_semaphore(%run_scoped3A : memref<!tpu.dma_semaphore, #tpu.memory_space<semaphore_mem>>)
      %dma_wait3A = arith.constant 0 : i32
      %dma_wait3A_158 = tpu.memref_slice %arg11[%add3A, %dma_wait3A] : memref<32x512xf32, #tpu.memory_space<hbm>> -> memref<1x512xf32, #tpu.memory_space<hbm>>
      %dma_wait3A_159 = tpu.memref_squeeze %dma_wait3A_158 : memref<1x512xf32, #tpu.memory_space<hbm>> -> memref<512xf32, #tpu.memory_space<hbm>>
      %dma_wait3A_160 = arith.constant 0 : i32
      %dma_wait3A_161 = tpu.memref_slice %arg11[%add3A, %dma_wait3A_160] : memref<32x512xf32, #tpu.memory_space<hbm>> -> memref<1x512xf32, #tpu.memory_space<hbm>>
      %dma_wait3A_162 = tpu.memref_squeeze %dma_wait3A_161 : memref<1x512xf32, #tpu.memory_space<hbm>> -> memref<512xf32, #tpu.memory_space<hbm>>
      tpu.wait_dma2 semaphore(%run_scoped3A : memref<!tpu.dma_semaphore, #tpu.memory_space<semaphore_mem>>) src(%arg22 : memref<512xf32, #tpu.memory_space<vmem>>) dst(%dma_wait3A_162 : memref<512xf32, #tpu.memory_space<hbm>>)
      tpu.yield
    }) : () -> ()
    "tpu.region"() ({
      %run_scoped3A = tpu.sem_alloc : memref<!tpu.dma_semaphore, #tpu.memory_space<semaphore_mem>>
      %dma_start3A = arith.constant 0 : i32
      %dma_start3A_153 = tpu.memref_slice %arg12[%add3A, %dma_start3A] : memref<32x16xf32, #tpu.memory_space<hbm>> -> memref<1x16xf32, #tpu.memory_space<hbm>>
      %dma_start3A_154 = tpu.memref_squeeze %dma_start3A_153 : memref<1x16xf32, #tpu.memory_space<hbm>> -> memref<16xf32, #tpu.memory_space<hbm>>
      %dma_start3A_155 = arith.constant 0 : i32
      %dma_start3A_156 = tpu.memref_slice %arg12[%add3A, %dma_start3A_155] : memref<32x16xf32, #tpu.memory_space<hbm>> -> memref<1x16xf32, #tpu.memory_space<hbm>>
      %dma_start3A_157 = tpu.memref_squeeze %dma_start3A_156 : memref<1x16xf32, #tpu.memory_space<hbm>> -> memref<16xf32, #tpu.memory_space<hbm>>
      tpu.enqueue_dma source(%arg23 : memref<16xf32, #tpu.memory_space<vmem>>) target(%dma_start3A_157 : memref<16xf32, #tpu.memory_space<hbm>>) target_semaphore(%run_scoped3A : memref<!tpu.dma_semaphore, #tpu.memory_space<semaphore_mem>>)
      %dma_wait3A = arith.constant 0 : i32
      %dma_wait3A_158 = tpu.memref_slice %arg12[%add3A, %dma_wait3A] : memref<32x16xf32, #tpu.memory_space<hbm>> -> memref<1x16xf32, #tpu.memory_space<hbm>>
      %dma_wait3A_159 = tpu.memref_squeeze %dma_wait3A_158 : memref<1x16xf32, #tpu.memory_space<hbm>> -> memref<16xf32, #tpu.memory_space<hbm>>
      %dma_wait3A_160 = arith.constant 0 : i32
      %dma_wait3A_161 = tpu.memref_slice %arg12[%add3A, %dma_wait3A_160] : memref<32x16xf32, #tpu.memory_space<hbm>> -> memref<1x16xf32, #tpu.memory_space<hbm>>
      %dma_wait3A_162 = tpu.memref_squeeze %dma_wait3A_161 : memref<1x16xf32, #tpu.memory_space<hbm>> -> memref<16xf32, #tpu.memory_space<hbm>>
      tpu.wait_dma2 semaphore(%run_scoped3A : memref<!tpu.dma_semaphore, #tpu.memory_space<semaphore_mem>>) src(%arg23 : memref<16xf32, #tpu.memory_space<vmem>>) dst(%dma_wait3A_162 : memref<16xf32, #tpu.memory_space<hbm>>)
      tpu.yield
    }) : () -> ()
    return
  }
}

module attributes {stable_mosaic.version = 14 : i64} {
  func.func @body(%arg0: memref<32x100000xf32, #tpu.memory_space<any>>, %arg1: memref<1x100000xf32, #tpu.memory_space<any>>, %arg2: memref<32x32xf32, #tpu.memory_space<vmem>>, %arg3: memref<1x32xf32, #tpu.memory_space<vmem>>, %arg4: memref<100000x128xf32, #tpu.memory_space<any>>, %arg5: memref<32x16384xf32, #tpu.memory_space<vmem>>, %arg6: memref<32x16384xf32, #tpu.memory_space<vmem>>, %arg7: memref<1x16384xf32, #tpu.memory_space<vmem>>, %arg8: memref<1x16384xf32, #tpu.memory_space<vmem>>, %arg9: memref<16384x128xf32, #tpu.memory_space<vmem>>, %arg10: memref<16384x128xf32, #tpu.memory_space<vmem>>, %arg11: memref<!tpu.dma_semaphore, #tpu.memory_space<semaphore_mem>>, %arg12: memref<!tpu.dma_semaphore, #tpu.memory_space<semaphore_mem>>, %arg13: memref<!tpu.dma_semaphore, #tpu.memory_space<semaphore_mem>>, %arg14: memref<!tpu.dma_semaphore, #tpu.memory_space<semaphore_mem>>) attributes {dimension_semantics = [], scalar_prefetch = 0 : i64, scratch_operands = 10 : i64, tpu.core_type = #tpu.core_type<tc>} {
    %dma_start3A = arith.constant 0 : i32
    %dma_start3A_0 = arith.constant 0 : i32
    %dma_start3A_1 = tpu.memref_slice %arg0[%dma_start3A, %dma_start3A_0] : memref<32x100000xf32, #tpu.memory_space<any>> -> memref<32x16384xf32, #tpu.memory_space<any>>
    tpu.enqueue_dma source(%dma_start3A_1 : memref<32x16384xf32, #tpu.memory_space<any>>) target(%arg5 : memref<32x16384xf32, #tpu.memory_space<vmem>>) target_semaphore(%arg11 : memref<!tpu.dma_semaphore, #tpu.memory_space<semaphore_mem>>)
    %dma_start3A_2 = arith.constant 0 : i32
    %dma_start3A_3 = arith.constant 0 : i32
    %dma_start3A_4 = tpu.memref_slice %arg1[%dma_start3A_2, %dma_start3A_3] : memref<1x100000xf32, #tpu.memory_space<any>> -> memref<1x16384xf32, #tpu.memory_space<any>>
    tpu.enqueue_dma source(%dma_start3A_4 : memref<1x16384xf32, #tpu.memory_space<any>>) target(%arg7 : memref<1x16384xf32, #tpu.memory_space<vmem>>) target_semaphore(%arg11 : memref<!tpu.dma_semaphore, #tpu.memory_space<semaphore_mem>>)
    %scan3A = arith.constant 0 : i32
    %scan3A_5 = arith.constant 3 : i32
    %scan3A_6 = arith.addi %scan3A, %scan3A_5 : i32
    %scan3A_7 = arith.constant 1 : i32
    scf.for %scan3A_93 = %scan3A to %scan3A_6 step %scan3A_7  : i32 {
      %mul3A = arith.constant 2 : i32
      %mul3A_94 = arith.muli %mul3A, %scan3A_93 : i32
      %mul3A_95 = arith.constant 16384 : i32
      %mul3A_96 = arith.muli %mul3A_94, %mul3A_95 : i32
      %multiple_of3A = tpu.assume_multiple %mul3A_96, 128 : i32
      %mul3A_97 = arith.constant 2 : i32
      %mul3A_98 = arith.muli %mul3A_97, %scan3A_93 : i32
      %add3A = arith.constant 1 : i32
      %add3A_99 = arith.addi %mul3A_98, %add3A : i32
      %mul3A_100 = arith.constant 16384 : i32
      %mul3A_101 = arith.muli %add3A_99, %mul3A_100 : i32
      %multiple_of3A_102 = tpu.assume_multiple %mul3A_101, 128 : i32
      %mul3A_103 = arith.constant 2 : i32
      %mul3A_104 = arith.muli %mul3A_103, %scan3A_93 : i32
      %add3A_105 = arith.constant 2 : i32
      %add3A_106 = arith.addi %mul3A_104, %add3A_105 : i32
      %mul3A_107 = arith.constant 16384 : i32
      %mul3A_108 = arith.muli %add3A_106, %mul3A_107 : i32
      %multiple_of3A_109 = tpu.assume_multiple %mul3A_108, 128 : i32
      %dma_start3A_110 = arith.constant 0 : i32
      %dma_start3A_111 = tpu.memref_slice %arg0[%dma_start3A_110, %multiple_of3A_102] : memref<32x100000xf32, #tpu.memory_space<any>> -> memref<32x16384xf32, #tpu.memory_space<any>>
      tpu.enqueue_dma source(%dma_start3A_111 : memref<32x16384xf32, #tpu.memory_space<any>>) target(%arg6 : memref<32x16384xf32, #tpu.memory_space<vmem>>) target_semaphore(%arg12 : memref<!tpu.dma_semaphore, #tpu.memory_space<semaphore_mem>>)
      %dma_start3A_112 = arith.constant 0 : i32
      %dma_start3A_113 = tpu.memref_slice %arg1[%dma_start3A_112, %multiple_of3A_102] : memref<1x100000xf32, #tpu.memory_space<any>> -> memref<1x16384xf32, #tpu.memory_space<any>>
      tpu.enqueue_dma source(%dma_start3A_113 : memref<1x16384xf32, #tpu.memory_space<any>>) target(%arg8 : memref<1x16384xf32, #tpu.memory_space<vmem>>) target_semaphore(%arg12 : memref<!tpu.dma_semaphore, #tpu.memory_space<semaphore_mem>>)
      %dma_wait3A_114 = arith.constant 0 : i32
      %dma_wait3A_115 = tpu.memref_slice %arg0[%dma_wait3A_114, %multiple_of3A] : memref<32x100000xf32, #tpu.memory_space<any>> -> memref<32x16384xf32, #tpu.memory_space<any>>
      tpu.wait_dma2 semaphore(%arg11 : memref<!tpu.dma_semaphore, #tpu.memory_space<semaphore_mem>>) src(%dma_wait3A_115 : memref<32x16384xf32, #tpu.memory_space<any>>) dst(%arg5 : memref<32x16384xf32, #tpu.memory_space<vmem>>)
      %dma_wait3A_116 = arith.constant 0 : i32
      %dma_wait3A_117 = tpu.memref_slice %arg1[%dma_wait3A_116, %multiple_of3A] : memref<1x100000xf32, #tpu.memory_space<any>> -> memref<1x16384xf32, #tpu.memory_space<any>>
      tpu.wait_dma2 semaphore(%arg11 : memref<!tpu.dma_semaphore, #tpu.memory_space<semaphore_mem>>) src(%dma_wait3A_117 : memref<1x16384xf32, #tpu.memory_space<any>>) dst(%arg7 : memref<1x16384xf32, #tpu.memory_space<vmem>>)
      %gt3A = arith.constant 0 : i32
      %gt3A_118 = arith.cmpi sgt, %scan3A_93, %gt3A : i32
      %convert_element_type3A = arith.extui %gt3A_118 : i1 to i32
      %cond3A = arith.constant 0 : i32
      %cond3A_119 = arith.cmpi ne, %convert_element_type3A, %cond3A : i32
      scf.if %cond3A_119 {
        %dma_wait3A_173 = arith.constant 0 : i32
        %dma_wait3A_174 = arith.constant 0 : i32
        %dma_wait3A_175 = tpu.memref_slice %arg4[%dma_wait3A_173, %dma_wait3A_174] : memref<100000x128xf32, #tpu.memory_space<any>> -> memref<16384x128xf32, #tpu.memory_space<any>>
        tpu.wait_dma2 semaphore(%arg13 : memref<!tpu.dma_semaphore, #tpu.memory_space<semaphore_mem>>) src(%arg9 : memref<16384x128xf32, #tpu.memory_space<vmem>>) dst(%dma_wait3A_175 : memref<16384x128xf32, #tpu.memory_space<any>>)
      } else {
      }
      %get3A_120 = arith.constant 0 : index
      %get3A_121 = arith.constant 0 : index
      %get3A_122 = vector.load %arg5[%get3A_120, %get3A_121] : memref<32x16384xf32, #tpu.memory_space<vmem>>, vector<32x16384xf32>
      %get3A_123 = arith.constant 0 : index
      %get3A_124 = arith.constant 0 : index
      %get3A_125 = vector.load %arg7[%get3A_123, %get3A_124] : memref<1x16384xf32, #tpu.memory_space<vmem>>, vector<1x16384xf32>
      %broadcast_in_dim3A_126 = arith.constant 0.000000e+00 : f32
      %broadcast_in_dim3A_127 = vector.broadcast %broadcast_in_dim3A_126 : f32 to vector<32x16384xf32>
      %broadcast_in_dim3A_128 = arith.constant 1.000000e+00 : f32
      %broadcast_in_dim3A_129 = vector.broadcast %broadcast_in_dim3A_128 : f32 to vector<1x16384xf32>
      %concatenate3A_130 = tpu.concatenate %get3A_122, %broadcast_in_dim3A_127, %broadcast_in_dim3A_129, %get3A_125 in 0 : vector<32x16384xf32>, vector<32x16384xf32>, vector<1x16384xf32>, vector<1x16384xf32> -> vector<66x16384xf32>
      %transpose3A_131 = tpu.transpose %concatenate3A_130, [1, 0] : vector<66x16384xf32> -> vector<16384x66xf32>
      %broadcast_in_dim3A_132 = arith.constant 0.000000e+00 : f32
      %broadcast_in_dim3A_133 = vector.broadcast %broadcast_in_dim3A_132 : f32 to vector<16384x62xf32>
      %concatenate3A_134 = tpu.concatenate %transpose3A_131, %broadcast_in_dim3A_133 in 1 : vector<16384x66xf32>, vector<16384x62xf32> -> vector<16384x128xf32>
      %swap3A_135 = arith.constant 0 : index
      %swap3A_136 = arith.constant 0 : index
      %swap3A_137 = vector.load %arg9[%swap3A_135, %swap3A_136] : memref<16384x128xf32, #tpu.memory_space<vmem>>, vector<16384x128xf32>
      tpu.vector_store %arg9[%swap3A_135, %swap3A_136], %concatenate3A_134 {strides = array<i32>} : memref<16384x128xf32, #tpu.memory_space<vmem>>, vector<16384x128xf32>,
      %dma_start3A_138 = arith.constant 0 : i32
      %dma_start3A_139 = tpu.memref_slice %arg4[%multiple_of3A, %dma_start3A_138] : memref<100000x128xf32, #tpu.memory_space<any>> -> memref<16384x128xf32, #tpu.memory_space<any>>
      tpu.enqueue_dma source(%arg9 : memref<16384x128xf32, #tpu.memory_space<vmem>>) target(%dma_start3A_139 : memref<16384x128xf32, #tpu.memory_space<any>>) target_semaphore(%arg13 : memref<!tpu.dma_semaphore, #tpu.memory_space<semaphore_mem>>)
      %lt3A = arith.constant 2 : i32
      %lt3A_140 = arith.cmpi slt, %scan3A_93, %lt3A : i32
      %convert_element_type3A_141 = arith.extui %lt3A_140 : i1 to i32
      %cond3A_142 = arith.constant 0 : i32
      %cond3A_143 = arith.cmpi ne, %convert_element_type3A_141, %cond3A_142 : i32
      scf.if %cond3A_143 {
        %dma_start3A_173 = arith.constant 0 : i32
        %dma_start3A_174 = tpu.memref_slice %arg0[%dma_start3A_173, %multiple_of3A_109] : memref<32x100000xf32, #tpu.memory_space<any>> -> memref<32x16384xf32, #tpu.memory_space<any>>
        tpu.enqueue_dma source(%dma_start3A_174 : memref<32x16384xf32, #tpu.memory_space<any>>) target(%arg5 : memref<32x16384xf32, #tpu.memory_space<vmem>>) target_semaphore(%arg11 : memref<!tpu.dma_semaphore, #tpu.memory_space<semaphore_mem>>)
        %dma_start3A_175 = arith.constant 0 : i32
        %dma_start3A_176 = tpu.memref_slice %arg1[%dma_start3A_175, %multiple_of3A_109] : memref<1x100000xf32, #tpu.memory_space<any>> -> memref<1x16384xf32, #tpu.memory_space<any>>
        tpu.enqueue_dma source(%dma_start3A_176 : memref<1x16384xf32, #tpu.memory_space<any>>) target(%arg7 : memref<1x16384xf32, #tpu.memory_space<vmem>>) target_semaphore(%arg11 : memref<!tpu.dma_semaphore, #tpu.memory_space<semaphore_mem>>)
      } else {
      }
      %dma_wait3A_144 = arith.constant 0 : i32
      %dma_wait3A_145 = tpu.memref_slice %arg0[%dma_wait3A_144, %multiple_of3A_102] : memref<32x100000xf32, #tpu.memory_space<any>> -> memref<32x16384xf32, #tpu.memory_space<any>>
      tpu.wait_dma2 semaphore(%arg12 : memref<!tpu.dma_semaphore, #tpu.memory_space<semaphore_mem>>) src(%dma_wait3A_145 : memref<32x16384xf32, #tpu.memory_space<any>>) dst(%arg6 : memref<32x16384xf32, #tpu.memory_space<vmem>>)
      %dma_wait3A_146 = arith.constant 0 : i32
      %dma_wait3A_147 = tpu.memref_slice %arg1[%dma_wait3A_146, %multiple_of3A_102] : memref<1x100000xf32, #tpu.memory_space<any>> -> memref<1x16384xf32, #tpu.memory_space<any>>
      tpu.wait_dma2 semaphore(%arg12 : memref<!tpu.dma_semaphore, #tpu.memory_space<semaphore_mem>>) src(%dma_wait3A_147 : memref<1x16384xf32, #tpu.memory_space<any>>) dst(%arg8 : memref<1x16384xf32, #tpu.memory_space<vmem>>)
      %gt3A_148 = arith.constant 0 : i32
      %gt3A_149 = arith.cmpi sgt, %scan3A_93, %gt3A_148 : i32
      %convert_element_type3A_150 = arith.extui %gt3A_149 : i1 to i32
      %cond3A_151 = arith.constant 0 : i32
      %cond3A_152 = arith.cmpi ne, %convert_element_type3A_150, %cond3A_151 : i32
      scf.if %cond3A_152 {
        %dma_wait3A_173 = arith.constant 0 : i32
        %dma_wait3A_174 = arith.constant 0 : i32
        %dma_wait3A_175 = tpu.memref_slice %arg4[%dma_wait3A_173, %dma_wait3A_174] : memref<100000x128xf32, #tpu.memory_space<any>> -> memref<16384x128xf32, #tpu.memory_space<any>>
        tpu.wait_dma2 semaphore(%arg14 : memref<!tpu.dma_semaphore, #tpu.memory_space<semaphore_mem>>) src(%arg10 : memref<16384x128xf32, #tpu.memory_space<vmem>>) dst(%dma_wait3A_175 : memref<16384x128xf32, #tpu.memory_space<any>>)
      } else {
      }
      %get3A_153 = arith.constant 0 : index
      %get3A_154 = arith.constant 0 : index
      %get3A_155 = vector.load %arg6[%get3A_153, %get3A_154] : memref<32x16384xf32, #tpu.memory_space<vmem>>, vector<32x16384xf32>
      %get3A_156 = arith.constant 0 : index
      %get3A_157 = arith.constant 0 : index
      %get3A_158 = vector.load %arg8[%get3A_156, %get3A_157] : memref<1x16384xf32, #tpu.memory_space<vmem>>, vector<1x16384xf32>
      %broadcast_in_dim3A_159 = arith.constant 0.000000e+00 : f32
      %broadcast_in_dim3A_160 = vector.broadcast %broadcast_in_dim3A_159 : f32 to vector<32x16384xf32>
      %broadcast_in_dim3A_161 = arith.constant 1.000000e+00 : f32
      %broadcast_in_dim3A_162 = vector.broadcast %broadcast_in_dim3A_161 : f32 to vector<1x16384xf32>
      %concatenate3A_163 = tpu.concatenate %get3A_155, %broadcast_in_dim3A_160, %broadcast_in_dim3A_162, %get3A_158 in 0 : vector<32x16384xf32>, vector<32x16384xf32>, vector<1x16384xf32>, vector<1x16384xf32> -> vector<66x16384xf32>
      %transpose3A_164 = tpu.transpose %concatenate3A_163, [1, 0] : vector<66x16384xf32> -> vector<16384x66xf32>
      %broadcast_in_dim3A_165 = arith.constant 0.000000e+00 : f32
      %broadcast_in_dim3A_166 = vector.broadcast %broadcast_in_dim3A_165 : f32 to vector<16384x62xf32>
      %concatenate3A_167 = tpu.concatenate %transpose3A_164, %broadcast_in_dim3A_166 in 1 : vector<16384x66xf32>, vector<16384x62xf32> -> vector<16384x128xf32>
      %swap3A_168 = arith.constant 0 : index
      %swap3A_169 = arith.constant 0 : index
      %swap3A_170 = vector.load %arg10[%swap3A_168, %swap3A_169] : memref<16384x128xf32, #tpu.memory_space<vmem>>, vector<16384x128xf32>
      tpu.vector_store %arg10[%swap3A_168, %swap3A_169], %concatenate3A_167 {strides = array<i32>} : memref<16384x128xf32, #tpu.memory_space<vmem>>, vector<16384x128xf32>,
      %dma_start3A_171 = arith.constant 0 : i32
      %dma_start3A_172 = tpu.memref_slice %arg4[%multiple_of3A_102, %dma_start3A_171] : memref<100000x128xf32, #tpu.memory_space<any>> -> memref<16384x128xf32, #tpu.memory_space<any>>
      tpu.enqueue_dma source(%arg10 : memref<16384x128xf32, #tpu.memory_space<vmem>>) target(%dma_start3A_172 : memref<16384x128xf32, #tpu.memory_space<any>>) target_semaphore(%arg14 : memref<!tpu.dma_semaphore, #tpu.memory_space<semaphore_mem>>)
    }
    %scan3A_8 = arith.constant 3 : i32
    %dma_wait3A = arith.constant 0 : i32
    %dma_wait3A_9 = arith.constant 0 : i32
    %dma_wait3A_10 = tpu.memref_slice %arg4[%dma_wait3A, %dma_wait3A_9] : memref<100000x128xf32, #tpu.memory_space<any>> -> memref<16384x128xf32, #tpu.memory_space<any>>
    tpu.wait_dma2 semaphore(%arg13 : memref<!tpu.dma_semaphore, #tpu.memory_space<semaphore_mem>>) src(%arg9 : memref<16384x128xf32, #tpu.memory_space<vmem>>) dst(%dma_wait3A_10 : memref<16384x128xf32, #tpu.memory_space<any>>)
    %dma_wait3A_11 = arith.constant 0 : i32
    %dma_wait3A_12 = arith.constant 0 : i32
    %dma_wait3A_13 = tpu.memref_slice %arg4[%dma_wait3A_11, %dma_wait3A_12] : memref<100000x128xf32, #tpu.memory_space<any>> -> memref<16384x128xf32, #tpu.memory_space<any>>
    tpu.wait_dma2 semaphore(%arg14 : memref<!tpu.dma_semaphore, #tpu.memory_space<semaphore_mem>>) src(%arg10 : memref<16384x128xf32, #tpu.memory_space<vmem>>) dst(%dma_wait3A_13 : memref<16384x128xf32, #tpu.memory_space<any>>)
    %dma_start3A_14 = arith.constant 0 : i32
    %dma_start3A_15 = arith.constant 0 : i32
    %dma_start3A_16 = tpu.memref_slice %arg5[%dma_start3A_14, %dma_start3A_15] : memref<32x16384xf32, #tpu.memory_space<vmem>> -> memref<32x1664xf32, #tpu.memory_space<vmem>>
    %dma_start3A_17 = arith.constant 0 : i32
    %dma_start3A_18 = arith.constant 98304 : i32
    %dma_start3A_19 = tpu.memref_slice %arg0[%dma_start3A_17, %dma_start3A_18] : memref<32x100000xf32, #tpu.memory_space<any>> -> memref<32x1664xf32, #tpu.memory_space<any>>
    tpu.enqueue_dma source(%dma_start3A_19 : memref<32x1664xf32, #tpu.memory_space<any>>) target(%dma_start3A_16 : memref<32x1664xf32, #tpu.memory_space<vmem>>) target_semaphore(%arg11 : memref<!tpu.dma_semaphore, #tpu.memory_space<semaphore_mem>>)
    %dma_start3A_20 = arith.constant 0 : i32
    %dma_start3A_21 = arith.constant 0 : i32
    %dma_start3A_22 = tpu.memref_slice %arg7[%dma_start3A_20, %dma_start3A_21] : memref<1x16384xf32, #tpu.memory_space<vmem>> -> memref<1x1664xf32, #tpu.memory_space<vmem>>
    %dma_start3A_23 = arith.constant 0 : i32
    %dma_start3A_24 = arith.constant 98304 : i32
    %dma_start3A_25 = tpu.memref_slice %arg1[%dma_start3A_23, %dma_start3A_24] : memref<1x100000xf32, #tpu.memory_space<any>> -> memref<1x1664xf32, #tpu.memory_space<any>>
    tpu.enqueue_dma source(%dma_start3A_25 : memref<1x1664xf32, #tpu.memory_space<any>>) target(%dma_start3A_22 : memref<1x1664xf32, #tpu.memory_space<vmem>>) target_semaphore(%arg11 : memref<!tpu.dma_semaphore, #tpu.memory_space<semaphore_mem>>)
    %dma_wait3A_26 = arith.constant 0 : i32
    %dma_wait3A_27 = arith.constant 0 : i32
    %dma_wait3A_28 = tpu.memref_slice %arg5[%dma_wait3A_26, %dma_wait3A_27] : memref<32x16384xf32, #tpu.memory_space<vmem>> -> memref<32x1664xf32, #tpu.memory_space<vmem>>
    %dma_wait3A_29 = arith.constant 0 : i32
    %dma_wait3A_30 = arith.constant 98304 : i32
    %dma_wait3A_31 = tpu.memref_slice %arg0[%dma_wait3A_29, %dma_wait3A_30] : memref<32x100000xf32, #tpu.memory_space<any>> -> memref<32x1664xf32, #tpu.memory_space<any>>
    tpu.wait_dma2 semaphore(%arg11 : memref<!tpu.dma_semaphore, #tpu.memory_space<semaphore_mem>>) src(%dma_wait3A_31 : memref<32x1664xf32, #tpu.memory_space<any>>) dst(%dma_wait3A_28 : memref<32x1664xf32, #tpu.memory_space<vmem>>)
    %dma_wait3A_32 = arith.constant 0 : i32
    %dma_wait3A_33 = arith.constant 0 : i32
    %dma_wait3A_34 = tpu.memref_slice %arg7[%dma_wait3A_32, %dma_wait3A_33] : memref<1x16384xf32, #tpu.memory_space<vmem>> -> memref<1x1664xf32, #tpu.memory_space<vmem>>
    %dma_wait3A_35 = arith.constant 0 : i32
    %dma_wait3A_36 = arith.constant 98304 : i32
    %dma_wait3A_37 = tpu.memref_slice %arg1[%dma_wait3A_35, %dma_wait3A_36] : memref<1x100000xf32, #tpu.memory_space<any>> -> memref<1x1664xf32, #tpu.memory_space<any>>
    tpu.wait_dma2 semaphore(%arg11 : memref<!tpu.dma_semaphore, #tpu.memory_space<semaphore_mem>>) src(%dma_wait3A_37 : memref<1x1664xf32, #tpu.memory_space<any>>) dst(%dma_wait3A_34 : memref<1x1664xf32, #tpu.memory_space<vmem>>)
    %get3A = arith.constant 0 : index
    %get3A_38 = arith.constant 0 : index
    %get3A_39 = vector.load %arg5[%get3A, %get3A_38] : memref<32x16384xf32, #tpu.memory_space<vmem>>, vector<32x1664xf32>
    %get3A_40 = arith.constant 0 : index
    %get3A_41 = arith.constant 0 : index
    %get3A_42 = vector.load %arg7[%get3A_40, %get3A_41] : memref<1x16384xf32, #tpu.memory_space<vmem>>, vector<1x1664xf32>
    %broadcast_in_dim3A = arith.constant 0.000000e+00 : f32
    %broadcast_in_dim3A_43 = vector.broadcast %broadcast_in_dim3A : f32 to vector<32x1664xf32>
    %broadcast_in_dim3A_44 = arith.constant 1.000000e+00 : f32
    %broadcast_in_dim3A_45 = vector.broadcast %broadcast_in_dim3A_44 : f32 to vector<1x1664xf32>
    %concatenate3A = tpu.concatenate %get3A_39, %broadcast_in_dim3A_43, %broadcast_in_dim3A_45, %get3A_42 in 0 : vector<32x1664xf32>, vector<32x1664xf32>, vector<1x1664xf32>, vector<1x1664xf32> -> vector<66x1664xf32>
    %transpose3A = tpu.transpose %concatenate3A, [1, 0] : vector<66x1664xf32> -> vector<1664x66xf32>
    %broadcast_in_dim3A_46 = arith.constant 0.000000e+00 : f32
    %broadcast_in_dim3A_47 = vector.broadcast %broadcast_in_dim3A_46 : f32 to vector<1664x62xf32>
    %concatenate3A_48 = tpu.concatenate %transpose3A, %broadcast_in_dim3A_47 in 1 : vector<1664x66xf32>, vector<1664x62xf32> -> vector<1664x128xf32>
    %swap3A = arith.constant 0 : index
    %swap3A_49 = arith.constant 0 : index
    %swap3A_50 = vector.load %arg9[%swap3A, %swap3A_49] : memref<16384x128xf32, #tpu.memory_space<vmem>>, vector<1664x128xf32>
    tpu.vector_store %arg9[%swap3A, %swap3A_49], %concatenate3A_48 {strides = array<i32>} : memref<16384x128xf32, #tpu.memory_space<vmem>>, vector<1664x128xf32>,
    %dma_start3A_51 = arith.constant 98304 : i32
    %dma_start3A_52 = arith.constant 0 : i32
    %dma_start3A_53 = tpu.memref_slice %arg4[%dma_start3A_51, %dma_start3A_52] : memref<100000x128xf32, #tpu.memory_space<any>> -> memref<1664x128xf32, #tpu.memory_space<any>>
    %dma_start3A_54 = arith.constant 0 : i32
    %dma_start3A_55 = arith.constant 0 : i32
    %dma_start3A_56 = tpu.memref_slice %arg9[%dma_start3A_54, %dma_start3A_55] : memref<16384x128xf32, #tpu.memory_space<vmem>> -> memref<1664x128xf32, #tpu.memory_space<vmem>>
    tpu.enqueue_dma source(%dma_start3A_56 : memref<1664x128xf32, #tpu.memory_space<vmem>>) target(%dma_start3A_53 : memref<1664x128xf32, #tpu.memory_space<any>>) target_semaphore(%arg13 : memref<!tpu.dma_semaphore, #tpu.memory_space<semaphore_mem>>)
    %dma_wait3A_57 = arith.constant 98304 : i32
    %dma_wait3A_58 = arith.constant 0 : i32
    %dma_wait3A_59 = tpu.memref_slice %arg4[%dma_wait3A_57, %dma_wait3A_58] : memref<100000x128xf32, #tpu.memory_space<any>> -> memref<1664x128xf32, #tpu.memory_space<any>>
    %dma_wait3A_60 = arith.constant 0 : i32
    %dma_wait3A_61 = arith.constant 0 : i32
    %dma_wait3A_62 = tpu.memref_slice %arg9[%dma_wait3A_60, %dma_wait3A_61] : memref<16384x128xf32, #tpu.memory_space<vmem>> -> memref<1664x128xf32, #tpu.memory_space<vmem>>
    tpu.wait_dma2 semaphore(%arg13 : memref<!tpu.dma_semaphore, #tpu.memory_space<semaphore_mem>>) src(%dma_wait3A_62 : memref<1664x128xf32, #tpu.memory_space<vmem>>) dst(%dma_wait3A_59 : memref<1664x128xf32, #tpu.memory_space<any>>)
    %get3A_63 = arith.constant 0 : index
    %get3A_64 = arith.constant 0 : index
    %get3A_65 = vector.load %arg2[%get3A_63, %get3A_64] : memref<32x32xf32, #tpu.memory_space<vmem>>, vector<32x32xf32>
    %get3A_66 = arith.constant 0 : index
    %get3A_67 = arith.constant 0 : index
    %get3A_68 = vector.load %arg3[%get3A_66, %get3A_67] : memref<1x32xf32, #tpu.memory_space<vmem>>, vector<1x32xf32>
    %broadcast_in_dim3A_69 = arith.constant 0.000000e+00 : f32
    %broadcast_in_dim3A_70 = vector.broadcast %broadcast_in_dim3A_69 : f32 to vector<32x32xf32>
    %broadcast_in_dim3A_71 = arith.constant 1.000000e+00 : f32
    %broadcast_in_dim3A_72 = vector.broadcast %broadcast_in_dim3A_71 : f32 to vector<1x32xf32>
    %concatenate3A_73 = tpu.concatenate %get3A_65, %broadcast_in_dim3A_70, %broadcast_in_dim3A_72, %get3A_68 in 0 : vector<32x32xf32>, vector<32x32xf32>, vector<1x32xf32>, vector<1x32xf32> -> vector<66x32xf32>
    %transpose3A_74 = tpu.transpose %concatenate3A_73, [1, 0] : vector<66x32xf32> -> vector<32x66xf32>
    %broadcast_in_dim3A_75 = arith.constant 0.000000e+00 : f32
    %broadcast_in_dim3A_76 = vector.broadcast %broadcast_in_dim3A_75 : f32 to vector<32x62xf32>
    %concatenate3A_77 = tpu.concatenate %transpose3A_74, %broadcast_in_dim3A_76 in 1 : vector<32x66xf32>, vector<32x62xf32> -> vector<32x128xf32>
    %swap3A_78 = arith.constant 0 : index
    %swap3A_79 = arith.constant 0 : index
    %swap3A_80 = vector.load %arg10[%swap3A_78, %swap3A_79] : memref<16384x128xf32, #tpu.memory_space<vmem>>, vector<32x128xf32>
    tpu.vector_store %arg10[%swap3A_78, %swap3A_79], %concatenate3A_77 {strides = array<i32>} : memref<16384x128xf32, #tpu.memory_space<vmem>>, vector<32x128xf32>,
    %dma_start3A_81 = arith.constant 99968 : i32
    %dma_start3A_82 = arith.constant 0 : i32
    %dma_start3A_83 = tpu.memref_slice %arg4[%dma_start3A_81, %dma_start3A_82] : memref<100000x128xf32, #tpu.memory_space<any>> -> memref<32x128xf32, #tpu.memory_space<any>>
    %dma_start3A_84 = arith.constant 0 : i32
    %dma_start3A_85 = arith.constant 0 : i32
    %dma_start3A_86 = tpu.memref_slice %arg10[%dma_start3A_84, %dma_start3A_85] : memref<16384x128xf32, #tpu.memory_space<vmem>> -> memref<32x128xf32, #tpu.memory_space<vmem>>
    tpu.enqueue_dma source(%dma_start3A_86 : memref<32x128xf32, #tpu.memory_space<vmem>>) target(%dma_start3A_83 : memref<32x128xf32, #tpu.memory_space<any>>) target_semaphore(%arg14 : memref<!tpu.dma_semaphore, #tpu.memory_space<semaphore_mem>>)
    %dma_wait3A_87 = arith.constant 99968 : i32
    %dma_wait3A_88 = arith.constant 0 : i32
    %dma_wait3A_89 = tpu.memref_slice %arg4[%dma_wait3A_87, %dma_wait3A_88] : memref<100000x128xf32, #tpu.memory_space<any>> -> memref<32x128xf32, #tpu.memory_space<any>>
    %dma_wait3A_90 = arith.constant 0 : i32
    %dma_wait3A_91 = arith.constant 0 : i32
    %dma_wait3A_92 = tpu.memref_slice %arg10[%dma_wait3A_90, %dma_wait3A_91] : memref<16384x128xf32, #tpu.memory_space<vmem>> -> memref<32x128xf32, #tpu.memory_space<vmem>>
    tpu.wait_dma2 semaphore(%arg14 : memref<!tpu.dma_semaphore, #tpu.memory_space<semaphore_mem>>) src(%dma_wait3A_92 : memref<32x128xf32, #tpu.memory_space<vmem>>) dst(%dma_wait3A_89 : memref<32x128xf32, #tpu.memory_space<any>>)
    return
  }
}

module attributes {stable_mosaic.version = 14 : i64} {
  func.func @body(%arg0: memref<64x1000000xf32, #tpu.memory_space<any>>, %arg1: memref<1x1000000xf32, #tpu.memory_space<any>>, %arg2: memref<64x64xf32, #tpu.memory_space<vmem>>, %arg3: memref<1x64xf32, #tpu.memory_space<vmem>>, %arg4: memref<1000000x128xf32, #tpu.memory_space<any>>, %arg5: memref<64x15616xf32, #tpu.memory_space<vmem>>, %arg6: memref<64x15616xf32, #tpu.memory_space<vmem>>, %arg7: memref<1x15616xf32, #tpu.memory_space<vmem>>, %arg8: memref<1x15616xf32, #tpu.memory_space<vmem>>, %arg9: memref<15616x128xf32, #tpu.memory_space<vmem>>, %arg10: memref<15616x128xf32, #tpu.memory_space<vmem>>, %arg11: memref<!tpu.dma_semaphore, #tpu.memory_space<semaphore_mem>>, %arg12: memref<!tpu.dma_semaphore, #tpu.memory_space<semaphore_mem>>, %arg13: memref<!tpu.dma_semaphore, #tpu.memory_space<semaphore_mem>>, %arg14: memref<!tpu.dma_semaphore, #tpu.memory_space<semaphore_mem>>) attributes {dimension_semantics = [], scalar_prefetch = 0 : i64, scratch_operands = 10 : i64, tpu.core_type = #tpu.core_type<tc>} {
    %dma_start3A = arith.constant 0 : i32
    %dma_start3A_0 = arith.constant 0 : i32
    %dma_start3A_1 = tpu.memref_slice %arg0[%dma_start3A, %dma_start3A_0] : memref<64x1000000xf32, #tpu.memory_space<any>> -> memref<64x15616xf32, #tpu.memory_space<any>>
    tpu.enqueue_dma source(%dma_start3A_1 : memref<64x15616xf32, #tpu.memory_space<any>>) target(%arg5 : memref<64x15616xf32, #tpu.memory_space<vmem>>) target_semaphore(%arg11 : memref<!tpu.dma_semaphore, #tpu.memory_space<semaphore_mem>>)
    %dma_start3A_2 = arith.constant 0 : i32
    %dma_start3A_3 = arith.constant 0 : i32
    %dma_start3A_4 = tpu.memref_slice %arg1[%dma_start3A_2, %dma_start3A_3] : memref<1x1000000xf32, #tpu.memory_space<any>> -> memref<1x15616xf32, #tpu.memory_space<any>>
    tpu.enqueue_dma source(%dma_start3A_4 : memref<1x15616xf32, #tpu.memory_space<any>>) target(%arg7 : memref<1x15616xf32, #tpu.memory_space<vmem>>) target_semaphore(%arg11 : memref<!tpu.dma_semaphore, #tpu.memory_space<semaphore_mem>>)
    %scan3A = arith.constant 0 : i32
    %scan3A_5 = arith.constant 32 : i32
    %scan3A_6 = arith.addi %scan3A, %scan3A_5 : i32
    %scan3A_7 = arith.constant 1 : i32
    scf.for %scan3A_89 = %scan3A to %scan3A_6 step %scan3A_7  : i32 {
      %mul3A = arith.constant 2 : i32
      %mul3A_90 = arith.muli %mul3A, %scan3A_89 : i32
      %mul3A_91 = arith.constant 15616 : i32
      %mul3A_92 = arith.muli %mul3A_90, %mul3A_91 : i32
      %multiple_of3A = tpu.assume_multiple %mul3A_92, 128 : i32
      %mul3A_93 = arith.constant 2 : i32
      %mul3A_94 = arith.muli %mul3A_93, %scan3A_89 : i32
      %add3A = arith.constant 1 : i32
      %add3A_95 = arith.addi %mul3A_94, %add3A : i32
      %mul3A_96 = arith.constant 15616 : i32
      %mul3A_97 = arith.muli %add3A_95, %mul3A_96 : i32
      %multiple_of3A_98 = tpu.assume_multiple %mul3A_97, 128 : i32
      %mul3A_99 = arith.constant 2 : i32
      %mul3A_100 = arith.muli %mul3A_99, %scan3A_89 : i32
      %add3A_101 = arith.constant 2 : i32
      %add3A_102 = arith.addi %mul3A_100, %add3A_101 : i32
      %mul3A_103 = arith.constant 15616 : i32
      %mul3A_104 = arith.muli %add3A_102, %mul3A_103 : i32
      %multiple_of3A_105 = tpu.assume_multiple %mul3A_104, 128 : i32
      %dma_start3A_106 = arith.constant 0 : i32
      %dma_start3A_107 = tpu.memref_slice %arg0[%dma_start3A_106, %multiple_of3A_98] : memref<64x1000000xf32, #tpu.memory_space<any>> -> memref<64x15616xf32, #tpu.memory_space<any>>
      tpu.enqueue_dma source(%dma_start3A_107 : memref<64x15616xf32, #tpu.memory_space<any>>) target(%arg6 : memref<64x15616xf32, #tpu.memory_space<vmem>>) target_semaphore(%arg12 : memref<!tpu.dma_semaphore, #tpu.memory_space<semaphore_mem>>)
      %dma_start3A_108 = arith.constant 0 : i32
      %dma_start3A_109 = tpu.memref_slice %arg1[%dma_start3A_108, %multiple_of3A_98] : memref<1x1000000xf32, #tpu.memory_space<any>> -> memref<1x15616xf32, #tpu.memory_space<any>>
      tpu.enqueue_dma source(%dma_start3A_109 : memref<1x15616xf32, #tpu.memory_space<any>>) target(%arg8 : memref<1x15616xf32, #tpu.memory_space<vmem>>) target_semaphore(%arg12 : memref<!tpu.dma_semaphore, #tpu.memory_space<semaphore_mem>>)
      %dma_wait3A_110 = arith.constant 0 : i32
      %dma_wait3A_111 = tpu.memref_slice %arg0[%dma_wait3A_110, %multiple_of3A] : memref<64x1000000xf32, #tpu.memory_space<any>> -> memref<64x15616xf32, #tpu.memory_space<any>>
      tpu.wait_dma2 semaphore(%arg11 : memref<!tpu.dma_semaphore, #tpu.memory_space<semaphore_mem>>) src(%dma_wait3A_111 : memref<64x15616xf32, #tpu.memory_space<any>>) dst(%arg5 : memref<64x15616xf32, #tpu.memory_space<vmem>>)
      %dma_wait3A_112 = arith.constant 0 : i32
      %dma_wait3A_113 = tpu.memref_slice %arg1[%dma_wait3A_112, %multiple_of3A] : memref<1x1000000xf32, #tpu.memory_space<any>> -> memref<1x15616xf32, #tpu.memory_space<any>>
      tpu.wait_dma2 semaphore(%arg11 : memref<!tpu.dma_semaphore, #tpu.memory_space<semaphore_mem>>) src(%dma_wait3A_113 : memref<1x15616xf32, #tpu.memory_space<any>>) dst(%arg7 : memref<1x15616xf32, #tpu.memory_space<vmem>>)
      %gt3A = arith.constant 0 : i32
      %gt3A_114 = arith.cmpi sgt, %scan3A_89, %gt3A : i32
      %convert_element_type3A = arith.extui %gt3A_114 : i1 to i32
      %cond3A = arith.constant 0 : i32
      %cond3A_115 = arith.cmpi ne, %convert_element_type3A, %cond3A : i32
      scf.if %cond3A_115 {
        %dma_wait3A_165 = arith.constant 0 : i32
        %dma_wait3A_166 = arith.constant 0 : i32
        %dma_wait3A_167 = tpu.memref_slice %arg4[%dma_wait3A_165, %dma_wait3A_166] : memref<1000000x128xf32, #tpu.memory_space<any>> -> memref<15616x128xf32, #tpu.memory_space<any>>
        tpu.wait_dma2 semaphore(%arg13 : memref<!tpu.dma_semaphore, #tpu.memory_space<semaphore_mem>>) src(%arg9 : memref<15616x128xf32, #tpu.memory_space<vmem>>) dst(%dma_wait3A_167 : memref<15616x128xf32, #tpu.memory_space<any>>)
      } else {
      }
      %get3A_116 = arith.constant 0 : index
      %get3A_117 = arith.constant 0 : index
      %get3A_118 = vector.load %arg5[%get3A_116, %get3A_117] : memref<64x15616xf32, #tpu.memory_space<vmem>>, vector<64x15616xf32>
      %get3A_119 = arith.constant 0 : index
      %get3A_120 = arith.constant 0 : index
      %get3A_121 = vector.load %arg7[%get3A_119, %get3A_120] : memref<1x15616xf32, #tpu.memory_space<vmem>>, vector<1x15616xf32>
      %broadcast_in_dim3A_122 = arith.constant 1.000000e+00 : f32
      %broadcast_in_dim3A_123 = vector.broadcast %broadcast_in_dim3A_122 : f32 to vector<1x15616xf32>
      %concatenate3A_124 = tpu.concatenate %get3A_118, %get3A_121, %broadcast_in_dim3A_123 in 0 : vector<64x15616xf32>, vector<1x15616xf32>, vector<1x15616xf32> -> vector<66x15616xf32>
      %transpose3A_125 = tpu.transpose %concatenate3A_124, [1, 0] : vector<66x15616xf32> -> vector<15616x66xf32>
      %broadcast_in_dim3A_126 = arith.constant 0.000000e+00 : f32
      %broadcast_in_dim3A_127 = vector.broadcast %broadcast_in_dim3A_126 : f32 to vector<15616x62xf32>
      %concatenate3A_128 = tpu.concatenate %transpose3A_125, %broadcast_in_dim3A_127 in 1 : vector<15616x66xf32>, vector<15616x62xf32> -> vector<15616x128xf32>
      %swap3A_129 = arith.constant 0 : index
      %swap3A_130 = arith.constant 0 : index
      %swap3A_131 = vector.load %arg9[%swap3A_129, %swap3A_130] : memref<15616x128xf32, #tpu.memory_space<vmem>>, vector<15616x128xf32>
      tpu.vector_store %arg9[%swap3A_129, %swap3A_130], %concatenate3A_128 {strides = array<i32>} : memref<15616x128xf32, #tpu.memory_space<vmem>>, vector<15616x128xf32>,
      %dma_start3A_132 = arith.constant 0 : i32
      %dma_start3A_133 = tpu.memref_slice %arg4[%multiple_of3A, %dma_start3A_132] : memref<1000000x128xf32, #tpu.memory_space<any>> -> memref<15616x128xf32, #tpu.memory_space<any>>
      tpu.enqueue_dma source(%arg9 : memref<15616x128xf32, #tpu.memory_space<vmem>>) target(%dma_start3A_133 : memref<15616x128xf32, #tpu.memory_space<any>>) target_semaphore(%arg13 : memref<!tpu.dma_semaphore, #tpu.memory_space<semaphore_mem>>)
      %lt3A = arith.constant 31 : i32
      %lt3A_134 = arith.cmpi slt, %scan3A_89, %lt3A : i32
      %convert_element_type3A_135 = arith.extui %lt3A_134 : i1 to i32
      %cond3A_136 = arith.constant 0 : i32
      %cond3A_137 = arith.cmpi ne, %convert_element_type3A_135, %cond3A_136 : i32
      scf.if %cond3A_137 {
        %dma_start3A_165 = arith.constant 0 : i32
        %dma_start3A_166 = tpu.memref_slice %arg0[%dma_start3A_165, %multiple_of3A_105] : memref<64x1000000xf32, #tpu.memory_space<any>> -> memref<64x15616xf32, #tpu.memory_space<any>>
        tpu.enqueue_dma source(%dma_start3A_166 : memref<64x15616xf32, #tpu.memory_space<any>>) target(%arg5 : memref<64x15616xf32, #tpu.memory_space<vmem>>) target_semaphore(%arg11 : memref<!tpu.dma_semaphore, #tpu.memory_space<semaphore_mem>>)
        %dma_start3A_167 = arith.constant 0 : i32
        %dma_start3A_168 = tpu.memref_slice %arg1[%dma_start3A_167, %multiple_of3A_105] : memref<1x1000000xf32, #tpu.memory_space<any>> -> memref<1x15616xf32, #tpu.memory_space<any>>
        tpu.enqueue_dma source(%dma_start3A_168 : memref<1x15616xf32, #tpu.memory_space<any>>) target(%arg7 : memref<1x15616xf32, #tpu.memory_space<vmem>>) target_semaphore(%arg11 : memref<!tpu.dma_semaphore, #tpu.memory_space<semaphore_mem>>)
      } else {
      }
      %dma_wait3A_138 = arith.constant 0 : i32
      %dma_wait3A_139 = tpu.memref_slice %arg0[%dma_wait3A_138, %multiple_of3A_98] : memref<64x1000000xf32, #tpu.memory_space<any>> -> memref<64x15616xf32, #tpu.memory_space<any>>
      tpu.wait_dma2 semaphore(%arg12 : memref<!tpu.dma_semaphore, #tpu.memory_space<semaphore_mem>>) src(%dma_wait3A_139 : memref<64x15616xf32, #tpu.memory_space<any>>) dst(%arg6 : memref<64x15616xf32, #tpu.memory_space<vmem>>)
      %dma_wait3A_140 = arith.constant 0 : i32
      %dma_wait3A_141 = tpu.memref_slice %arg1[%dma_wait3A_140, %multiple_of3A_98] : memref<1x1000000xf32, #tpu.memory_space<any>> -> memref<1x15616xf32, #tpu.memory_space<any>>
      tpu.wait_dma2 semaphore(%arg12 : memref<!tpu.dma_semaphore, #tpu.memory_space<semaphore_mem>>) src(%dma_wait3A_141 : memref<1x15616xf32, #tpu.memory_space<any>>) dst(%arg8 : memref<1x15616xf32, #tpu.memory_space<vmem>>)
      %gt3A_142 = arith.constant 0 : i32
      %gt3A_143 = arith.cmpi sgt, %scan3A_89, %gt3A_142 : i32
      %convert_element_type3A_144 = arith.extui %gt3A_143 : i1 to i32
      %cond3A_145 = arith.constant 0 : i32
      %cond3A_146 = arith.cmpi ne, %convert_element_type3A_144, %cond3A_145 : i32
      scf.if %cond3A_146 {
        %dma_wait3A_165 = arith.constant 0 : i32
        %dma_wait3A_166 = arith.constant 0 : i32
        %dma_wait3A_167 = tpu.memref_slice %arg4[%dma_wait3A_165, %dma_wait3A_166] : memref<1000000x128xf32, #tpu.memory_space<any>> -> memref<15616x128xf32, #tpu.memory_space<any>>
        tpu.wait_dma2 semaphore(%arg14 : memref<!tpu.dma_semaphore, #tpu.memory_space<semaphore_mem>>) src(%arg10 : memref<15616x128xf32, #tpu.memory_space<vmem>>) dst(%dma_wait3A_167 : memref<15616x128xf32, #tpu.memory_space<any>>)
      } else {
      }
      %get3A_147 = arith.constant 0 : index
      %get3A_148 = arith.constant 0 : index
      %get3A_149 = vector.load %arg6[%get3A_147, %get3A_148] : memref<64x15616xf32, #tpu.memory_space<vmem>>, vector<64x15616xf32>
      %get3A_150 = arith.constant 0 : index
      %get3A_151 = arith.constant 0 : index
      %get3A_152 = vector.load %arg8[%get3A_150, %get3A_151] : memref<1x15616xf32, #tpu.memory_space<vmem>>, vector<1x15616xf32>
      %broadcast_in_dim3A_153 = arith.constant 1.000000e+00 : f32
      %broadcast_in_dim3A_154 = vector.broadcast %broadcast_in_dim3A_153 : f32 to vector<1x15616xf32>
      %concatenate3A_155 = tpu.concatenate %get3A_149, %get3A_152, %broadcast_in_dim3A_154 in 0 : vector<64x15616xf32>, vector<1x15616xf32>, vector<1x15616xf32> -> vector<66x15616xf32>
      %transpose3A_156 = tpu.transpose %concatenate3A_155, [1, 0] : vector<66x15616xf32> -> vector<15616x66xf32>
      %broadcast_in_dim3A_157 = arith.constant 0.000000e+00 : f32
      %broadcast_in_dim3A_158 = vector.broadcast %broadcast_in_dim3A_157 : f32 to vector<15616x62xf32>
      %concatenate3A_159 = tpu.concatenate %transpose3A_156, %broadcast_in_dim3A_158 in 1 : vector<15616x66xf32>, vector<15616x62xf32> -> vector<15616x128xf32>
      %swap3A_160 = arith.constant 0 : index
      %swap3A_161 = arith.constant 0 : index
      %swap3A_162 = vector.load %arg10[%swap3A_160, %swap3A_161] : memref<15616x128xf32, #tpu.memory_space<vmem>>, vector<15616x128xf32>
      tpu.vector_store %arg10[%swap3A_160, %swap3A_161], %concatenate3A_159 {strides = array<i32>} : memref<15616x128xf32, #tpu.memory_space<vmem>>, vector<15616x128xf32>,
      %dma_start3A_163 = arith.constant 0 : i32
      %dma_start3A_164 = tpu.memref_slice %arg4[%multiple_of3A_98, %dma_start3A_163] : memref<1000000x128xf32, #tpu.memory_space<any>> -> memref<15616x128xf32, #tpu.memory_space<any>>
      tpu.enqueue_dma source(%arg10 : memref<15616x128xf32, #tpu.memory_space<vmem>>) target(%dma_start3A_164 : memref<15616x128xf32, #tpu.memory_space<any>>) target_semaphore(%arg14 : memref<!tpu.dma_semaphore, #tpu.memory_space<semaphore_mem>>)
    }
    %scan3A_8 = arith.constant 32 : i32
    %dma_wait3A = arith.constant 0 : i32
    %dma_wait3A_9 = arith.constant 0 : i32
    %dma_wait3A_10 = tpu.memref_slice %arg4[%dma_wait3A, %dma_wait3A_9] : memref<1000000x128xf32, #tpu.memory_space<any>> -> memref<15616x128xf32, #tpu.memory_space<any>>
    tpu.wait_dma2 semaphore(%arg13 : memref<!tpu.dma_semaphore, #tpu.memory_space<semaphore_mem>>) src(%arg9 : memref<15616x128xf32, #tpu.memory_space<vmem>>) dst(%dma_wait3A_10 : memref<15616x128xf32, #tpu.memory_space<any>>)
    %dma_wait3A_11 = arith.constant 0 : i32
    %dma_wait3A_12 = arith.constant 0 : i32
    %dma_wait3A_13 = tpu.memref_slice %arg4[%dma_wait3A_11, %dma_wait3A_12] : memref<1000000x128xf32, #tpu.memory_space<any>> -> memref<15616x128xf32, #tpu.memory_space<any>>
    tpu.wait_dma2 semaphore(%arg14 : memref<!tpu.dma_semaphore, #tpu.memory_space<semaphore_mem>>) src(%arg10 : memref<15616x128xf32, #tpu.memory_space<vmem>>) dst(%dma_wait3A_13 : memref<15616x128xf32, #tpu.memory_space<any>>)
    %dma_start3A_14 = arith.constant 0 : i32
    %dma_start3A_15 = arith.constant 0 : i32
    %dma_start3A_16 = tpu.memref_slice %arg5[%dma_start3A_14, %dma_start3A_15] : memref<64x15616xf32, #tpu.memory_space<vmem>> -> memref<64x512xf32, #tpu.memory_space<vmem>>
    %dma_start3A_17 = arith.constant 0 : i32
    %dma_start3A_18 = arith.constant 999424 : i32
    %dma_start3A_19 = tpu.memref_slice %arg0[%dma_start3A_17, %dma_start3A_18] : memref<64x1000000xf32, #tpu.memory_space<any>> -> memref<64x512xf32, #tpu.memory_space<any>>
    tpu.enqueue_dma source(%dma_start3A_19 : memref<64x512xf32, #tpu.memory_space<any>>) target(%dma_start3A_16 : memref<64x512xf32, #tpu.memory_space<vmem>>) target_semaphore(%arg11 : memref<!tpu.dma_semaphore, #tpu.memory_space<semaphore_mem>>)
    %dma_start3A_20 = arith.constant 0 : i32
    %dma_start3A_21 = arith.constant 0 : i32
    %dma_start3A_22 = tpu.memref_slice %arg7[%dma_start3A_20, %dma_start3A_21] : memref<1x15616xf32, #tpu.memory_space<vmem>> -> memref<1x512xf32, #tpu.memory_space<vmem>>
    %dma_start3A_23 = arith.constant 0 : i32
    %dma_start3A_24 = arith.constant 999424 : i32
    %dma_start3A_25 = tpu.memref_slice %arg1[%dma_start3A_23, %dma_start3A_24] : memref<1x1000000xf32, #tpu.memory_space<any>> -> memref<1x512xf32, #tpu.memory_space<any>>
    tpu.enqueue_dma source(%dma_start3A_25 : memref<1x512xf32, #tpu.memory_space<any>>) target(%dma_start3A_22 : memref<1x512xf32, #tpu.memory_space<vmem>>) target_semaphore(%arg11 : memref<!tpu.dma_semaphore, #tpu.memory_space<semaphore_mem>>)
    %dma_wait3A_26 = arith.constant 0 : i32
    %dma_wait3A_27 = arith.constant 0 : i32
    %dma_wait3A_28 = tpu.memref_slice %arg5[%dma_wait3A_26, %dma_wait3A_27] : memref<64x15616xf32, #tpu.memory_space<vmem>> -> memref<64x512xf32, #tpu.memory_space<vmem>>
    %dma_wait3A_29 = arith.constant 0 : i32
    %dma_wait3A_30 = arith.constant 999424 : i32
    %dma_wait3A_31 = tpu.memref_slice %arg0[%dma_wait3A_29, %dma_wait3A_30] : memref<64x1000000xf32, #tpu.memory_space<any>> -> memref<64x512xf32, #tpu.memory_space<any>>
    tpu.wait_dma2 semaphore(%arg11 : memref<!tpu.dma_semaphore, #tpu.memory_space<semaphore_mem>>) src(%dma_wait3A_31 : memref<64x512xf32, #tpu.memory_space<any>>) dst(%dma_wait3A_28 : memref<64x512xf32, #tpu.memory_space<vmem>>)
    %dma_wait3A_32 = arith.constant 0 : i32
    %dma_wait3A_33 = arith.constant 0 : i32
    %dma_wait3A_34 = tpu.memref_slice %arg7[%dma_wait3A_32, %dma_wait3A_33] : memref<1x15616xf32, #tpu.memory_space<vmem>> -> memref<1x512xf32, #tpu.memory_space<vmem>>
    %dma_wait3A_35 = arith.constant 0 : i32
    %dma_wait3A_36 = arith.constant 999424 : i32
    %dma_wait3A_37 = tpu.memref_slice %arg1[%dma_wait3A_35, %dma_wait3A_36] : memref<1x1000000xf32, #tpu.memory_space<any>> -> memref<1x512xf32, #tpu.memory_space<any>>
    tpu.wait_dma2 semaphore(%arg11 : memref<!tpu.dma_semaphore, #tpu.memory_space<semaphore_mem>>) src(%dma_wait3A_37 : memref<1x512xf32, #tpu.memory_space<any>>) dst(%dma_wait3A_34 : memref<1x512xf32, #tpu.memory_space<vmem>>)
    %get3A = arith.constant 0 : index
    %get3A_38 = arith.constant 0 : index
    %get3A_39 = vector.load %arg5[%get3A, %get3A_38] : memref<64x15616xf32, #tpu.memory_space<vmem>>, vector<64x512xf32>
    %get3A_40 = arith.constant 0 : index
    %get3A_41 = arith.constant 0 : index
    %get3A_42 = vector.load %arg7[%get3A_40, %get3A_41] : memref<1x15616xf32, #tpu.memory_space<vmem>>, vector<1x512xf32>
    %broadcast_in_dim3A = arith.constant 1.000000e+00 : f32
    %broadcast_in_dim3A_43 = vector.broadcast %broadcast_in_dim3A : f32 to vector<1x512xf32>
    %concatenate3A = tpu.concatenate %get3A_39, %get3A_42, %broadcast_in_dim3A_43 in 0 : vector<64x512xf32>, vector<1x512xf32>, vector<1x512xf32> -> vector<66x512xf32>
    %transpose3A = tpu.transpose %concatenate3A, [1, 0] : vector<66x512xf32> -> vector<512x66xf32>
    %broadcast_in_dim3A_44 = arith.constant 0.000000e+00 : f32
    %broadcast_in_dim3A_45 = vector.broadcast %broadcast_in_dim3A_44 : f32 to vector<512x62xf32>
    %concatenate3A_46 = tpu.concatenate %transpose3A, %broadcast_in_dim3A_45 in 1 : vector<512x66xf32>, vector<512x62xf32> -> vector<512x128xf32>
    %swap3A = arith.constant 0 : index
    %swap3A_47 = arith.constant 0 : index
    %swap3A_48 = vector.load %arg9[%swap3A, %swap3A_47] : memref<15616x128xf32, #tpu.memory_space<vmem>>, vector<512x128xf32>
    tpu.vector_store %arg9[%swap3A, %swap3A_47], %concatenate3A_46 {strides = array<i32>} : memref<15616x128xf32, #tpu.memory_space<vmem>>, vector<512x128xf32>,
    %dma_start3A_49 = arith.constant 999424 : i32
    %dma_start3A_50 = arith.constant 0 : i32
    %dma_start3A_51 = tpu.memref_slice %arg4[%dma_start3A_49, %dma_start3A_50] : memref<1000000x128xf32, #tpu.memory_space<any>> -> memref<512x128xf32, #tpu.memory_space<any>>
    %dma_start3A_52 = arith.constant 0 : i32
    %dma_start3A_53 = arith.constant 0 : i32
    %dma_start3A_54 = tpu.memref_slice %arg9[%dma_start3A_52, %dma_start3A_53] : memref<15616x128xf32, #tpu.memory_space<vmem>> -> memref<512x128xf32, #tpu.memory_space<vmem>>
    tpu.enqueue_dma source(%dma_start3A_54 : memref<512x128xf32, #tpu.memory_space<vmem>>) target(%dma_start3A_51 : memref<512x128xf32, #tpu.memory_space<any>>) target_semaphore(%arg13 : memref<!tpu.dma_semaphore, #tpu.memory_space<semaphore_mem>>)
    %dma_wait3A_55 = arith.constant 999424 : i32
    %dma_wait3A_56 = arith.constant 0 : i32
    %dma_wait3A_57 = tpu.memref_slice %arg4[%dma_wait3A_55, %dma_wait3A_56] : memref<1000000x128xf32, #tpu.memory_space<any>> -> memref<512x128xf32, #tpu.memory_space<any>>
    %dma_wait3A_58 = arith.constant 0 : i32
    %dma_wait3A_59 = arith.constant 0 : i32
    %dma_wait3A_60 = tpu.memref_slice %arg9[%dma_wait3A_58, %dma_wait3A_59] : memref<15616x128xf32, #tpu.memory_space<vmem>> -> memref<512x128xf32, #tpu.memory_space<vmem>>
    tpu.wait_dma2 semaphore(%arg13 : memref<!tpu.dma_semaphore, #tpu.memory_space<semaphore_mem>>) src(%dma_wait3A_60 : memref<512x128xf32, #tpu.memory_space<vmem>>) dst(%dma_wait3A_57 : memref<512x128xf32, #tpu.memory_space<any>>)
    %get3A_61 = arith.constant 0 : index
    %get3A_62 = arith.constant 0 : index
    %get3A_63 = vector.load %arg2[%get3A_61, %get3A_62] : memref<64x64xf32, #tpu.memory_space<vmem>>, vector<64x64xf32>
    %get3A_64 = arith.constant 0 : index
    %get3A_65 = arith.constant 0 : index
    %get3A_66 = vector.load %arg3[%get3A_64, %get3A_65] : memref<1x64xf32, #tpu.memory_space<vmem>>, vector<1x64xf32>
    %broadcast_in_dim3A_67 = arith.constant 1.000000e+00 : f32
    %broadcast_in_dim3A_68 = vector.broadcast %broadcast_in_dim3A_67 : f32 to vector<1x64xf32>
    %concatenate3A_69 = tpu.concatenate %get3A_63, %get3A_66, %broadcast_in_dim3A_68 in 0 : vector<64x64xf32>, vector<1x64xf32>, vector<1x64xf32> -> vector<66x64xf32>
    %transpose3A_70 = tpu.transpose %concatenate3A_69, [1, 0] : vector<66x64xf32> -> vector<64x66xf32>
    %broadcast_in_dim3A_71 = arith.constant 0.000000e+00 : f32
    %broadcast_in_dim3A_72 = vector.broadcast %broadcast_in_dim3A_71 : f32 to vector<64x62xf32>
    %concatenate3A_73 = tpu.concatenate %transpose3A_70, %broadcast_in_dim3A_72 in 1 : vector<64x66xf32>, vector<64x62xf32> -> vector<64x128xf32>
    %swap3A_74 = arith.constant 0 : index
    %swap3A_75 = arith.constant 0 : index
    %swap3A_76 = vector.load %arg10[%swap3A_74, %swap3A_75] : memref<15616x128xf32, #tpu.memory_space<vmem>>, vector<64x128xf32>
    tpu.vector_store %arg10[%swap3A_74, %swap3A_75], %concatenate3A_73 {strides = array<i32>} : memref<15616x128xf32, #tpu.memory_space<vmem>>, vector<64x128xf32>,
    %dma_start3A_77 = arith.constant 999936 : i32
    %dma_start3A_78 = arith.constant 0 : i32
    %dma_start3A_79 = tpu.memref_slice %arg4[%dma_start3A_77, %dma_start3A_78] : memref<1000000x128xf32, #tpu.memory_space<any>> -> memref<64x128xf32, #tpu.memory_space<any>>
    %dma_start3A_80 = arith.constant 0 : i32
    %dma_start3A_81 = arith.constant 0 : i32
    %dma_start3A_82 = tpu.memref_slice %arg10[%dma_start3A_80, %dma_start3A_81] : memref<15616x128xf32, #tpu.memory_space<vmem>> -> memref<64x128xf32, #tpu.memory_space<vmem>>
    tpu.enqueue_dma source(%dma_start3A_82 : memref<64x128xf32, #tpu.memory_space<vmem>>) target(%dma_start3A_79 : memref<64x128xf32, #tpu.memory_space<any>>) target_semaphore(%arg14 : memref<!tpu.dma_semaphore, #tpu.memory_space<semaphore_mem>>)
    %dma_wait3A_83 = arith.constant 999936 : i32
    %dma_wait3A_84 = arith.constant 0 : i32
    %dma_wait3A_85 = tpu.memref_slice %arg4[%dma_wait3A_83, %dma_wait3A_84] : memref<1000000x128xf32, #tpu.memory_space<any>> -> memref<64x128xf32, #tpu.memory_space<any>>
    %dma_wait3A_86 = arith.constant 0 : i32
    %dma_wait3A_87 = arith.constant 0 : i32
    %dma_wait3A_88 = tpu.memref_slice %arg10[%dma_wait3A_86, %dma_wait3A_87] : memref<15616x128xf32, #tpu.memory_space<vmem>> -> memref<64x128xf32, #tpu.memory_space<vmem>>
    tpu.wait_dma2 semaphore(%arg14 : memref<!tpu.dma_semaphore, #tpu.memory_space<semaphore_mem>>) src(%dma_wait3A_88 : memref<64x128xf32, #tpu.memory_space<vmem>>) dst(%dma_wait3A_85 : memref<64x128xf32, #tpu.memory_space<any>>)
    return
  }
}

</mosaic_0001>

<sc_bundles>
// kernel: _mf_kernel.5.cloned.1.call-start
scs
__scs_entry_jumppad:
0x0: {  	(pc) =	sbr.rel $0x88, $3  }
0x1: {  	(tag) =	ssettag $0x0;
	lr =	simm.s32 $0x1  }
0x2: {  	[smem:$0x3F96] =	sst lr;
	_ =	strace $0xD0000000  }
0x3: {  	_ = 	snop  }
0x4: {  	_ = 	snop  }
0x5: {  	_ = 	snop  }
0x6: {  	_ = 	snop  }
0x7: {  	_ = 	snop  }
__scs_overlays_trampoline_lowered:
0x8: {  	[smem:$0x3FA5] =	sst s0  }
0x9: {  	[smem:$0x3FA6] =	sst s1  }
0xa: {  	[smem:$0x3FA7] =	sst s2  }
0xb: {  	[smem:$0x3FA8] =	sst s3  }
0xc: {  	[smem:$0x3FA9] =	sst s4  }
0xd: {  	[smem:$0x3FAA] =	sst s5  }
0xe: {  	[smem:$0x3FAB] =	sst s6  }
0xf: {  	[smem:$0x3FAC] =	sst s7  }
0x10: {  	[smem:$0x3FAD] =	sst s8  }
0x11: {  	[smem:$0x3FAE] =	sst s9;
	s0 =	simm.s32 @!p0 $0x0  }
0x12: {  	s1 =	sld [smem:$0x3F94];
	s0 =	simm.s32 @p0 $0x1  }
0x13: {  	[smem:$0x3FAF] =	sst s0;
	s0 =	simm.s32 @!p1 $0x0  }
0x14: {  	s2 =	sld [smem:$0x3F93];
	s0 =	simm.s32 @p1 $0x1  }
0x15: {  	[smem:$0x3FB0] =	sst s0;
	s0 =	simm.s32 @!p2 $0x0  }
0x16: {  	s3 =	sld [smem:$0x3FDB];
	s0 =	simm.s32 @p2 $0x1  }
0x17: {  	s4 =	simm.s32 $0x1BF5;
	[smem:$0x3FB2] =	sst s0  }
0x18: {  	s0 =	sld [smem:$0x3F95];
	_ =	swait.ge [sflag:s4], $0x0  }
0x19: {  	s7 =	sld [smem:$0x3F96]  }
0x1a: {  	s8 =	sadd.s32 $0xFFFFE003, lr  }
0x1b: {  	s9 =	sadd.s32 $0xFFFFFEF7, lr;
	s5 =	simm.s32 $0xFFFFFFFF;
	p2 =	slt.u32 s8, $0xFFFFF086  }
0x1c: {  	p1 =	slt.u32 s9, $0xF7A;
	s5 =	simm.s32 @!p2 $0x0  }
0x1d: {  	s5 =	simm.s32 @p1 $0x1;
	p0 =	seq.s32 s7, s2  }
0x1e: {  	s7 =	smul.u32 @!p0 $0xF7A, s2;
	p2 =	seq.s32 @!p0 s5, $0x0  }
0x1f: {  	s9 =	smul.u32 $0xF7A, s1;
	s8 =	simm.s32 @!p0 $0x1BF5;
	p2 =	por !p2, p0  }
0x20: {  	[sflag:s8] =	ssyncset.s32 @!p0 $0xFFFFF086;
	s6 =	sadd.s32 @!p0 s3, s7;
	s7 =	simm.s32 @!p0 $0x108  }
0x21: {  	s3 =	sadd.s32 s3, s9;
	s6 =	sadd.s32 @!p0 $0x88, s6;
	s7 =	simm.s32 @p2 $0x1082  }
0x22: {  	[simem:s7], [sflag:s8] =	dma.local @!p0 [hbm:s6], $0xF7A  }
0x23: {  	s9 =	sor.u32 $0xD0000000, s2;
	s6 =	simm.s32 $0x108;
	_ =	swait.ge @!p0 [sflag:s8], $0x0  }
0x24: {  	s3 =	sadd.s32 $0x88, s3;
	s6 =	simm.s32 @!p1 $0x1082;
	[sflag:s4] =	ssyncset.s32 $0xFFFFF086  }
0x25: {  	[simem:s6], [sflag:s4] =	dma.local [hbm:s3], $0xF7A  }
0x26: {  	[smem:$0x3F96] =	sst s1;
	(tag) =	ssettag s2;
	_ =	strace s9  }
0x27: {  	s1 =	sld [smem:$0x3FA6]  }
0x28: {  	s2 =	sld [smem:$0x3FA7]  }
0x29: {  	s4 =	sld [smem:$0x3FA9]  }
0x2a: {  	p0 =	seq.s32 s5, $0x0;
	s5 =	sld [smem:$0x3FAA]  }
0x2b: {  	s6 =	sld [smem:$0x3FAB]  }
0x2c: {  	s7 =	sld [smem:$0x3FAC]  }
0x2d: {  	s3 =	simm.s32 $0x108;
	s8 =	sld [smem:$0x3FAD]  }
0x2e: {  	s3 =	simm.s32 @!p0 $0x1082;
	s9 =	sld [smem:$0x3FAE]  }
0x2f: {  	lr =	sadd.s32 s0, s3;
	s0 =	sld [smem:$0x3FA5]  }
0x30: {  	s3 =	sld [smem:$0x3FA8]  }
0x31: {  	[smem:$0x3FB1] =	sst s10  }
0x32: {  	s10 =	sld [smem:$0x3FAF];
	_ =	sdelay $0x3  }
0x33: {  	p0 =	seq.s32 s10, $0x1;
	s10 =	sld [smem:$0x3FB1];
	_ =	sdelay $0x3  }
0x34: {  	[smem:$0x3FB1] =	sst s10  }
0x35: {  	s10 =	sld [smem:$0x3FB0];
	_ =	sdelay $0x3  }
0x36: {  	p1 =	seq.s32 s10, $0x1;
	s10 =	sld [smem:$0x3FB1];
	_ =	sdelay $0x3  }
0x37: {  	[smem:$0x3FB1] =	sst s10  }
0x38: {  	s10 =	sld [smem:$0x3FB2]  }
0x39: {  	_ = 	snop;
	(pc) =	sbr.ind lr, $3  }
0x3a: {  	_ = 	snop  }
0x3b: {  	_ = 	snop  }
0x3c: {  	p2 =	seq.s32 s10, $0x1;
	s10 =	sld [smem:$0x3FB1]  }
0x3d: {  	_ =	shalt  }
0x3e: {  	_ =	shalt  }
0x3f: {  	_ =	shalt  }
0x40: {  	_ =	shalt  }
0x41: {  	_ =	shalt  }
0x42: {  	_ =	shalt  }
0x43: {  	_ =	shalt  }
0x44: {  	_ =	shalt  }
0x45: {  	_ =	shalt  }
0x46: {  	_ =	shalt  }
0x47: {  	_ =	shalt  }
0x48: {  	_ =	shalt  }
0x49: {  	_ =	shalt  }
0x4a: {  	_ =	shalt  }
0x4b: {  	_ =	shalt  }
0x4c: {  	_ =	shalt  }
0x4d: {  	_ =	shalt  }
0x4e: {  	_ =	shalt  }
0x4f: {  	_ =	shalt  }
0x50: {  	_ =	shalt  }
0x51: {  	_ =	shalt  }
0x52: {  	_ =	shalt  }
0x53: {  	_ =	shalt  }
0x54: {  	_ =	shalt  }
0x55: {  	_ =	shalt  }
0x56: {  	_ =	shalt  }
0x57: {  	_ =	shalt  }
0x58: {  	_ =	shalt  }
0x59: {  	_ =	shalt  }
0x5a: {  	_ =	shalt  }
0x5b: {  	_ =	shalt  }
0x5c: {  	_ =	shalt  }
0x5d: {  	_ =	shalt  }
0x5e: {  	_ =	shalt  }
0x5f: {  	_ =	shalt  }
0x60: {  	_ =	shalt  }
0x61: {  	_ =	shalt  }
0x62: {  	_ =	shalt  }
0x63: {  	_ =	shalt  }
0x64: {  	_ =	shalt  }
0x65: {  	_ =	shalt  }
0x66: {  	_ =	shalt  }
0x67: {  	_ =	shalt  }
0x68: {  	_ =	shalt  }
0x69: {  	_ =	shalt  }
0x6a: {  	_ =	shalt  }
0x6b: {  	_ =	shalt  }
0x6c: {  	_ =	shalt  }
0x6d: {  	_ =	shalt  }
0x6e: {  	_ =	shalt  }
0x6f: {  	_ =	shalt  }
0x70: {  	_ =	shalt  }
0x71: {  	_ =	shalt  }
0x72: {  	_ =	shalt  }
0x73: {  	_ =	shalt  }
0x74: {  	_ =	shalt  }
0x75: {  	_ =	shalt  }
0x76: {  	_ =	shalt  }
0x77: {  	_ =	shalt  }
0x78: {  	_ =	shalt  }
0x79: {  	_ =	shalt  }
0x7a: {  	_ =	shalt  }
0x7b: {  	_ =	shalt  }
0x7c: {  	_ =	shalt  }
0x7d: {  	_ =	shalt  }
0x7e: {  	_ =	shalt  }
0x7f: {  	_ =	shalt  }
0x80: {  	_ =	shalt  }
0x81: {  	_ =	shalt  }
0x82: {  	_ =	shalt  }
0x83: {  	_ =	shalt  }
0x84: {  	_ =	shalt  }
0x85: {  	_ =	shalt  }
0x86: {  	_ =	shalt  }
0x87: {  	_ =	shalt  }
.Lfunc_end0:
.L_simem_size_0:
called_computation_lowered:
.L_overlay_start_0:
0x88: {  	s2 =	sld [smem:$0x3FD9]  }
0x89: {  	s3 =	sld [smem:$0x3FFE];
	_ =	sdelay $0x1  }
0x8a: {  	s1 =	srdreg.scid  }
0x8b: {  	s0 =	sand.u32 $0x1, s1  }
0x8c: {  	s14 =	sshll.u32 s0, $0xA;
	s2 =	sadd.s32 s3, s2  }
0x8d: {  	s2 =	sadd.s32 s2, s14  }
0x8e: {  	[smem:$0x3FBD] =	sst s2  }
0x8f: {  	_ = 	snop  }
0x90: {  	s2 =	sld [smem:$0x3FC9]  }
0x91: {  	s15 =	sld [smem:$0x3FC8]  }
0x92: {  	s4 =	sld [smem:$0x3FD0]  }
0x93: {  	s5 =	sld [smem:$0x3FC7]  }
0x94: {  	s6 =	sld [smem:$0x3FC6]  }
0x95: {  	s8 =	simm.s32 $0xA;
	s9 =	simm.s32 $0x10;
	s7 =	sld [smem:$0x3FBF]  }
0x96: {  	[smem:s9], [sflag:s8] =	dma.local [hbm:s4], $0x1  }
0x97: {  	_ =	swait.eq [sflag:s8], $0x1  }
0x98: {  	[sflag:s8] =	ssyncset.done $0x0  }
0x99: {  	[sflag:s8] =	ssyncadd.s32 $0xFFFFFFFF  }
0x9a: {  	s16 =	sld [smem:$0x10];
	(tm) =	ssettm $0x1  }
0x9b: {  	s17 =	sld [smem:$0x3FFB];
	_ =	sdelay $0x3  }
0x9c: {  	_ =	strace s17  }
0x9d: {  	s8 =	sld [smem:$0x3FFC];
	_ =	sdelay $0x3  }
0x9e: {  	_ =	strace s8  }
0x9f: {  	s8 =	sld [smem:$0x3FFD];
	_ =	sdelay $0x3  }
0xa0: {  	_ =	strace s8  }
0xa1: {  	_ =	strace $0x8FFFFFFF  }
0xa2: {  	s18 =	sld [smem:$0x3FDB];
	_ =	sdelay $0x1  }
0xa3: {  	s19 =	simm.s32 $_scs_section_size  }
0xa4: {  	s10 =	simm.s32 $_size__tile_overlayer_lowered;
	s11 =	simm.s32 $_tile_overlayer_lowered  }
0xa5: {  	s22 =	simm.s32 $0x1BFF;
	s21 =	sshll.u32 s11, $0x1;
	s8 =	sadd.s32 s19, s18  }
0xa6: {  	s12 =	simm.s32 $0x0;
	s20 =	sshll.u32 s10, $0x1;
	s10 =	sadd.s32 s21, s8  }
0xa7: {  	[timem:s12], [sflag:s22] =	dma.local [hbm:s10], s20  }
0xa8: {  	_ =	swait.ge [sflag:s22], s20  }
0xa9: {  	s9 =	ssub.s32 $0x0, s20;
	[sflag:s22] =	ssyncset.done $0x0  }
0xaa: {  	[sflag:s22] =	ssyncadd.s32 s9;
	_ =	sdelay $0x1  }
0xab: {  	s23 =	simm.s32 $0x1B8B  }
0xac: {  	_ =	swait.ge [sflag:s23], $0x1  }
0xad: {  	[sflag:s23] =	ssyncset.done $0x0  }
0xae: {  	s25 =	simm.s32 $0x1B8E;
	s24 =	sld [smem:$0x3FFE];
	[sflag:s23] =	ssyncadd.s32 $0xFFFFFFFF  }
0xaf: {  	s26 =	simm.s32 $execute0_lowered;
	[smem:$0x3FD2] =	sst s25  }
0xb0: {  	s10 =	sshll.u32 s26, $0x1;
	_ =	strace $0x80000046;
	[dreg:$0x1] =	wrdreg $0xFFFFFFFF  }
0xb1: {  	s28 =	simm.s32 $_size_execute0_lowered;
	s8 =	sadd.s32 s8, s10;
	[dreg:$0x0] =	wrdreg $0x0  }
0xb2: {  	s10 =	sshll.u32 s28, $0x1;
	[dreg:$0x2] =	wrdreg s8  }
0xb3: {  	[dreg:$0x3] =	wrdreg s10  }
0xb4: {  	[dreg:$0x4] =	wrdreg $0xC0  }
0xb5: {  	_ =	task [dreg:s12], $0x5FFFF  }
0xb6: {  	[dreg:$0x1] =	wrdreg $0xFFFFFFFF  }
0xb7: {  	[dreg:$0x0] =	wrdreg $0x60  }
0xb8: {  	[dreg:$0x2] =	wrdreg s2  }
0xb9: {  	[dreg:$0x3] =	wrdreg s15  }
0xba: {  	[dreg:$0x4] =	wrdreg s5  }
0xbb: {  	[dreg:$0x5] =	wrdreg s6  }
0xbc: {  	[dreg:$0x6] =	wrdreg s24  }
0xbd: {  	[dreg:$0x7] =	wrdreg s7  }
0xbe: {  	[dreg:$0x8] =	wrdreg s16  }
0xbf: {  	[dreg:$0x9] =	wrdreg $0x9  }
0xc0: {  	_ =	task.clear_ibuf [dreg:s12], $0xAFFFF;
	_ =	strace $0x90000046  }
0xc1: {  	s29 =	simm.s32 $0x9;
	_ =	strace $0x80000048  }
0xc2: {  	_ =	swait.ge [sflag:s29], $0x1  }
0xc3: {  	[sflag:s29] =	ssyncadd.s32 $0xFFFFFFFF  }
0xc4: {  	_ =	strace $0x90000048  }
0xc5: {  	_ =	sfence  }
0xc6: {  	s30 =	sld [smem:$0x0];
	_ =	sdelay $0x2  }
0xc7: {  	s31 =	sshll.u32 s1, $0xD;
	s1 =	sshrl.u32 s1, $0x2  }
0xc8: {  	s3 =	sand.u32 $0x4000, s31;
	s1 =	sadd.s32 s1, s30  }
0xc9: {  	s0 =	sor.u32 s3, s0;
	s1 =	sshll.u32 s1, $0x11  }
0xca: {  	s0 =	sor.u32 s1, s0  }
0xcb: {  	s0 =	sadd.s32 $0x8F2B, s0  }
0xcc: {  	[sflag:s0] =	ssyncadd.remote.s32 $0x1  }
0xcd: {  	_ =	sfence.sel $0xFFFF  }
0xce: {  	[dreg:$0x0] =	wrdreg $0xFFFFFFFF;
	(pc) =	sbr.abs _section_cstart, $3  }
0xcf: {  	[dreg:$0x1] =	wrdreg $0xFFFFFFFF  }
0xd0: {  	_ =	task.clear_ibuf [dreg:s12], $0x2FFFF;
	_ =	strace $0x9FFFFFFF  }
0xd1: {  	(tm) =	ssettm $0x7FFFFFFF  }
tec
execute0_lowered:
.L_overlay_start_1:
0x0: {  	(tag) =	ssettag $0x1  }
0x1: {  	s1 =	rddreg [dreg:$0x0]  }
0x2: {  	s3 =	rddreg [dreg:$0x1]  }
0x3: {  	s10 =	rddreg [dreg:$0x2]  }
0x4: {  	s0 =	rddreg [dreg:$0x3]  }
0x5: {  	s8 =	rddreg [dreg:$0x4];
	v0 =	vimm.s32 $0xFEDCBA98;
	s2 =	srdreg.scid;
	v1 =	vimm.s32 $0x76543210  }
0x6: {  	s4 =	stileid.u32;
	s12 =	rddreg [dreg:$0x6];
	v2 =	vimm.s32 $0x3210FEDC;
	v3 =	vimm.s32 $0xBA987654;
	v4 =	vimm.s32 $0x10FEDCBA  }
0x7: {  	v5 =	vimm.s32 $0x98765432;
	s17 =	simm.s32 $0x400;
	s18 =	simm.s32 $0x600;
	s19 =	simm.s32 $0x10800  }
0x8: {  	v6 =	vimm.s32 $0xFEDCBA9;
	v7 =	vimm.s32 $0x87654321;
	s20 =	simm.s32 $0x80;
	s21 =	simm.s32 $0x800;
	s22 =	simm.s32 $0x4800  }
0x9: {  	vm0 =	vmmov $0x1;
	vm1 =	vmmov $0x3;
	vm2 =	vmmov $0x7;
	s23 =	simm.s32 $0x8800;
	s24 =	simm.s32 $0xC800;
	s28 =	simm.s32 $0x10A80  }
0xa: {  	vm3 =	vmmov $0xf;
	vm4 =	vmmov $0x1f;
	vm5 =	vmmov $0x3f;
	s29 =	simm.s32 $0x0;
	s9 =	sand.u32 $0x1, s2;
	s25 =	sshll.u32 s4, $0x1  }
0xb: {  	vm6 =	vmmov $0x7f;
	vm7 =	vmmov $0xff;
	vm8 =	vmmov $0x1ff;
	s2 =	simm.s32 $0x0;
	s13 =	sshrl.u32 s4, $0x2;
	s4 =	sadd.s32 $0x18F800, s8  }
0xc: {  	vm9 =	vmmov $0x3ff;
	vm10 =	vmmov $0x7ff;
	vm11 =	vmmov $0xfff;
	s6 =	sadd.s32 $0xE00, s8;
	s11 =	sor.u32 s9, s25;
	[smem:$0x7FF] =	sst s2  }
0xd: {  	v0 =	vunpack.c.l.s4.s8 v0;
	v1 =	vunpack.c.l.s4.s8 v1;
	v2 =	vunpack.c.l.s4.s8 v2;
	s5 =	sshll.u32 s13, $0xA;
	s30 =	ssub.s32 $0x2, s9;
	s13 =	sshll.u32 s13, $0xC  }
0xe: {  	v3 =	vunpack.c.l.s4.s8 v3;
	v4 =	vunpack.c.l.s4.s8 v4;
	v5 =	vunpack.c.l.s4.s8 v5;
	s25 =	simm.s32 $0x1;
	s26 =	sshll.u32 s11, $0x7;
	_ =	strace $0x80000047  }
0xf: {  	v6 =	vunpack.c.l.s4.s8 v6;
	v7 =	vunpack.c.l.s4.s8 v7;
	v0 =	vunpack.c.0.s8.s32 v0;
	s9 =	sshrl.u32 s30, $0x1;
	s11 =	sshll.u32 s11, $0x6;
	s14 =	sand.u32 $0x380, s26  }
0x10: {  	v2 =	vunpack.c.0.s8.s32 v2;
	v3 =	vunpack.c.0.s8.s32 v3;
	v4 =	vunpack.c.0.s8.s32 v4;
	s16 =	ssub.s32 s30, s9;
	s9 =	sadd.s32 s3, s11;
	s10 =	sadd.s32 s10, s11  }
0x11: {  	v5 =	vunpack.c.0.s8.s32 v5;
	v6 =	vunpack.c.0.s8.s32 v6;
	v7 =	vunpack.c.0.s8.s32 v7;
	s26 =	simm.s32 $0x10880;
	s7 =	sor.u32 s5, s14;
	s5 =	sadd.s32 $0x8E00, s8  }
0x12: {  	vm12 =	vmmov $0x1fff;
	v1 =	vunpack.c.0.s8.s32 v1;
	v2 =	vcombine.low v3, v2;
	s31 =	sor.u32 s13, s14;
	s14 =	smax.u32 s16, $0x1;
	s15 =	sshrl.u32 s7, $0x3  }
0x13: {  	v3 =	vcombine.low v5, v4;
	v4 =	vcombine.low v7, v6;
	v0 =	vand.u32 $0xF, v0;
	s16 =	simm.s32 $0x200;
	s7 =	sadd.s32 $0x4E00, s8;
	s15 =	sadd.s32 s15, s8  }
0x14: {  	vm13 =	vmmov $0x3fff;
	vm14 =	vmmov $0x7fff;
	v0 =	vcombine.low v0, v1;
	s8 =	sadd.s32 s1, s11;
	s1 =	sshrl.u32 s31, $0x3;
	s11 =	sadd.s32 s0, s11  }
0x15: {  	v1 =	vand.u32 $0xF, v2;
	v2 =	vand.u32 $0xF, v3;
	v3 =	vand.u32 $0xF, v4;
	s12 =	sadd.s32 s12, s1;
	s13 =	sadd.s32 $0x10D1C00, s15;
	s15 =	simm.s32 $0x2  }
.LBB2_1:
0x16: {  	[tilespmem:s2], [sflag:$0x2] =	stream.linear.gather [hbm4b:s8+s2], $0x200, $0x38;
	[tilespmem:$0x10B00] =	vst v63  }
0x17: {  	_ =	swait.ge [sflag:s15], $0x200  }
0x18: {  	[sflag:s15] =	ssyncset.done $0x0  }
0x19: {  	[sflag:s15] =	ssyncadd.s32 $0xFFFFFE00  }
0x1a: {  	[tilespmem:s16], [sflag:$0x2] =	stream.linear.gather [hbm4b:s9+s2], $0x200, $0x38;
	[tilespmem:$0x10B00] =	vst v63  }
0x1b: {  	_ =	swait.ge [sflag:s15], $0x200  }
0x1c: {  	[sflag:s15] =	ssyncset.done $0x0  }
0x1d: {  	[sflag:s15] =	ssyncadd.s32 $0xFFFFFE00  }
0x1e: {  	[tilespmem:s17], [sflag:$0x2] =	stream.linear.gather [hbm4b:s10+s2], $0x200, $0x38;
	[tilespmem:$0x10B00] =	vst v63  }
0x1f: {  	_ =	swait.ge [sflag:s15], $0x200  }
0x20: {  	[sflag:s15] =	ssyncset.done $0x0  }
0x21: {  	[sflag:s15] =	ssyncadd.s32 $0xFFFFFE00  }
0x22: {  	[tilespmem:s18], [sflag:$0x2] =	stream.linear.gather [hbm4b:s11+s2], $0x200, $0x38;
	[tilespmem:$0x10B00] =	vst v63  }
0x23: {  	_ =	swait.ge [sflag:s15], $0x200  }
0x24: {  	[sflag:s15] =	ssyncset.done $0x0  }
0x25: {  	[sflag:s15] =	ssyncadd.s32 $0xFFFFFE00  }
0x26: {  	s0 =	rddreg [dreg:$0x5]  }
0x27: {  	[tilespmem:s19], [sflag:$0x2] =	stream.linear.gather [hbm4b:s0+s2], $0x80, $0x38;
	[tilespmem:$0x10B00] =	vst v63  }
0x28: {  	_ =	swait.ge [sflag:s15], $0x80  }
0x29: {  	[sflag:s15] =	ssyncset.done $0x0  }
0x2a: {  	[sflag:s15] =	ssyncadd.s32 $0xFFFFFF80  }
0x2b: {  	v5 =	vimm.f32 $0.0e+00;
	s31 =	simm.s32 $0x0;
	s0 =	simm.s32 $0x10880;
	v4 =	vld [tilespmem:$0x10800]  }
.LBB2_2:
0x2c: {  	s1 =	sshll.u32 s31, $0x7  }
0x2d: {  	[tilespmem:s21], [sflag:$0x1] =	stream.indirect.gather [hbm4b:s4+s20], $0x80, s1, s20, $0xb8;
	[tilespmem:$0x10B00] =	vst v63  }
0x2e: {  	s3 =	sadd.s32 $0x200, s1  }
0x2f: {  	[tilespmem:s22], [sflag:$0x1] =	stream.indirect.gather [hbm4b:s5+s20], $0x80, s3, s20, $0xb8;
	[tilespmem:$0x10B00] =	vst v63  }
0x30: {  	s3 =	sadd.s32 $0x400, s1  }
0x31: {  	[tilespmem:s23], [sflag:$0x1] =	stream.indirect.gather [hbm4b:s6+s20], $0x80, s3, s20, $0xb8;
	[tilespmem:$0x10B00] =	vst v63  }
0x32: {  	s1 =	sadd.s32 $0x600, s1  }
0x33: {  	[tilespmem:s24], [sflag:$0x1] =	stream.indirect.gather [hbm4b:s7+s20], $0x80, s1, s20, $0xb8;
	[tilespmem:$0x10B00] =	vst v63  }
0x34: {  	_ =	swait.ge [sflag:s25], $0x4000  }
0x35: {  	[sflag:s25] =	ssyncset.done $0x0  }
0x36: {  	[sflag:s25] =	ssyncadd.s32 $0xFFFFC000  }
0x37: {  	_ =	swait.ge [sflag:s25], $0x4000  }
0x38: {  	[sflag:s25] =	ssyncset.done $0x0  }
0x39: {  	[sflag:s25] =	ssyncadd.s32 $0xFFFFC000  }
0x3a: {  	_ =	swait.ge [sflag:s25], $0x4000  }
0x3b: {  	[sflag:s25] =	ssyncset.done $0x0  }
0x3c: {  	[sflag:s25] =	ssyncadd.s32 $0xFFFFC000  }
0x3d: {  	_ =	swait.ge [sflag:s25], $0x4000  }
0x3e: {  	[sflag:s25] =	ssyncset.done $0x0  }
0x3f: {  	s30 =	smov.u32 s0;
	s3 =	simm.s32 $0x0;
	[sflag:s25] =	ssyncadd.s32 $0xFFFFC000  }
.LBB2_3:
0x40: {  	s1 =	sshra.s32 s3, $0x2  }
0x41: {  	v25 =	vld [tilespmem:s1+$0x800];
	_ =	sdelay $0x1  }
0x42: {  	v27 =	vld [tilespmem:s1+$0x810];
	_ =	sdelay $0x1  }
0x43: {  	v23 =	vld [tilespmem:s1+$0x820]  }
0x44: {  	v6 =	vmul.f32 v25, v25  }
0x45: {  	v26 =	vld [tilespmem:s1+$0x830]  }
0x46: {  	v5 =	vadd.f32 v6, v5;
	v6 =	vmul.f32 v27, v27  }
0x47: {  	v56 =	vld [tilespmem:s1+$0x4800]  }
0x48: {  	v5 =	vadd.f32 v6, v5;
	v6 =	vmul.f32 v23, v23  }
0x49: {  	v57 =	vld [tilespmem:s1+$0x4810]  }
0x4a: {  	v5 =	vadd.f32 v6, v5;
	v6 =	vmul.f32 v26, v26  }
0x4b: {  	v32 =	vld [tilespmem:s1+$0x8800]  }
0x4c: {  	v5 =	vadd.f32 v6, v5;
	v6 =	vmul.f32 v56, v56  }
0x4d: {  	v28 =	vld [tilespmem:s1+$0xC800]  }
0x4e: {  	v5 =	vadd.f32 v6, v5;
	v6 =	vmul.f32 v57, v57  }
0x4f: {  	v29 =	vld [tilespmem:s1+$0x880]  }
0x50: {  	v5 =	vadd.f32 v6, v5;
	v6 =	vmul.f32 v32, v32  }
0x51: {  	v36 =	vld [tilespmem:s1+$0x890]  }
0x52: {  	v5 =	vadd.f32 v6, v5;
	v6 =	vmul.f32 v28, v28  }
0x53: {  	v17 =	vld [tilespmem:s1+$0x8A0]  }
0x54: {  	v5 =	vadd.f32 v6, v5;
	v6 =	vmul.f32 v29, v29  }
0x55: {  	v14 =	vld [tilespmem:s1+$0x8B0]  }
0x56: {  	v5 =	vadd.f32 v6, v5;
	v6 =	vmul.f32 v36, v36  }
0x57: {  	v48 =	vld [tilespmem:s1+$0x4880]  }
0x58: {  	v5 =	vadd.f32 v6, v5;
	v6 =	vmul.f32 v17, v17  }
0x59: {  	v50 =	vld [tilespmem:s1+$0x4890]  }
0x5a: {  	v5 =	vadd.f32 v6, v5;
	v6 =	vmul.f32 v14, v14  }
0x5b: {  	v47 =	vld [tilespmem:s1+$0x8880]  }
0x5c: {  	v5 =	vadd.f32 v6, v5;
	v6 =	vmul.f32 v48, v48  }
0x5d: {  	v43 =	vld [tilespmem:s1+$0xC880]  }
0x5e: {  	v5 =	vadd.f32 v6, v5;
	v6 =	vmul.f32 v50, v50  }
0x5f: {  	v38 =	vld [tilespmem:s1+$0x900]  }
0x60: {  	v5 =	vadd.f32 v6, v5;
	v6 =	vmul.f32 v47, v47  }
0x61: {  	v40 =	vld [tilespmem:s1+$0x910]  }
0x62: {  	v5 =	vadd.f32 v6, v5;
	v6 =	vmul.f32 v43, v43  }
0x63: {  	v34 =	vld [tilespmem:s1+$0x920]  }
0x64: {  	v5 =	vadd.f32 v6, v5;
	v6 =	vmul.f32 v38, v38  }
0x65: {  	v16 =	vld [tilespmem:s1+$0x930]  }
0x66: {  	v5 =	vadd.f32 v6, v5;
	v6 =	vmul.f32 v40, v40  }
0x67: {  	v52 =	vld [tilespmem:s1+$0x4900]  }
0x68: {  	v5 =	vadd.f32 v6, v5;
	v6 =	vmul.f32 v34, v34  }
0x69: {  	v53 =	vld [tilespmem:s1+$0x4910]  }
0x6a: {  	v5 =	vadd.f32 v6, v5;
	v6 =	vmul.f32 v16, v16  }
0x6b: {  	v49 =	vld [tilespmem:s1+$0x8900]  }
0x6c: {  	v5 =	vadd.f32 v6, v5;
	v6 =	vmul.f32 v52, v52  }
0x6d: {  	v45 =	vld [tilespmem:s1+$0xC900]  }
0x6e: {  	v5 =	vadd.f32 v6, v5;
	v6 =	vmul.f32 v53, v53  }
0x6f: {  	v41 =	vld [tilespmem:s1+$0x980]  }
0x70: {  	v5 =	vadd.f32 v6, v5;
	v6 =	vmul.f32 v49, v49  }
0x71: {  	v44 =	vld [tilespmem:s1+$0x990]  }
0x72: {  	v5 =	vadd.f32 v6, v5;
	v6 =	vmul.f32 v45, v45  }
0x73: {  	v37 =	vld [tilespmem:s1+$0x9A0]  }
0x74: {  	v5 =	vadd.f32 v6, v5;
	v6 =	vmul.f32 v41, v41  }
0x75: {  	v18 =	vld [tilespmem:s1+$0x9B0]  }
0x76: {  	v5 =	vadd.f32 v6, v5;
	v6 =	vmul.f32 v44, v44  }
0x77: {  	v54 =	vld [tilespmem:s1+$0x4980]  }
0x78: {  	v5 =	vadd.f32 v6, v5;
	v6 =	vmul.f32 v37, v37  }
0x79: {  	v55 =	vld [tilespmem:s1+$0x4990]  }
0x7a: {  	v5 =	vadd.f32 v6, v5;
	v6 =	vmul.f32 v18, v18  }
0x7b: {  	v51 =	vld [tilespmem:s1+$0x8980]  }
0x7c: {  	v5 =	vadd.f32 v6, v5;
	v6 =	vmul.f32 v54, v54  }
0x7d: {  	v46 =	vld [tilespmem:s1+$0xC980]  }
0x7e: {  	v5 =	vadd.f32 v6, v5;
	v6 =	vmul.f32 v55, v55  }
0x7f: {  	v30 =	vld [tilespmem:s1+$0xA00]  }
0x80: {  	v5 =	vadd.f32 v6, v5;
	v6 =	vmul.f32 v51, v51  }
0x81: {  	v31 =	vld [tilespmem:s1+$0xA10]  }
0x82: {  	v5 =	vadd.f32 v6, v5;
	v6 =	vmul.f32 v46, v46  }
0x83: {  	v24 =	vld [tilespmem:s1+$0xA20]  }
0x84: {  	v5 =	vadd.f32 v6, v5;
	v6 =	vmul.f32 v30, v30  }
0x85: {  	v19 =	vld [tilespmem:s1+$0xA30]  }
0x86: {  	v5 =	vadd.f32 v6, v5;
	v6 =	vmul.f32 v31, v31  }
0x87: {  	v39 =	vld [tilespmem:s1+$0x4A00]  }
0x88: {  	v5 =	vadd.f32 v6, v5;
	v6 =	vmul.f32 v24, v24  }
0x89: {  	v42 =	vld [tilespmem:s1+$0x4A10]  }
0x8a: {  	v5 =	vadd.f32 v6, v5;
	v6 =	vmul.f32 v19, v19  }
0x8b: {  	v35 =	vld [tilespmem:s1+$0x8A00]  }
0x8c: {  	v5 =	vadd.f32 v6, v5;
	v6 =	vmul.f32 v39, v39  }
0x8d: {  	v33 =	vld [tilespmem:s1+$0xCA00]  }
0x8e: {  	v5 =	vadd.f32 v6, v5;
	v6 =	vmul.f32 v42, v42  }
0x8f: {  	v9 =	vld [tilespmem:s1+$0xA80]  }
0x90: {  	v5 =	vadd.f32 v6, v5;
	v6 =	vmul.f32 v35, v35  }
0x91: {  	v11 =	vld [tilespmem:s1+$0xA90]  }
0x92: {  	v7 =	vmul.f32 v33, v33;
	v5 =	vadd.f32 v6, v5  }
0x93: {  	v6 =	vld [tilespmem:s1+$0xAA0]  }
0x94: {  	v8 =	vmul.f32 v9, v9;
	v7 =	vadd.f32 v7, v5  }
0x95: {  	v5 =	vld [tilespmem:s1+$0xAB0]  }
0x96: {  	v13 =	vmul.f32 v11, v11;
	v7 =	vadd.f32 v8, v7  }
0x97: {  	v20 =	vld [tilespmem:s1+$0x4A80]  }
0x98: {  	v15 =	vmul.f32 v6, v6;
	v7 =	vadd.f32 v13, v7  }
0x99: {  	v22 =	vld [tilespmem:s1+$0x4A90]  }
0x9a: {  	v58 =	vmul.f32 v5, v5;
	v7 =	vadd.f32 v15, v7  }
0x9b: {  	v15 =	vld [tilespmem:s1+$0x8A80]  }
0x9c: {  	v59 =	vmul.f32 v20, v20;
	v7 =	vadd.f32 v58, v7  }
0x9d: {  	v12 =	vld [tilespmem:s1+$0xCA80]  }
0x9e: {  	v60 =	vmul.f32 v22, v22;
	v7 =	vadd.f32 v59, v7  }
0x9f: {  	v10 =	vld [tilespmem:s1+$0xB00]  }
0xa0: {  	v61 =	vmul.f32 v15, v15;
	v7 =	vadd.f32 v60, v7  }
0xa1: {  	v13 =	vld [tilespmem:s1+$0xB10]  }
0xa2: {  	v21 =	vmul.f32 v12, v12;
	v8 =	vadd.f32 v61, v7  }
0xa3: {  	v7 =	vld [tilespmem:s1+$0xB20]  }
0xa4: {  	v58 =	vmul.f32 v10, v10;
	v21 =	vadd.f32 v21, v8  }
0xa5: {  	v8 =	vld [tilespmem:s1+$0xB30]  }
0xa6: {  	v59 =	vmul.f32 v13, v13;
	v58 =	vadd.f32 v58, v21  }
0xa7: {  	v21 =	vld [tilespmem:s1+$0x4B00]  }
0xa8: {  	v56 =	vmul.f32 v56, v25;
	v25 =	vld [tilespmem:s1+$0x4B10];
	v62 =	vmul.f32 v7, v7;
	v58 =	vadd.f32 v59, v58  }
0xa9: {  	v27 =	vmul.f32 v57, v27;
	v57 =	vld [tilespmem:s1+$0x4840]  }
0xaa: {  	v32 =	vmul.f32 v32, v23;
	v23 =	vld [tilespmem:s1+$0x8B00];
	v63 =	vmul.f32 v8, v8;
	v58 =	vadd.f32 v62, v58  }
0xab: {  	v27 =	vadd.f32 v27, v56;
	v60 =	vld [tilespmem:s1+$0x840]  }
0xac: {  	v62 =	vmul.f32 v21, v21;
	v61 =	vadd.f32 v63, v58  }
0xad: {  	v27 =	vadd.f32 v32, v27;
	v28 =	vmul.f32 v28, v26;
	v26 =	vld [tilespmem:s1+$0xCB00]  }
0xae: {  	v63 =	vadd.f32 v62, v61;
	v61 =	vmul.f32 v25, v25  }
0xaf: {  	v28 =	vadd.f32 v28, v27;
	v27 =	vld [tilespmem:s1+$0xB80]  }
0xb0: {  	v57 =	vmul.f32 v57, v60;
	v62 =	vmul.f32 v23, v23;
	v56 =	vadd.f32 v61, v63  }
0xb1: {  	v32 =	vld [tilespmem:s1+$0xB90]  }
0xb2: {  	v57 =	vadd.f32 v28, v57;
	v28 =	vld [tilespmem:s1+$0xBA0];
	v58 =	vmul.f32 v26, v26;
	v56 =	vadd.f32 v62, v56  }
0xb3: {  	v20 =	vmul.f32 v20, v9;
	v11 =	vmul.f32 v22, v11;
	v59 =	vld [tilespmem:s1+$0x8C0]  }
0xb4: {  	v60 =	vperm.xlane v57, v0;
	v61 =	vld [tilespmem:s1+$0x48C0];
	v63 =	vmul.f32 v27, v27;
	v56 =	vadd.f32 v58, v56  }
0xb5: {  	v36 =	vmul.f32 v50, v36;
	v48 =	vmul.f32 v48, v29;
	v29 =	vld [tilespmem:s1+$0xBB0]  }
0xb6: {  	v57 =	vadd.f32 v57, v60;
	v50 =	vadd.f32 v63, v56;
	v56 =	vmul.f32 v32, v32  }
0xb7: {  	v17 =	vmul.f32 v47, v17;
	v14 =	vmul.f32 v43, v14;
	v48 =	vadd.f32 v36, v48;
	v36 =	vld [tilespmem:s1+$0x4B80]  }
0xb8: {  	v58 =	vperm.xlane v57, v1;
	v63 =	vmul.f32 v28, v28;
	v62 =	vadd.f32 v56, v50  }
0xb9: {  	v17 =	vadd.f32 v17, v48;
	v43 =	vld [tilespmem:s1+$0x4B90];
	v41 =	vmul.f32 v54, v41;
	v48 =	vmul.f32 v61, v59  }
0xba: {  	v60 =	vld [tilespmem:s1+$0x940];
	v56 =	vadd.f32 v57, v58;
	v47 =	vadd.f32 v63, v62;
	v62 =	vmul.f32 v29, v29  }
0xbb: {  	v14 =	vadd.f32 v14, v17;
	v58 =	vmul.f32 v53, v40;
	v40 =	vld [tilespmem:s1+$0x8B80];
	v63 =	vmul.f32 v52, v38  }
0xbc: {  	v61 =	vmul.f32 v36, v36;
	v57 =	vld [tilespmem:s1+$0x4940];
	v59 =	vperm.xlane v56, v2;
	v50 =	vadd.f32 v62, v47  }
0xbd: {  	v44 =	vmul.f32 v55, v44;
	v62 =	vadd.f32 v58, v63;
	v63 =	vmul.f32 v49, v34;
	v47 =	vld [tilespmem:s1+$0xCB80]  }
0xbe: {  	v38 =	vadd.f32 v56, v59;
	v58 =	vmul.f32 v43, v43;
	v56 =	vadd.f32 v61, v50  }
0xbf: {  	v16 =	vmul.f32 v45, v16;
	v48 =	vadd.f32 v14, v48;
	v14 =	vld [tilespmem:s1+$0xC00];
	v17 =	vadd.f32 v63, v62  }
0xc0: {  	v41 =	vadd.f32 v44, v41;
	v62 =	vmul.f32 v40, v40;
	v34 =	vadd.f32 v58, v56  }
0xc1: {  	v59 =	vperm.xlane v48, v0;
	v60 =	vmul.f32 v57, v60;
	v17 =	vadd.f32 v16, v17;
	v16 =	vld [tilespmem:s1+$0xC10]  }
0xc2: {  	v37 =	vmul.f32 v51, v37;
	v61 =	vld [tilespmem:s1+$0x9C0];
	v53 =	vmul.f32 v47, v47;
	v34 =	vadd.f32 v62, v34  }
0xc3: {  	v30 =	vmul.f32 v39, v30;
	v48 =	vadd.f32 v48, v59;
	v45 =	vadd.f32 v17, v60;
	v17 =	vld [tilespmem:s1+$0xC20]  }
0xc4: {  	v31 =	vmul.f32 v42, v31;
	v55 =	vmul.f32 v14, v14;
	v63 =	vld [tilespmem:s1+$0x49C0];
	v34 =	vadd.f32 v53, v34  }
0xc5: {  	v37 =	vadd.f32 v37, v41;
	v46 =	vmul.f32 v46, v18;
	v18 =	vld [tilespmem:s1+$0xC30];
	v54 =	vperm.xlane v48, v1  }
0xc6: {  	v30 =	vadd.f32 v31, v30;
	v58 =	vmul.f32 v16, v16;
	v57 =	vadd.f32 v55, v34  }
0xc7: {  	v24 =	vmul.f32 v35, v24;
	v59 =	vperm.xlane v38, v3;
	v44 =	vadd.f32 v48, v54;
	v34 =	vld [tilespmem:s1+$0x4C00]  }
0xc8: {  	v56 =	vperm.xlane v45, v0;
	v62 =	vmul.f32 v17, v17;
	v48 =	vadd.f32 v58, v57  }
0xc9: {  	v50 =	vadd.f32 v38, v59;
	v60 =	vadd.f32 v46, v37;
	v37 =	vld [tilespmem:s1+$0x4C10];
	v61 =	vmul.f32 v63, v61  }
0xca: {  	v38 =	vld [tilespmem:s1+$0x8C00];
	v41 =	vadd.f32 v45, v56;
	v56 =	vmul.f32 v18, v18;
	v48 =	vadd.f32 v62, v48  }
0xcb: {  	v20 =	vadd.f32 v11, v20;
	v30 =	vadd.f32 v24, v30;
	v19 =	vmul.f32 v33, v19  }
0xcc: {  	v35 =	vld [tilespmem:s1+$0xCC00];
	v45 =	vadd.f32 v60, v61;
	v59 =	vmul.f32 v34, v34;
	v48 =	vadd.f32 v56, v48  }
0xcd: {  	v19 =	vadd.f32 v19, v30;
	v12 =	vmul.f32 v12, v5;
	v6 =	vmul.f32 v15, v6;
	v55 =	vld [tilespmem:s1+$0xA40]  }
0xce: {  	v61 =	vmul.f32 v37, v37;
	v57 =	vperm.xlane v45, v0;
	v58 =	vld [tilespmem:s1+$0x4A40];
	v60 =	vadd.f32 v59, v48  }
0xcf: {  	v24 =	vld [tilespmem:s1+$0xC80];
	v13 =	vmul.f32 v25, v13;
	v20 =	vadd.f32 v6, v20;
	v52 =	vmul.f32 v38, v38  }
0xd0: {  	v54 =	vperm.xlane v41, v1;
	v39 =	vadd.f32 v45, v57;
	v45 =	vadd.f32 v61, v60  }
0xd1: {  	v31 =	vld [tilespmem:s1+$0xC90];
	v12 =	vadd.f32 v12, v20;
	v7 =	vmul.f32 v23, v7;
	v63 =	vperm.xlane v44, v2  }
0xd2: {  	v41 =	vadd.f32 v41, v54;
	v54 =	vmul.f32 v35, v35;
	v45 =	vadd.f32 v52, v45  }
0xd3: {  	v30 =	vld [tilespmem:s1+$0xCA0];
	v8 =	vmul.f32 v26, v8;
	v44 =	vadd.f32 v44, v63;
	v42 =	vmul.f32 v58, v55  }
0xd4: {  	v26 =	vld [tilespmem:s1+$0xD20];
	v62 =	vperm.xlane v41, v2;
	v56 =	vmul.f32 v24, v24;
	v45 =	vadd.f32 v54, v45  }
0xd5: {  	v10 =	vmul.f32 v21, v10;
	v63 =	vperm.xlane v44, v3;
	v42 =	vadd.f32 v19, v42;
	v19 =	vld [tilespmem:s1+$0xCB0]  }
0xd6: {  	v41 =	vadd.f32 v41, v62;
	v59 =	vmul.f32 v31, v31;
	v45 =	vadd.f32 v56, v45  }
0xd7: {  	v9 =	vld [tilespmem:s1+$0x4C80];
	v10 =	vadd.f32 v13, v10;
	v33 =	vadd.f32 v44, v63;
	v53 =	vperm.xlane v39, v1  }
0xd8: {  	v11 =	vld [tilespmem:s1+$0x4C90];
	v63 =	vmul.f32 v30, v30;
	v55 =	vperm.xlane v41, v3;
	v62 =	vadd.f32 v59, v45  }
0xd9: {  	v5 =	vld [tilespmem:s1+$0xCC80];
	v46 =	vmul.f32 v26, v26;
	v33 =	vsel vm0, v50, v33;
	v39 =	vadd.f32 v39, v53  }
0xda: {  	v6 =	vld [tilespmem:s1+$0x8C80];
	v41 =	vadd.f32 v41, v55;
	v51 =	vmul.f32 v19, v19;
	v50 =	vadd.f32 v63, v62  }
0xdb: {  	v13 =	vld [tilespmem:s1+$0xD00];
	v7 =	vadd.f32 v7, v10;
	v57 =	vperm.xlane v39, v2;
	v58 =	vperm.xlane v42, v0  }
0xdc: {  	v10 =	vld [tilespmem:s1+$0x4D00];
	v15 =	vsel vm1, v33, v41;
	v54 =	vmul.f32 v9, v9;
	v41 =	vadd.f32 v51, v50  }
0xdd: {  	v49 =	vld [tilespmem:s1+$0x4AC0];
	v16 =	vmul.f32 v37, v16;
	v14 =	vmul.f32 v34, v14;
	v60 =	vadd.f32 v42, v58  }
0xde: {  	v61 =	vld [tilespmem:s1+$0xAC0];
	v39 =	vadd.f32 v39, v57;
	v57 =	vmul.f32 v11, v11;
	v56 =	vadd.f32 v54, v41  }
0xdf: {  	v7 =	vadd.f32 v8, v7;
	v38 =	vmul.f32 v38, v17;
	v53 =	vld [tilespmem:s1+$0xB40];
	v52 =	vperm.xlane v60, v1  }
0xe0: {  	v14 =	vadd.f32 v16, v14;
	v55 =	vld [tilespmem:s1+$0x4B40];
	v59 =	vmul.f32 v6, v6;
	v21 =	vadd.f32 v57, v56  }
0xe1: {  	v42 =	vmul.f32 v47, v29;
	v22 =	vadd.f32 v60, v52;
	v60 =	vmul.f32 v36, v27;
	v27 =	vld [tilespmem:s1+$0xD10]  }
0xe2: {  	v48 =	vperm.xlane v39, v3;
	v63 =	vmul.f32 v5, v5;
	v21 =	vadd.f32 v59, v21  }
0xe3: {  	v14 =	vadd.f32 v38, v14;
	v33 =	vmul.f32 v49, v61;
	v61 =	vmul.f32 v43, v32  }
0xe4: {  	v39 =	vadd.f32 v39, v48;
	v41 =	vmul.f32 v13, v13;
	v21 =	vadd.f32 v63, v21  }
0xe5: {  	v29 =	vld [tilespmem:s1+$0xD30];
	v12 =	vadd.f32 v12, v33;
	v36 =	vmul.f32 v40, v28;
	v20 =	vmul.f32 v55, v53  }
0xe6: {  	v53 =	vmul.f32 v10, v10;
	v43 =	vmul.f32 v27, v27;
	v21 =	vadd.f32 v41, v21  }
0xe7: {  	v58 =	vld [tilespmem:s1+$0xBC0];
	v15 =	vsel vm2, v15, v39;
	v33 =	vadd.f32 v61, v60;
	v40 =	vperm.xlane v12, v0  }
0xe8: {  	v44 =	vperm.xlane v22, v2;
	v7 =	vadd.f32 v7, v20;
	v62 =	vld [tilespmem:s1+$0x4BC0];
	v21 =	vadd.f32 v43, v21  }
0xe9: {  	v32 =	vld [tilespmem:s1+$0x4D10];
	v6 =	vmul.f32 v6, v30;
	v8 =	vadd.f32 v36, v33;
	v12 =	vadd.f32 v12, v40  }
0xea: {  	v25 =	vld [tilespmem:s1+$0x8D00];
	v22 =	vadd.f32 v22, v44;
	v50 =	vmul.f32 v29, v29;
	v49 =	vadd.f32 v46, v21  }
0xeb: {  	v23 =	vld [tilespmem:s1+$0xD80];
	v5 =	vmul.f32 v5, v19;
	v48 =	vperm.xlane v7, v0;
	v8 =	vadd.f32 v42, v8  }
0xec: {  	v39 =	vld [tilespmem:s1+$0xD90];
	v47 =	vperm.xlane v12, v1;
	v51 =	vperm.xlane v22, v3;
	v20 =	vadd.f32 v50, v49  }
0xed: {  	v36 =	vld [tilespmem:s1+$0xCD00];
	v7 =	vadd.f32 v7, v48;
	v42 =	vmul.f32 v35, v18;
	v45 =	vmul.f32 v62, v58  }
0xee: {  	v40 =	vld [tilespmem:s1+$0xDB0];
	v12 =	vadd.f32 v12, v47;
	v56 =	vmul.f32 v32, v32;
	v20 =	vadd.f32 v53, v20  }
0xef: {  	v22 =	vadd.f32 v22, v51;
	v55 =	vperm.xlane v7, v1;
	v47 =	vld [tilespmem:s1+$0x4D90];
	v8 =	vadd.f32 v8, v45  }
0xf0: {  	v62 =	vld [tilespmem:s1+$0x4C40];
	v57 =	vmul.f32 v25, v25;
	v54 =	vperm.xlane v12, v2;
	v20 =	vadd.f32 v56, v20  }
0xf1: {  	v7 =	vadd.f32 v7, v55;
	v15 =	vsel vm3, v15, v22;
	v22 =	vld [tilespmem:s1+$0xDA0];
	v52 =	vperm.xlane v8, v0  }
0xf2: {  	v60 =	vmul.f32 v36, v36;
	v55 =	vld [tilespmem:s1+$0xCD80];
	v12 =	vadd.f32 v12, v54;
	v20 =	vadd.f32 v57, v20  }
0xf3: {  	v59 =	vld [tilespmem:s1+$0xC40];
	v33 =	vperm.xlane v7, v2;
	v54 =	vmul.f32 v11, v31;
	v8 =	vadd.f32 v8, v52  }
0xf4: {  	v63 =	vmul.f32 v23, v23;
	v16 =	vmul.f32 v47, v39;
	v20 =	vadd.f32 v60, v20  }
0xf5: {  	v44 =	vld [tilespmem:s1+$0xCC0];
	v14 =	vadd.f32 v42, v14;
	v58 =	vperm.xlane v12, v3;
	v28 =	vperm.xlane v8, v1  }
0xf6: {  	v48 =	vld [tilespmem:s1+$0x4CC0];
	v7 =	vadd.f32 v7, v33;
	v41 =	vmul.f32 v39, v39;
	v20 =	vadd.f32 v63, v20  }
0xf7: {  	v45 =	vmul.f32 v22, v22;
	v11 =	vmul.f32 v55, v40;
	v43 =	vld [tilespmem:s1+$0x4D80];
	v8 =	vadd.f32 v8, v28  }
0xf8: {  	v33 =	vperm.xlane v7, v3;
	v28 =	vmul.f32 v62, v59;
	v20 =	vadd.f32 v41, v20  }
0xf9: {  	v12 =	vadd.f32 v12, v58;
	v59 =	vmul.f32 v10, v13;
	v13 =	vld [tilespmem:s1+$0xE00];
	v61 =	vperm.xlane v8, v2  }
0xfa: {  	v58 =	vmul.f32 v47, v47;
	v10 =	vld [tilespmem:s1+$0xE20];
	v49 =	vmul.f32 v40, v40;
	v20 =	vadd.f32 v45, v20  }
0xfb: {  	v12 =	vsel vm4, v15, v12;
	v7 =	vadd.f32 v7, v33;
	v50 =	vld [tilespmem:s1+$0x8D80];
	v8 =	vadd.f32 v8, v61  }
0xfc: {  	v15 =	vmul.f32 v48, v44;
	v52 =	vmul.f32 v43, v43;
	v20 =	vadd.f32 v49, v20  }
0xfd: {  	v33 =	vmul.f32 v36, v29;
	v46 =	vperm.xlane v8, v3  }
0xfe: {  	v19 =	vld [tilespmem:s1+$0x4E00];
	v7 =	vsel vm5, v12, v7;
	v14 =	vadd.f32 v14, v28;
	v20 =	vadd.f32 v52, v20  }
0xff: {  	v53 =	vmul.f32 v9, v24;
	v24 =	vld [tilespmem:s1+$0xE10];
	v34 =	vmul.f32 v13, v13;
	v8 =	vadd.f32 v8, v46  }
0x100: {  	v30 =	vld [tilespmem:s1+$0x4DC0];
	v37 =	vmul.f32 v10, v10;
	v62 =	vmul.f32 v50, v50;
	v20 =	vadd.f32 v58, v20  }
0x101: {  	v51 =	vld [tilespmem:s1+$0xD40];
	v56 =	vperm.xlane v14, v0;
	v7 =	vsel vm6, v7, v8;
	v8 =	vadd.f32 v54, v53  }
0x102: {  	v21 =	vld [tilespmem:s1+$0xE30];
	v60 =	vmul.f32 v32, v27;
	v32 =	vmul.f32 v55, v55;
	v20 =	vadd.f32 v62, v20  }
0x103: {  	v61 =	vld [tilespmem:s1+$0xDC0];
	v13 =	vmul.f32 v19, v13;
	v12 =	vmul.f32 v50, v22;
	v14 =	vadd.f32 v14, v56  }
0x104: {  	v57 =	vld [tilespmem:s1+$0x4D40];
	v35 =	vmul.f32 v24, v24;
	v6 =	vadd.f32 v6, v8;
	v20 =	vadd.f32 v32, v20  }
0x105: {  	v22 =	vld [tilespmem:s1+$0xE90];
	v42 =	vperm.xlane v14, v1;
	v9 =	vadd.f32 v60, v59;
	v63 =	vmul.f32 v25, v26  }
0x106: {  	v5 =	vadd.f32 v5, v6;
	v6 =	vmul.f32 v43, v23;
	v20 =	vadd.f32 v34, v20  }
0x107: {  	v18 =	vld [tilespmem:s1+$0xE40];
	v39 =	vmul.f32 v21, v21;
	v14 =	vadd.f32 v14, v42;
	v9 =	vadd.f32 v63, v9  }
0x108: {  	v31 =	vld [tilespmem:s1+$0x4EC0];
	v8 =	vmul.f32 v30, v61;
	v6 =	vadd.f32 v16, v6;
	v20 =	vadd.f32 v35, v20  }
0x109: {  	v36 =	vmul.f32 v57, v51;
	v16 =	vld [tilespmem:s1+$0x4E10];
	v5 =	vadd.f32 v5, v15;
	v9 =	vadd.f32 v33, v9  }
0x10a: {  	v29 =	vld [tilespmem:s1+$0xEC0];
	v59 =	vmul.f32 v22, v22;
	v6 =	vadd.f32 v12, v6;
	v20 =	vadd.f32 v37, v20  }
0x10b: {  	v48 =	vperm.xlane v14, v2;
	v12 =	vld [tilespmem:s1+$0x8E00];
	v38 =	vperm.xlane v5, v0;
	v9 =	vadd.f32 v9, v36  }
0x10c: {  	v54 =	vld [tilespmem:s1+$0x8E80];
	v41 =	vmul.f32 v19, v19;
	v6 =	vadd.f32 v11, v6;
	v40 =	vadd.f32 v39, v20  }
0x10d: {  	v23 =	vld [tilespmem:s1+$0xCE00];
	v14 =	vadd.f32 v14, v48;
	v5 =	vadd.f32 v5, v38;
	v25 =	vperm.xlane v9, v0  }
0x10e: {  	v27 =	vld [tilespmem:s1+$0xEB0];
	v44 =	vmul.f32 v16, v16;
	v6 =	vadd.f32 v6, v8;
	v17 =	vadd.f32 v41, v40  }
0x10f: {  	v56 =	vperm.xlane v14, v3;
	v11 =	vld [tilespmem:s1+$0xE80];
	v43 =	vperm.xlane v5, v1;
	v9 =	vadd.f32 v9, v25  }
0x110: {  	v60 =	vld [tilespmem:s1+$0xF10];
	v47 =	vmul.f32 v12, v12;
	v46 =	vperm.xlane v6, v0;
	v17 =	vadd.f32 v44, v17  }
0x111: {  	v42 =	vld [tilespmem:s1+$0x4F00];
	v14 =	vadd.f32 v14, v56;
	v5 =	vadd.f32 v5, v43;
	v45 =	vperm.xlane v9, v1  }
0x112: {  	v26 =	vld [tilespmem:s1+$0xCF80];
	v51 =	vmul.f32 v23, v23;
	v6 =	vadd.f32 v6, v46;
	v17 =	vadd.f32 v47, v17  }
0x113: {  	v16 =	vmul.f32 v16, v24;
	v8 =	vld [tilespmem:s1+$0xEA0];
	v50 =	vperm.xlane v5, v2;
	v9 =	vadd.f32 v9, v45  }
0x114: {  	v57 =	vld [tilespmem:s1+$0xF00];
	v55 =	vmul.f32 v11, v11;
	v53 =	vperm.xlane v6, v1;
	v17 =	vadd.f32 v51, v17  }
0x115: {  	v63 =	vld [tilespmem:s1+$0xF20];
	v56 =	vmul.f32 v31, v29;
	v5 =	vadd.f32 v5, v50;
	v52 =	vperm.xlane v9, v2  }
0x116: {  	v15 =	vld [tilespmem:s1+$0x4E40];
	v7 =	vsel vm7, v7, v14;
	v6 =	vadd.f32 v6, v53;
	v17 =	vadd.f32 v55, v17  }
0x117: {  	v25 =	vld [tilespmem:s1+$0x4E80];
	v10 =	vmul.f32 v12, v10;
	v58 =	vperm.xlane v5, v3;
	v9 =	vadd.f32 v9, v52  }
0x118: {  	v49 =	vld [tilespmem:s1+$0x4E90];
	v38 =	vmul.f32 v8, v8;
	v62 =	vperm.xlane v6, v2;
	v17 =	vadd.f32 v59, v17  }
0x119: {  	v24 =	vld [tilespmem:s1+$0x4F10];
	v46 =	vmul.f32 v23, v21;
	v5 =	vadd.f32 v5, v58;
	v61 =	vperm.xlane v9, v3  }
0x11a: {  	v12 =	vld [tilespmem:s1+$0x8F00];
	v6 =	vadd.f32 v6, v62;
	v41 =	vmul.f32 v27, v27;
	v17 =	vadd.f32 v38, v17  }
0x11b: {  	v21 =	vld [tilespmem:s1+$0xF80];
	v8 =	vmul.f32 v54, v8;
	v5 =	vsel vm8, v7, v5;
	v9 =	vadd.f32 v9, v61  }
0x11c: {  	v20 =	vld [tilespmem:s1+$0xCE80];
	v7 =	vperm.xlane v6, v3;
	v44 =	vmul.f32 v25, v25;
	v43 =	vadd.f32 v41, v17  }
0x11d: {  	v45 =	vld [tilespmem:s1+$0x4F40];
	v48 =	vmul.f32 v25, v11;
	v50 =	vmul.f32 v54, v54;
	v5 =	vsel vm9, v5, v9  }
0x11e: {  	v11 =	vld [tilespmem:s1+$0x4F80];
	v6 =	vadd.f32 v6, v7;
	v47 =	vmul.f32 v49, v49;
	v9 =	vadd.f32 v44, v43  }
0x11f: {  	v54 =	vmul.f32 v24, v60;
	v53 =	vmul.f32 v42, v57;
	v39 =	vld [tilespmem:s1+$0xF30];
	v7 =	vadd.f32 v16, v13  }
0x120: {  	v40 =	vld [tilespmem:s1+$0xF40];
	v5 =	vsel vm10, v5, v6;
	v49 =	vmul.f32 v49, v22;
	v6 =	vadd.f32 v47, v9  }
0x121: {  	v58 =	vmul.f32 v60, v60;
	v16 =	vld [tilespmem:s1+$0xF90];
	v7 =	vadd.f32 v10, v7;
	v52 =	vmul.f32 v20, v20  }
0x122: {  	v51 =	vmul.f32 v15, v18;
	v10 =	vadd.f32 v49, v48;
	v15 =	vld [tilespmem:s1+$0x4F90];
	v6 =	vadd.f32 v50, v6  }
0x123: {  	v60 =	vmul.f32 v11, v21;
	v62 =	vmul.f32 v63, v63;
	v22 =	vld [tilespmem:s1+$0xFA0]  }
0x124: {  	v8 =	vadd.f32 v8, v10;
	v55 =	vmul.f32 v57, v57;
	v10 =	vld [tilespmem:s1+$0x8F80];
	v6 =	vadd.f32 v52, v6  }
0x125: {  	v13 =	vadd.f32 v54, v53;
	v20 =	vmul.f32 v20, v27;
	v7 =	vadd.f32 v46, v7;
	v17 =	vld [tilespmem:s1+$0xCF00]  }
0x126: {  	v35 =	vmul.f32 v39, v39;
	v18 =	vld [tilespmem:s1+$0xFB0];
	v57 =	vmul.f32 v12, v63;
	v6 =	vadd.f32 v55, v6  }
0x127: {  	v7 =	vadd.f32 v7, v51;
	v63 =	vld [tilespmem:s1+$0x4FC0];
	v8 =	vadd.f32 v20, v8;
	v61 =	vmul.f32 v15, v16  }
0x128: {  	v14 =	vmul.f32 v45, v40;
	v59 =	vld [tilespmem:s1+$0xFC0];
	v13 =	vadd.f32 v57, v13;
	v6 =	vadd.f32 v58, v6  }
0x129: {  	v38 =	vperm.xlane v7, v0;
	v27 =	vadd.f32 v61, v60;
	v34 =	vmul.f32 v10, v22  }
0x12a: {  	v8 =	vadd.f32 v8, v56;
	v33 =	vmul.f32 v17, v39;
	v6 =	vadd.f32 v62, v6  }
0x12b: {  	v37 =	vmul.f32 v26, v18;
	v7 =	vadd.f32 v7, v38;
	v36 =	vadd.f32 v34, v27  }
0x12c: {  	v40 =	vmul.f32 v42, v42;
	v13 =	vadd.f32 v33, v13;
	v6 =	vadd.f32 v35, v6  }
0x12d: {  	v42 =	vperm.xlane v8, v0;
	v20 =	vmul.f32 v63, v59;
	v39 =	vadd.f32 v37, v36  }
0x12e: {  	v43 =	vmul.f32 v24, v24;
	v41 =	vadd.f32 v13, v14;
	v6 =	vadd.f32 v40, v6  }
0x12f: {  	v44 =	vperm.xlane v7, v1;
	v8 =	vadd.f32 v8, v42;
	v19 =	vadd.f32 v39, v20  }
0x130: {  	v12 =	vmul.f32 v12, v12;
	v45 =	vperm.xlane v41, v0;
	v6 =	vadd.f32 v43, v6  }
0x131: {  	v7 =	vadd.f32 v7, v44;
	v47 =	vperm.xlane v8, v1;
	v46 =	vperm.xlane v19, v0  }
0x132: {  	v48 =	vmul.f32 v17, v17;
	v9 =	vadd.f32 v41, v45;
	v6 =	vadd.f32 v12, v6  }
0x133: {  	v51 =	vmul.f32 v21, v21;
	v49 =	vperm.xlane v7, v2;
	v14 =	vadd.f32 v19, v46  }
0x134: {  	v8 =	vadd.f32 v8, v47;
	v50 =	vperm.xlane v9, v1;
	v6 =	vadd.f32 v48, v6  }
0x135: {  	v53 =	vmul.f32 v16, v16;
	v7 =	vadd.f32 v7, v49;
	v19 =	vperm.xlane v14, v1  }
0x136: {  	v52 =	vperm.xlane v8, v2;
	v9 =	vadd.f32 v9, v50;
	v6 =	vadd.f32 v51, v6  }
0x137: {  	v56 =	vmul.f32 v22, v22;
	v54 =	vperm.xlane v7, v3;
	v14 =	vadd.f32 v14, v19  }
0x138: {  	v8 =	vadd.f32 v8, v52;
	v55 =	vperm.xlane v9, v2;
	v6 =	vadd.f32 v53, v6  }
0x139: {  	v59 =	vmul.f32 v18, v18;
	v7 =	vadd.f32 v7, v54;
	v57 =	vperm.xlane v14, v2  }
0x13a: {  	v58 =	vperm.xlane v8, v3;
	v9 =	vadd.f32 v9, v55;
	v6 =	vadd.f32 v56, v6  }
0x13b: {  	v11 =	vmul.f32 v11, v11;
	v5 =	vsel vm11, v5, v7;
	v14 =	vadd.f32 v14, v57  }
0x13c: {  	v7 =	vadd.f32 v8, v58;
	v60 =	vperm.xlane v9, v3;
	v6 =	vadd.f32 v59, v6  }
0x13d: {  	v62 =	vmul.f32 v15, v15;
	v61 =	vperm.xlane v14, v3  }
0x13e: {  	v5 =	vsel vm12, v5, v7;
	v7 =	vadd.f32 v9, v60;
	v6 =	vadd.f32 v11, v6  }
0x13f: {  	p0 =	sne.s32 s3, $0xE000;
	v63 =	vadd.f32 v14, v61  }
.Ltmp0:
0x140: {  	v5 =	vsel vm13, v5, v7;
	v7 =	vmul.f32 v10, v10;
	v6 =	vadd.f32 v62, v6;
	(pc) =	sbr.rel @p0 .LBB2_3-.Ltmp0, $3  }
0x141: {  	v5 =	vsel vm14, v5, v63  }
0x142: {  	v5 =	vadd.f32 v5, v4;
	v6 =	vadd.f32 v7, v6;
	v7 =	vmul.f32 v26, v26;
	_ =	sdelay $0x1  }
0x143: {  	s3 =	sadd.s32 $0x2000, s3;
	[tilespmem:s30+$0x0] =	vst v5;
	s30 =	sadd.s32 $0x10, s30;
	v5 =	vadd.f32 v7, v6  }
0x144: {  	s31 =	sadd.s32 $0x1, s31  }
0x145: {  	p0 =	sne.s32 s31, $0x4  }
.Ltmp1:
0x146: {  	_ = 	snop;
	(pc) =	sbr.rel @p0 .LBB2_2-.Ltmp1, $2  }
0x147: {  	_ =	sdelay $0x2  }
0x148: {  	s0 =	sadd.s32 $0x80, s0  }
0x149: {  	[tilespmem:$0x10A80] =	vst v5  }
0x14a: {  	[hbm4b:s12+s20] =	stream.strided.scatter [tilespmem:s26], [sflag:$0x2], $0x200, s17, s20, $0x38;
	[tilespmem:$0x10B00] =	vst v63  }
0x14b: {  	s29 =	sadd.s32 $0x1, s29;
	_ =	swait.ge [sflag:s15], $0x200  }
0x14c: {  	p0 =	sne.s32 s29, s14;
	[sflag:s15] =	ssyncset.done $0x0  }
.Ltmp2:
0x14d: {  	[sflag:s15] =	ssyncadd.s32 $0xFFFFFE00;
	(pc) =	sbr.rel @p0 .LBB2_1-.Ltmp2, $4  }
0x14e: {  	[hbm4b:s13+s2] =	stream.linear.scatter [tilespmem:s28], [sflag:$0x2], $0x80, $0x38;
	[tilespmem:$0x10B00] =	vst v63  }
0x14f: {  	_ =	swait.ge [sflag:s15], $0x80  }
0x150: {  	[sflag:s15] =	ssyncset.done $0x0  }
0x151: {  	[sflag:s15] =	ssyncadd.s32 $0xFFFFFF80  }
0x152: {  	_ =	sfence.sel $0x180000  }
0x153: {  	[bflag:$0x0] =	sbarrier.arrive $0xFFFF  }
0x154: {  	_ =	strace $0x90000047  }
0x155: {  	s0 =	stileid.u32;
	[bflag:$0x2] =	sbarrier.arrive $0xFFFF  }
0x156: {  	p0 =	sne.s32 s0, $0x0;
	s0 =	rddreg [dreg:$0x7]  }
0x157: {  	s0 =	sadd.s32 @!p0 $0x100000, s0  }
0x158: {  	[sflag:s0] =	ssyncadd.tile.s32 @!p0 $0x1;
	_ =	shalt  }
.Lfunc_end2:
_tile_overlayer_lowered:
.L_overlay_start_2:
0x159: {  	(tag) =	ssettag $0x2  }
0x15a: {  	s0 =	rddreg [dreg:$0x0];
	s2 =	stileid.u32  }
0x15b: {  	s1 =	rddreg [dreg:$0x1];
	p0 =	sne.s32 s2, $0x0  }
0x15c: {  	s3 =	rddreg [dreg:$0x2];
	[bflag:$0x3] =	sbarrier.arrive $0xFFFF;
	s2 =	simm.s32 @!p0 $0x1C02  }
0x15d: {  	[timem:s3], [sflag:s2] =	dma.local @!p0 [hbm:s0], s1  }
0x15e: {  	s0 =	simm.s32 @!p0 $0x2  }
0x15f: {  	_ =	swait.ge @!p0 [sflag:s0], s1  }
0x160: {  	s1 =	ssub.s32 @!p0 $0x0, s1;
	[sflag:s0] =	ssyncset.done @!p0 $0x0  }
0x161: {  	[sflag:s0] =	ssyncadd.s32 @!p0 s1  }
0x162: {  	[bflag:$0x3] =	sbarrier.arrive $0xFFFF  }
0x163: {  	_ =	shalt  }

</sc_bundles>
